<compile_context>
chip_gen: v7x
topology: tpu7x:2x2x1
jax: 0.10.2.dev20260603
libtpu: 0.0.44.dev20260713+nightly
codegen_flags: <defaults>
</compile_context>

<pallas_src>
import functools

import jax
import jax.numpy as jnp
from jax import lax
from jax.experimental import pallas as pl
from jax.experimental.pallas import tpu as pltpu
from jax.experimental.pallas import tpu_sc as plsc

MAXLEN = 200
D = 32
B = 4096
S = 200
NW = 32
BBLK = B // NW
LANES = 16
TPITCH = BBLK + 1

_mesh = plsc.VectorSubcoreMesh(core_axis_name="c", subcore_axis_name="s")


@functools.partial(
    pl.kernel,
    mesh=_mesh,
    out_type=jax.ShapeDtypeStruct((S, D // 8, B // 128, 8, 128), jnp.float32),
    compiler_params=pltpu.CompilerParams(
        use_tc_tiling_on_sc=False, needs_layout_passes=False,
        disable_bounds_checks=True),
    scratch_types=[
        pltpu.VMEM((S, BBLK), jnp.int32),
        pltpu.VMEM((MAXLEN, D), jnp.float32),
        pltpu.VMEM((BBLK, D), jnp.float32),
        pltpu.VMEM((BBLK, D), jnp.float32),
        pltpu.VMEM((BBLK, D), jnp.float32),
        pltpu.VMEM((BBLK, D), jnp.float32),
        pltpu.VMEM((D // 8, 8, TPITCH), jnp.float32),
        pltpu.VMEM((D // 8, 8, TPITCH), jnp.float32),
        pltpu.SemaphoreType.DMA,
        pltpu.SemaphoreType.DMA,
        pltpu.SemaphoreType.DMA,
        pltpu.SemaphoreType.DMA,
        pltpu.SemaphoreType.DMA,
        pltpu.SemaphoreType.DMA,
    ],
)
def _embed(xt_hbm, tok_hbm, pos_hbm, out_hbm, idx_v, pos_v, rows0, rows1, rows2, rows3,
           tbuf0, tbuf1, sem0, sem1, sem2, sem3, st0, st1):
    wid = lax.axis_index("s") * 2 + lax.axis_index("c")
    b0 = wid * BBLK

    pltpu.sync_copy(xt_hbm.at[:, pl.ds(b0, BBLK)], idx_v)
    pltpu.sync_copy(pos_hbm, pos_v)

    rows = (rows0, rows1, rows2, rows3)
    sems = (sem0, sem1, sem2, sem3)
    tbufs = (tbuf0, tbuf1)
    sts = (st0, st1)

    lane = lax.iota(jnp.int32, 16)
    dl = lax.rem(lane, 8)
    dt0 = lax.div(lane, 8)
    dts = (dt0, dt0 + 2)
    dls = (dl, dl)

    def gather_start(s, b):
        pltpu.async_copy(tok_hbm.at[idx_v.at[s]], rows[b], sems[b])

    def gather_wait(s, b):
        pltpu.make_async_copy(tok_hbm.at[idx_v.at[s]], rows[b], sems[b]).wait()

    def store_start(s, b):
        pltpu.async_copy(tbufs[b].at[:, :, pl.ds(0, BBLK)], out_hbm.at[s, :, wid],
                         sts[b])

    def store_wait(s, b):
        pltpu.make_async_copy(tbufs[b].at[:, :, pl.ds(0, BBLK)],
                              out_hbm.at[s, :, wid], sts[b]).wait()

    for k in range(4):
        gather_start(k, k)

    def chunk_body(ss, carry):
        for b in range(4):
            s = 4 * ss + b
            tb = b % 2
            gather_wait(s, b)
            @pl.when(s >= 2)
            def _(_s=s, _tb=tb):
                store_wait(_s - 2, _tb)

            p0 = pos_v[s, pl.ds(0, LANES)]
            p1 = pos_v[s, pl.ds(LANES, LANES)]

            def row_body(i, carry2, _b=b, _tb=tb, _p0=p0, _p1=p1):
                bi = jnp.full((LANES,), i, dtype=jnp.int32)
                v0 = rows[_b][i, pl.ds(0, LANES)] + _p0
                plsc.store_scatter(tbufs[_tb], [dts[0], dls[0], bi], v0)
                v1 = rows[_b][i, pl.ds(LANES, LANES)] + _p1
                plsc.store_scatter(tbufs[_tb], [dts[1], dls[1], bi], v1)
                return carry2

            lax.fori_loop(0, BBLK, row_body, 0, unroll=8)
            store_start(s, tb)

            @pl.when(s + 4 < S)
            def _(_s=s, _b=b):
                gather_start(_s + 4, _b)

        return carry

    lax.fori_loop(0, S // 4, chunk_body, 0)
    store_wait(S - 2, 0)
    store_wait(S - 1, 1)


def kernel(x, token_table, pos_table):
    xt = x.astype(jnp.int32).T
    out5 = _embed(xt, token_table, pos_table)
    return out5.transpose(2, 4, 0, 1, 3).reshape(B, S, D)

# --- scband reference (transcript-rebuilt; emitter-appended) ---
"""Pipeline reference for scband-token-and-position-embedding-64192581206557 (READ-ONLY COPY).

The authoritative reference and input builder live on the scoring server;
editing this copy changes nothing except your own understanding.
"""

import jax, jax.numpy as jnp
import numpy as np

VOCAB_SIZE = 1000000
MAXLEN = 200
EMBED_DIM = 32
BATCH = 4096
SEQ = 200


def setup_inputs(seed: int = 0) -> dict:
    key = jax.random.key(seed)
    k1, k2, k3 = jax.random.split(key, 3)
    x = jax.random.randint(k1, (BATCH, SEQ), 0, VOCAB_SIZE, dtype=jnp.int64 if jax.config.jax_enable_x64 else jnp.int32)
    token_table = jax.random.normal(k2, (VOCAB_SIZE, EMBED_DIM), dtype=jnp.float32) * 0.02
    pos_table = jax.random.normal(k3, (MAXLEN, EMBED_DIM), dtype=jnp.float32) * 0.02
    return {"x": x, "token_table": token_table, "pos_table": pos_table}


def reference(x, token_table, pos_table):
    # maxlen = x.size(1)
    seq_len = x.shape[1]
    positions = jnp.arange(0, seq_len, dtype=jnp.int32)
    # positions expanded to [B, S], then pos_emb lookup -> [B, S, D]
    positions = jnp.broadcast_to(positions[None, :], x.shape)
    pos = jnp.take(pos_table, positions, axis=0)
    tok = jnp.take(token_table, x, axis=0)
    return tok + pos

if __name__ == "__main__":
    import jax
    _d = setup_inputs()
    print(jax.jit(kernel)(*tuple(_d.values())))

</pallas_src>

<mosaic_0001>
#map = affine_map<(d0, d1) -> (0, 0)>
#map1 = affine_map<(d0, d1) -> (0, 0, 0, 0, 0)>
module attributes {stable_mosaic.version = 14 : i64} {
  func.func @_embed(%arg0: i32, %arg1: i32, %arg2: memref<200x4096xi32, #tpu.memory_space<hbm>>, %arg3: memref<1000000x32xf32, #tpu.memory_space<hbm>>, %arg4: memref<200x32xf32, #tpu.memory_space<hbm>>, %arg5: memref<200x4x32x8x128xf32, #tpu.memory_space<hbm>>, %arg6: memref<200x128xi32, #tpu.memory_space<vmem>>, %arg7: memref<200x32xf32, #tpu.memory_space<vmem>>, %arg8: memref<128x32xf32, #tpu.memory_space<vmem>>, %arg9: memref<128x32xf32, #tpu.memory_space<vmem>>, %arg10: memref<128x32xf32, #tpu.memory_space<vmem>>, %arg11: memref<128x32xf32, #tpu.memory_space<vmem>>, %arg12: memref<4x8x129xf32, #tpu.memory_space<vmem>>, %arg13: memref<4x8x129xf32, #tpu.memory_space<vmem>>, %arg14: memref<!tpu.dma_semaphore, #tpu.memory_space<semaphore_mem>>, %arg15: memref<!tpu.dma_semaphore, #tpu.memory_space<semaphore_mem>>, %arg16: memref<!tpu.dma_semaphore, #tpu.memory_space<semaphore_mem>>, %arg17: memref<!tpu.dma_semaphore, #tpu.memory_space<semaphore_mem>>, %arg18: memref<!tpu.dma_semaphore, #tpu.memory_space<semaphore_mem>>, %arg19: memref<!tpu.dma_semaphore, #tpu.memory_space<semaphore_mem>>) attributes {dimension_semantics = [#tpu.dimension_semantics<core_parallel>, #tpu.dimension_semantics<subcore_parallel>], iteration_bounds = array<i64: 2, 16>, scalar_prefetch = 0 : i64, scratch_operands = 14 : i64, tpu.core_type = #tpu.core_type<sc_vector_subcore>, window_params = [{transform_indices = #map}, {transform_indices = #map}, {transform_indices = #map}, {transform_indices = #map1}]} {
    %mul3A = arith.constant 2 : i32
    %mul3A_0 = arith.muli %arg1, %mul3A : i32
    %add3A = arith.addi %mul3A_0, %arg0 : i32
    %mul3A_1 = arith.constant 128 : i32
    %mul3A_2 = arith.muli %add3A, %mul3A_1 : i32
    "tpu.region"() ({
      %run_scoped3A = tpu.sem_alloc : memref<!tpu.dma_semaphore, #tpu.memory_space<semaphore_mem>>
      %dma_start3A_79 = arith.constant 0 : i32
      %dma_start3A_80 = tpu.memref_slice %arg2[%dma_start3A_79, %mul3A_2] : memref<200x4096xi32, #tpu.memory_space<hbm>> -> memref<200x128xi32, #tpu.memory_space<hbm>>
      %dma_start3A_81 = arith.constant 0 : i32
      %dma_start3A_82 = tpu.memref_slice %arg2[%dma_start3A_81, %mul3A_2] : memref<200x4096xi32, #tpu.memory_space<hbm>> -> memref<200x128xi32, #tpu.memory_space<hbm>>
      tpu.enqueue_dma source(%dma_start3A_82 : memref<200x128xi32, #tpu.memory_space<hbm>>) target(%arg6 : memref<200x128xi32, #tpu.memory_space<vmem>>) target_semaphore(%run_scoped3A : memref<!tpu.dma_semaphore, #tpu.memory_space<semaphore_mem>>)
      %dma_wait3A_83 = arith.constant 0 : i32
      %dma_wait3A_84 = tpu.memref_slice %arg2[%dma_wait3A_83, %mul3A_2] : memref<200x4096xi32, #tpu.memory_space<hbm>> -> memref<200x128xi32, #tpu.memory_space<hbm>>
      %dma_wait3A_85 = arith.constant 0 : i32
      %dma_wait3A_86 = tpu.memref_slice %arg2[%dma_wait3A_85, %mul3A_2] : memref<200x4096xi32, #tpu.memory_space<hbm>> -> memref<200x128xi32, #tpu.memory_space<hbm>>
      tpu.wait_dma2 semaphore(%run_scoped3A : memref<!tpu.dma_semaphore, #tpu.memory_space<semaphore_mem>>) src(%dma_wait3A_86 : memref<200x128xi32, #tpu.memory_space<hbm>>) dst(%arg6 : memref<200x128xi32, #tpu.memory_space<vmem>>)
      tpu.yield
    }) : () -> ()
    "tpu.region"() ({
      %run_scoped3A = tpu.sem_alloc : memref<!tpu.dma_semaphore, #tpu.memory_space<semaphore_mem>>
      tpu.enqueue_dma source(%arg4 : memref<200x32xf32, #tpu.memory_space<hbm>>) target(%arg7 : memref<200x32xf32, #tpu.memory_space<vmem>>) target_semaphore(%run_scoped3A : memref<!tpu.dma_semaphore, #tpu.memory_space<semaphore_mem>>)
      tpu.wait_dma2 semaphore(%run_scoped3A : memref<!tpu.dma_semaphore, #tpu.memory_space<semaphore_mem>>) src(%arg4 : memref<200x32xf32, #tpu.memory_space<hbm>>) dst(%arg7 : memref<200x32xf32, #tpu.memory_space<vmem>>)
      tpu.yield
    }) : () -> ()
    %iota3A = tpu.iota {dimensions = array<i32: 0>} : vector<16xi32>
    %rem3A = arith.constant 8 : i32
    %rem3A_3 = vector.broadcast %rem3A : i32 to vector<16xi32>
    %rem3A_4 = arith.remsi %iota3A, %rem3A_3 : vector<16xi32>
    %div3A = arith.constant 8 : i32
    %div3A_5 = vector.broadcast %div3A : i32 to vector<16xi32>
    %div3A_6 = arith.divsi %iota3A, %div3A_5 : vector<16xi32>
    %add3A_7 = arith.constant 2 : i32
    %add3A_8 = vector.broadcast %add3A_7 : i32 to vector<16xi32>
    %add3A_9 = arith.addi %div3A_6, %add3A_8 : vector<16xi32>
    %dma_start3A = arith.constant 0 : i32
    %dma_start3A_10 = arith.constant 0 : i32
    %dma_start3A_11 = tpu.memref_slice %arg6[%dma_start3A, %dma_start3A_10] : memref<200x128xi32, #tpu.memory_space<vmem>> -> memref<1x128xi32, #tpu.memory_space<vmem>>
    %dma_start3A_12 = tpu.memref_squeeze %dma_start3A_11 : memref<1x128xi32, #tpu.memory_space<vmem>> -> memref<128xi32, #tpu.memory_space<vmem>>
    %dma_start3A_13 = arith.constant 0 : i32
    %dma_start3A_14 = arith.constant 0 : i32
    %dma_start3A_15 = tpu.memref_slice %arg3[%dma_start3A_13, %dma_start3A_14] : memref<1000000x32xf32, #tpu.memory_space<hbm>> -> memref<1000000x32xf32, #tpu.memory_space<hbm>>
    tpu.enqueue_indirect_dma source(%dma_start3A_15 : memref<1000000x32xf32, #tpu.memory_space<hbm>>) target(%arg8 : memref<128x32xf32, #tpu.memory_space<vmem>>) offsets(%dma_start3A_12 : memref<128xi32, #tpu.memory_space<vmem>>) semaphore(%arg14 : memref<!tpu.dma_semaphore, #tpu.memory_space<semaphore_mem>>)
    %dma_start3A_16 = arith.constant 1 : i32
    %dma_start3A_17 = arith.constant 0 : i32
    %dma_start3A_18 = tpu.memref_slice %arg6[%dma_start3A_16, %dma_start3A_17] : memref<200x128xi32, #tpu.memory_space<vmem>> -> memref<1x128xi32, #tpu.memory_space<vmem>>
    %dma_start3A_19 = tpu.memref_squeeze %dma_start3A_18 : memref<1x128xi32, #tpu.memory_space<vmem>> -> memref<128xi32, #tpu.memory_space<vmem>>
    %dma_start3A_20 = arith.constant 0 : i32
    %dma_start3A_21 = arith.constant 0 : i32
    %dma_start3A_22 = tpu.memref_slice %arg3[%dma_start3A_20, %dma_start3A_21] : memref<1000000x32xf32, #tpu.memory_space<hbm>> -> memref<1000000x32xf32, #tpu.memory_space<hbm>>
    tpu.enqueue_indirect_dma source(%dma_start3A_22 : memref<1000000x32xf32, #tpu.memory_space<hbm>>) target(%arg9 : memref<128x32xf32, #tpu.memory_space<vmem>>) offsets(%dma_start3A_19 : memref<128xi32, #tpu.memory_space<vmem>>) semaphore(%arg15 : memref<!tpu.dma_semaphore, #tpu.memory_space<semaphore_mem>>)
    %dma_start3A_23 = arith.constant 2 : i32
    %dma_start3A_24 = arith.constant 0 : i32
    %dma_start3A_25 = tpu.memref_slice %arg6[%dma_start3A_23, %dma_start3A_24] : memref<200x128xi32, #tpu.memory_space<vmem>> -> memref<1x128xi32, #tpu.memory_space<vmem>>
    %dma_start3A_26 = tpu.memref_squeeze %dma_start3A_25 : memref<1x128xi32, #tpu.memory_space<vmem>> -> memref<128xi32, #tpu.memory_space<vmem>>
    %dma_start3A_27 = arith.constant 0 : i32
    %dma_start3A_28 = arith.constant 0 : i32
    %dma_start3A_29 = tpu.memref_slice %arg3[%dma_start3A_27, %dma_start3A_28] : memref<1000000x32xf32, #tpu.memory_space<hbm>> -> memref<1000000x32xf32, #tpu.memory_space<hbm>>
    tpu.enqueue_indirect_dma source(%dma_start3A_29 : memref<1000000x32xf32, #tpu.memory_space<hbm>>) target(%arg10 : memref<128x32xf32, #tpu.memory_space<vmem>>) offsets(%dma_start3A_26 : memref<128xi32, #tpu.memory_space<vmem>>) semaphore(%arg16 : memref<!tpu.dma_semaphore, #tpu.memory_space<semaphore_mem>>)
    %dma_start3A_30 = arith.constant 3 : i32
    %dma_start3A_31 = arith.constant 0 : i32
    %dma_start3A_32 = tpu.memref_slice %arg6[%dma_start3A_30, %dma_start3A_31] : memref<200x128xi32, #tpu.memory_space<vmem>> -> memref<1x128xi32, #tpu.memory_space<vmem>>
    %dma_start3A_33 = tpu.memref_squeeze %dma_start3A_32 : memref<1x128xi32, #tpu.memory_space<vmem>> -> memref<128xi32, #tpu.memory_space<vmem>>
    %dma_start3A_34 = arith.constant 0 : i32
    %dma_start3A_35 = arith.constant 0 : i32
    %dma_start3A_36 = tpu.memref_slice %arg3[%dma_start3A_34, %dma_start3A_35] : memref<1000000x32xf32, #tpu.memory_space<hbm>> -> memref<1000000x32xf32, #tpu.memory_space<hbm>>
    tpu.enqueue_indirect_dma source(%dma_start3A_36 : memref<1000000x32xf32, #tpu.memory_space<hbm>>) target(%arg11 : memref<128x32xf32, #tpu.memory_space<vmem>>) offsets(%dma_start3A_33 : memref<128xi32, #tpu.memory_space<vmem>>) semaphore(%arg17 : memref<!tpu.dma_semaphore, #tpu.memory_space<semaphore_mem>>)
    %scan3A = arith.constant 0 : i32
    %scan3A_37 = arith.constant 0 : i32
    %scan3A_38 = arith.constant 50 : i32
    %scan3A_39 = arith.addi %scan3A_37, %scan3A_38 : i32
    %scan3A_40 = arith.constant 1 : i32
    scf.for %scan3A_79 = %scan3A_37 to %scan3A_39 step %scan3A_40  : i32 {
      %mul3A_80 = arith.constant 4 : i32
      %mul3A_81 = arith.muli %mul3A_80, %scan3A_79 : i32
      %add3A_82 = arith.constant 0 : i32
      %add3A_83 = arith.addi %mul3A_81, %add3A_82 : i32
      %dma_wait3A_84 = arith.constant 0 : i32
      %dma_wait3A_85 = tpu.memref_slice %arg6[%add3A_83, %dma_wait3A_84] : memref<200x128xi32, #tpu.memory_space<vmem>> -> memref<1x128xi32, #tpu.memory_space<vmem>>
      %dma_wait3A_86 = tpu.memref_squeeze %dma_wait3A_85 : memref<1x128xi32, #tpu.memory_space<vmem>> -> memref<128xi32, #tpu.memory_space<vmem>>
      %dma_wait3A_87 = arith.constant 0 : i32
      %dma_wait3A_88 = arith.constant 0 : i32
      %dma_wait3A_89 = tpu.memref_slice %arg3[%dma_wait3A_87, %dma_wait3A_88] : memref<1000000x32xf32, #tpu.memory_space<hbm>> -> memref<1000000x32xf32, #tpu.memory_space<hbm>>
      tpu.wait_indirect_dma semaphore(%arg14 : memref<!tpu.dma_semaphore, #tpu.memory_space<semaphore_mem>>) src(%dma_wait3A_89 : memref<1000000x32xf32, #tpu.memory_space<hbm>>) dst(%arg8 : memref<128x32xf32, #tpu.memory_space<vmem>>)
      %ge3A = arith.constant 2 : i32
      %ge3A_90 = arith.cmpi sge, %add3A_83, %ge3A : i32
      %convert_element_type3A = arith.extui %ge3A_90 : i1 to i32
      %cond3A = arith.constant 0 : i32
      %cond3A_91 = arith.cmpi ne, %convert_element_type3A, %cond3A : i32
      scf.if %cond3A_91 {
        %sub3A = arith.constant 2 : i32
        %sub3A_283 = arith.subi %add3A_83, %sub3A : i32
        %dma_wait3A_284 = arith.constant 0 : i32
        %dma_wait3A_285 = arith.constant 0 : i32
        %dma_wait3A_286 = arith.constant 0 : i32
        %dma_wait3A_287 = tpu.memref_slice %arg12[%dma_wait3A_284, %dma_wait3A_285, %dma_wait3A_286] : memref<4x8x129xf32, #tpu.memory_space<vmem>> -> memref<4x8x128xf32, #tpu.memory_space<vmem>>
        %dma_wait3A_288 = arith.constant 0 : i32
        %dma_wait3A_289 = arith.constant 0 : i32
        %dma_wait3A_290 = arith.constant 0 : i32
        %dma_wait3A_291 = tpu.memref_slice %arg5[%sub3A_283, %dma_wait3A_288, %add3A, %dma_wait3A_289, %dma_wait3A_290] : memref<200x4x32x8x128xf32, #tpu.memory_space<hbm>> -> memref<1x4x1x8x128xf32, #tpu.memory_space<hbm>>
        %dma_wait3A_292 = tpu.memref_squeeze %dma_wait3A_291 : memref<1x4x1x8x128xf32, #tpu.memory_space<hbm>> -> memref<4x8x128xf32, #tpu.memory_space<hbm>>
        %dma_wait3A_293 = arith.constant 0 : i32
        %dma_wait3A_294 = arith.constant 0 : i32
        %dma_wait3A_295 = arith.constant 0 : i32
        %dma_wait3A_296 = tpu.memref_slice %arg5[%sub3A_283, %dma_wait3A_293, %add3A, %dma_wait3A_294, %dma_wait3A_295] : memref<200x4x32x8x128xf32, #tpu.memory_space<hbm>> -> memref<1x4x1x8x128xf32, #tpu.memory_space<hbm>>
        %dma_wait3A_297 = tpu.memref_squeeze %dma_wait3A_296 : memref<1x4x1x8x128xf32, #tpu.memory_space<hbm>> -> memref<4x8x128xf32, #tpu.memory_space<hbm>>
        %dma_wait3A_298 = arith.constant 0 : i32
        %dma_wait3A_299 = arith.constant 0 : i32
        %dma_wait3A_300 = arith.constant 0 : i32
        %dma_wait3A_301 = tpu.memref_slice %arg12[%dma_wait3A_298, %dma_wait3A_299, %dma_wait3A_300] : memref<4x8x129xf32, #tpu.memory_space<vmem>> -> memref<4x8x128xf32, #tpu.memory_space<vmem>>
        tpu.wait_dma2 semaphore(%arg18 : memref<!tpu.dma_semaphore, #tpu.memory_space<semaphore_mem>>) src(%dma_wait3A_301 : memref<4x8x128xf32, #tpu.memory_space<vmem>>) dst(%dma_wait3A_297 : memref<4x8x128xf32, #tpu.memory_space<hbm>>)
      } else {
      }
      %get3A = arith.index_cast %add3A_83 : i32 to index
      %get3A_92 = arith.constant 0 : index
      %get3A_93 = tpu.vector_load %arg7[%get3A, %get3A_92] {strides = array<i32>} : memref<200x32xf32, #tpu.memory_space<vmem>>, vector<16xf32>,
      %get3A_94 = arith.index_cast %add3A_83 : i32 to index
      %get3A_95 = arith.constant 16 : index
      %get3A_96 = tpu.vector_load %arg7[%get3A_94, %get3A_95] {strides = array<i32>} : memref<200x32xf32, #tpu.memory_space<vmem>>, vector<16xf32>,
      %scan3A_97 = arith.constant 0 : i32
      %scan3A_98 = arith.constant 0 : i32
      %scan3A_99 = arith.constant 128 : i32
      %scan3A_100 = arith.addi %scan3A_98, %scan3A_99 : i32
      %scan3A_101 = arith.constant 8 : i32
      scf.for %scan3A_283 = %scan3A_98 to %scan3A_100 step %scan3A_101  : i32 {
        %broadcast_in_dim3A = vector.broadcast %scan3A_283 : i32 to vector<16xi32>
        %get3A_284 = arith.index_cast %scan3A_283 : i32 to index
        %get3A_285 = arith.constant 0 : index
        %get3A_286 = tpu.vector_load %arg8[%get3A_284, %get3A_285] {strides = array<i32>} : memref<128x32xf32, #tpu.memory_space<vmem>>, vector<16xf32>,
        %add3A_287 = arith.addf %get3A_286, %get3A_93 : vector<16xf32>
        tpu.vector_store_idx %arg12[%div3A_6, %rem3A_4, %broadcast_in_dim3A], %add3A_287 : memref<4x8x129xf32, #tpu.memory_space<vmem>>[vector<16xi32>, vector<16xi32>, vector<16xi32>], vector<16xf32>,
        %get3A_288 = arith.index_cast %scan3A_283 : i32 to index
        %get3A_289 = arith.constant 16 : index
        %get3A_290 = tpu.vector_load %arg8[%get3A_288, %get3A_289] {strides = array<i32>} : memref<128x32xf32, #tpu.memory_space<vmem>>, vector<16xf32>,
        %add3A_291 = arith.addf %get3A_290, %get3A_96 : vector<16xf32>
        tpu.vector_store_idx %arg12[%add3A_9, %rem3A_4, %broadcast_in_dim3A], %add3A_291 : memref<4x8x129xf32, #tpu.memory_space<vmem>>[vector<16xi32>, vector<16xi32>, vector<16xi32>], vector<16xf32>,
        %scan3A_292 = arith.constant 1 : i32
        %scan3A_293 = arith.addi %scan3A_283, %scan3A_292 : i32
        %broadcast_in_dim3A_294 = vector.broadcast %scan3A_293 : i32 to vector<16xi32>
        %get3A_295 = arith.index_cast %scan3A_293 : i32 to index
        %get3A_296 = arith.constant 0 : index
        %get3A_297 = tpu.vector_load %arg8[%get3A_295, %get3A_296] {strides = array<i32>} : memref<128x32xf32, #tpu.memory_space<vmem>>, vector<16xf32>,
        %add3A_298 = arith.addf %get3A_297, %get3A_93 : vector<16xf32>
        tpu.vector_store_idx %arg12[%div3A_6, %rem3A_4, %broadcast_in_dim3A_294], %add3A_298 : memref<4x8x129xf32, #tpu.memory_space<vmem>>[vector<16xi32>, vector<16xi32>, vector<16xi32>], vector<16xf32>,
        %get3A_299 = arith.index_cast %scan3A_293 : i32 to index
        %get3A_300 = arith.constant 16 : index
        %get3A_301 = tpu.vector_load %arg8[%get3A_299, %get3A_300] {strides = array<i32>} : memref<128x32xf32, #tpu.memory_space<vmem>>, vector<16xf32>,
        %add3A_302 = arith.addf %get3A_301, %get3A_96 : vector<16xf32>
        tpu.vector_store_idx %arg12[%add3A_9, %rem3A_4, %broadcast_in_dim3A_294], %add3A_302 : memref<4x8x129xf32, #tpu.memory_space<vmem>>[vector<16xi32>, vector<16xi32>, vector<16xi32>], vector<16xf32>,
        %scan3A_303 = arith.constant 2 : i32
        %scan3A_304 = arith.addi %scan3A_283, %scan3A_303 : i32
        %broadcast_in_dim3A_305 = vector.broadcast %scan3A_304 : i32 to vector<16xi32>
        %get3A_306 = arith.index_cast %scan3A_304 : i32 to index
        %get3A_307 = arith.constant 0 : index
        %get3A_308 = tpu.vector_load %arg8[%get3A_306, %get3A_307] {strides = array<i32>} : memref<128x32xf32, #tpu.memory_space<vmem>>, vector<16xf32>,
        %add3A_309 = arith.addf %get3A_308, %get3A_93 : vector<16xf32>
        tpu.vector_store_idx %arg12[%div3A_6, %rem3A_4, %broadcast_in_dim3A_305], %add3A_309 : memref<4x8x129xf32, #tpu.memory_space<vmem>>[vector<16xi32>, vector<16xi32>, vector<16xi32>], vector<16xf32>,
        %get3A_310 = arith.index_cast %scan3A_304 : i32 to index
        %get3A_311 = arith.constant 16 : index
        %get3A_312 = tpu.vector_load %arg8[%get3A_310, %get3A_311] {strides = array<i32>} : memref<128x32xf32, #tpu.memory_space<vmem>>, vector<16xf32>,
        %add3A_313 = arith.addf %get3A_312, %get3A_96 : vector<16xf32>
        tpu.vector_store_idx %arg12[%add3A_9, %rem3A_4, %broadcast_in_dim3A_305], %add3A_313 : memref<4x8x129xf32, #tpu.memory_space<vmem>>[vector<16xi32>, vector<16xi32>, vector<16xi32>], vector<16xf32>,
        %scan3A_314 = arith.constant 3 : i32
        %scan3A_315 = arith.addi %scan3A_283, %scan3A_314 : i32
        %broadcast_in_dim3A_316 = vector.broadcast %scan3A_315 : i32 to vector<16xi32>
        %get3A_317 = arith.index_cast %scan3A_315 : i32 to index
        %get3A_318 = arith.constant 0 : index
        %get3A_319 = tpu.vector_load %arg8[%get3A_317, %get3A_318] {strides = array<i32>} : memref<128x32xf32, #tpu.memory_space<vmem>>, vector<16xf32>,
        %add3A_320 = arith.addf %get3A_319, %get3A_93 : vector<16xf32>
        tpu.vector_store_idx %arg12[%div3A_6, %rem3A_4, %broadcast_in_dim3A_316], %add3A_320 : memref<4x8x129xf32, #tpu.memory_space<vmem>>[vector<16xi32>, vector<16xi32>, vector<16xi32>], vector<16xf32>,
        %get3A_321 = arith.index_cast %scan3A_315 : i32 to index
        %get3A_322 = arith.constant 16 : index
        %get3A_323 = tpu.vector_load %arg8[%get3A_321, %get3A_322] {strides = array<i32>} : memref<128x32xf32, #tpu.memory_space<vmem>>, vector<16xf32>,
        %add3A_324 = arith.addf %get3A_323, %get3A_96 : vector<16xf32>
        tpu.vector_store_idx %arg12[%add3A_9, %rem3A_4, %broadcast_in_dim3A_316], %add3A_324 : memref<4x8x129xf32, #tpu.memory_space<vmem>>[vector<16xi32>, vector<16xi32>, vector<16xi32>], vector<16xf32>,
        %scan3A_325 = arith.constant 4 : i32
        %scan3A_326 = arith.addi %scan3A_283, %scan3A_325 : i32
        %broadcast_in_dim3A_327 = vector.broadcast %scan3A_326 : i32 to vector<16xi32>
        %get3A_328 = arith.index_cast %scan3A_326 : i32 to index
        %get3A_329 = arith.constant 0 : index
        %get3A_330 = tpu.vector_load %arg8[%get3A_328, %get3A_329] {strides = array<i32>} : memref<128x32xf32, #tpu.memory_space<vmem>>, vector<16xf32>,
        %add3A_331 = arith.addf %get3A_330, %get3A_93 : vector<16xf32>
        tpu.vector_store_idx %arg12[%div3A_6, %rem3A_4, %broadcast_in_dim3A_327], %add3A_331 : memref<4x8x129xf32, #tpu.memory_space<vmem>>[vector<16xi32>, vector<16xi32>, vector<16xi32>], vector<16xf32>,
        %get3A_332 = arith.index_cast %scan3A_326 : i32 to index
        %get3A_333 = arith.constant 16 : index
        %get3A_334 = tpu.vector_load %arg8[%get3A_332, %get3A_333] {strides = array<i32>} : memref<128x32xf32, #tpu.memory_space<vmem>>, vector<16xf32>,
        %add3A_335 = arith.addf %get3A_334, %get3A_96 : vector<16xf32>
        tpu.vector_store_idx %arg12[%add3A_9, %rem3A_4, %broadcast_in_dim3A_327], %add3A_335 : memref<4x8x129xf32, #tpu.memory_space<vmem>>[vector<16xi32>, vector<16xi32>, vector<16xi32>], vector<16xf32>,
        %scan3A_336 = arith.constant 5 : i32
        %scan3A_337 = arith.addi %scan3A_283, %scan3A_336 : i32
        %broadcast_in_dim3A_338 = vector.broadcast %scan3A_337 : i32 to vector<16xi32>
        %get3A_339 = arith.index_cast %scan3A_337 : i32 to index
        %get3A_340 = arith.constant 0 : index
        %get3A_341 = tpu.vector_load %arg8[%get3A_339, %get3A_340] {strides = array<i32>} : memref<128x32xf32, #tpu.memory_space<vmem>>, vector<16xf32>,
        %add3A_342 = arith.addf %get3A_341, %get3A_93 : vector<16xf32>
        tpu.vector_store_idx %arg12[%div3A_6, %rem3A_4, %broadcast_in_dim3A_338], %add3A_342 : memref<4x8x129xf32, #tpu.memory_space<vmem>>[vector<16xi32>, vector<16xi32>, vector<16xi32>], vector<16xf32>,
        %get3A_343 = arith.index_cast %scan3A_337 : i32 to index
        %get3A_344 = arith.constant 16 : index
        %get3A_345 = tpu.vector_load %arg8[%get3A_343, %get3A_344] {strides = array<i32>} : memref<128x32xf32, #tpu.memory_space<vmem>>, vector<16xf32>,
        %add3A_346 = arith.addf %get3A_345, %get3A_96 : vector<16xf32>
        tpu.vector_store_idx %arg12[%add3A_9, %rem3A_4, %broadcast_in_dim3A_338], %add3A_346 : memref<4x8x129xf32, #tpu.memory_space<vmem>>[vector<16xi32>, vector<16xi32>, vector<16xi32>], vector<16xf32>,
        %scan3A_347 = arith.constant 6 : i32
        %scan3A_348 = arith.addi %scan3A_283, %scan3A_347 : i32
        %broadcast_in_dim3A_349 = vector.broadcast %scan3A_348 : i32 to vector<16xi32>
        %get3A_350 = arith.index_cast %scan3A_348 : i32 to index
        %get3A_351 = arith.constant 0 : index
        %get3A_352 = tpu.vector_load %arg8[%get3A_350, %get3A_351] {strides = array<i32>} : memref<128x32xf32, #tpu.memory_space<vmem>>, vector<16xf32>,
        %add3A_353 = arith.addf %get3A_352, %get3A_93 : vector<16xf32>
        tpu.vector_store_idx %arg12[%div3A_6, %rem3A_4, %broadcast_in_dim3A_349], %add3A_353 : memref<4x8x129xf32, #tpu.memory_space<vmem>>[vector<16xi32>, vector<16xi32>, vector<16xi32>], vector<16xf32>,
        %get3A_354 = arith.index_cast %scan3A_348 : i32 to index
        %get3A_355 = arith.constant 16 : index
        %get3A_356 = tpu.vector_load %arg8[%get3A_354, %get3A_355] {strides = array<i32>} : memref<128x32xf32, #tpu.memory_space<vmem>>, vector<16xf32>,
        %add3A_357 = arith.addf %get3A_356, %get3A_96 : vector<16xf32>
        tpu.vector_store_idx %arg12[%add3A_9, %rem3A_4, %broadcast_in_dim3A_349], %add3A_357 : memref<4x8x129xf32, #tpu.memory_space<vmem>>[vector<16xi32>, vector<16xi32>, vector<16xi32>], vector<16xf32>,
        %scan3A_358 = arith.constant 7 : i32
        %scan3A_359 = arith.addi %scan3A_283, %scan3A_358 : i32
        %broadcast_in_dim3A_360 = vector.broadcast %scan3A_359 : i32 to vector<16xi32>
        %get3A_361 = arith.index_cast %scan3A_359 : i32 to index
        %get3A_362 = arith.constant 0 : index
        %get3A_363 = tpu.vector_load %arg8[%get3A_361, %get3A_362] {strides = array<i32>} : memref<128x32xf32, #tpu.memory_space<vmem>>, vector<16xf32>,
        %add3A_364 = arith.addf %get3A_363, %get3A_93 : vector<16xf32>
        tpu.vector_store_idx %arg12[%div3A_6, %rem3A_4, %broadcast_in_dim3A_360], %add3A_364 : memref<4x8x129xf32, #tpu.memory_space<vmem>>[vector<16xi32>, vector<16xi32>, vector<16xi32>], vector<16xf32>,
        %get3A_365 = arith.index_cast %scan3A_359 : i32 to index
        %get3A_366 = arith.constant 16 : index
        %get3A_367 = tpu.vector_load %arg8[%get3A_365, %get3A_366] {strides = array<i32>} : memref<128x32xf32, #tpu.memory_space<vmem>>, vector<16xf32>,
        %add3A_368 = arith.addf %get3A_367, %get3A_96 : vector<16xf32>
        tpu.vector_store_idx %arg12[%add3A_9, %rem3A_4, %broadcast_in_dim3A_360], %add3A_368 : memref<4x8x129xf32, #tpu.memory_space<vmem>>[vector<16xi32>, vector<16xi32>, vector<16xi32>], vector<16xf32>,
      }
      %scan3A_102 = arith.constant 128 : i32
      %dma_start3A_103 = arith.constant 0 : i32
      %dma_start3A_104 = arith.constant 0 : i32
      %dma_start3A_105 = arith.constant 0 : i32
      %dma_start3A_106 = tpu.memref_slice %arg12[%dma_start3A_103, %dma_start3A_104, %dma_start3A_105] : memref<4x8x129xf32, #tpu.memory_space<vmem>> -> memref<4x8x128xf32, #tpu.memory_space<vmem>>
      %dma_start3A_107 = arith.constant 0 : i32
      %dma_start3A_108 = arith.constant 0 : i32
      %dma_start3A_109 = arith.constant 0 : i32
      %dma_start3A_110 = tpu.memref_slice %arg5[%add3A_83, %dma_start3A_107, %add3A, %dma_start3A_108, %dma_start3A_109] : memref<200x4x32x8x128xf32, #tpu.memory_space<hbm>> -> memref<1x4x1x8x128xf32, #tpu.memory_space<hbm>>
      %dma_start3A_111 = tpu.memref_squeeze %dma_start3A_110 : memref<1x4x1x8x128xf32, #tpu.memory_space<hbm>> -> memref<4x8x128xf32, #tpu.memory_space<hbm>>
      %dma_start3A_112 = arith.constant 0 : i32
      %dma_start3A_113 = arith.constant 0 : i32
      %dma_start3A_114 = arith.constant 0 : i32
      %dma_start3A_115 = tpu.memref_slice %arg5[%add3A_83, %dma_start3A_112, %add3A, %dma_start3A_113, %dma_start3A_114] : memref<200x4x32x8x128xf32, #tpu.memory_space<hbm>> -> memref<1x4x1x8x128xf32, #tpu.memory_space<hbm>>
      %dma_start3A_116 = tpu.memref_squeeze %dma_start3A_115 : memref<1x4x1x8x128xf32, #tpu.memory_space<hbm>> -> memref<4x8x128xf32, #tpu.memory_space<hbm>>
      %dma_start3A_117 = arith.constant 0 : i32
      %dma_start3A_118 = arith.constant 0 : i32
      %dma_start3A_119 = arith.constant 0 : i32
      %dma_start3A_120 = tpu.memref_slice %arg12[%dma_start3A_117, %dma_start3A_118, %dma_start3A_119] : memref<4x8x129xf32, #tpu.memory_space<vmem>> -> memref<4x8x128xf32, #tpu.memory_space<vmem>>
      tpu.enqueue_dma source(%dma_start3A_120 : memref<4x8x128xf32, #tpu.memory_space<vmem>>) target(%dma_start3A_116 : memref<4x8x128xf32, #tpu.memory_space<hbm>>) target_semaphore(%arg18 : memref<!tpu.dma_semaphore, #tpu.memory_space<semaphore_mem>>)
      %add3A_121 = arith.constant 4 : i32
      %add3A_122 = arith.addi %add3A_83, %add3A_121 : i32
      %lt3A = arith.constant 200 : i32
      %lt3A_123 = arith.cmpi slt, %add3A_122, %lt3A : i32
      %convert_element_type3A_124 = arith.extui %lt3A_123 : i1 to i32
      %cond3A_125 = arith.constant 0 : i32
      %cond3A_126 = arith.cmpi ne, %convert_element_type3A_124, %cond3A_125 : i32
      scf.if %cond3A_126 {
        %add3A_283 = arith.constant 4 : i32
        %add3A_284 = arith.addi %add3A_83, %add3A_283 : i32
        %dma_start3A_285 = arith.constant 0 : i32
        %dma_start3A_286 = tpu.memref_slice %arg6[%add3A_284, %dma_start3A_285] : memref<200x128xi32, #tpu.memory_space<vmem>> -> memref<1x128xi32, #tpu.memory_space<vmem>>
        %dma_start3A_287 = tpu.memref_squeeze %dma_start3A_286 : memref<1x128xi32, #tpu.memory_space<vmem>> -> memref<128xi32, #tpu.memory_space<vmem>>
        %dma_start3A_288 = arith.constant 0 : i32
        %dma_start3A_289 = arith.constant 0 : i32
        %dma_start3A_290 = tpu.memref_slice %arg3[%dma_start3A_288, %dma_start3A_289] : memref<1000000x32xf32, #tpu.memory_space<hbm>> -> memref<1000000x32xf32, #tpu.memory_space<hbm>>
        tpu.enqueue_indirect_dma source(%dma_start3A_290 : memref<1000000x32xf32, #tpu.memory_space<hbm>>) target(%arg8 : memref<128x32xf32, #tpu.memory_space<vmem>>) offsets(%dma_start3A_287 : memref<128xi32, #tpu.memory_space<vmem>>) semaphore(%arg14 : memref<!tpu.dma_semaphore, #tpu.memory_space<semaphore_mem>>)
      } else {
      }
      %mul3A_127 = arith.constant 4 : i32
      %mul3A_128 = arith.muli %mul3A_127, %scan3A_79 : i32
      %add3A_129 = arith.constant 1 : i32
      %add3A_130 = arith.addi %mul3A_128, %add3A_129 : i32
      %dma_wait3A_131 = arith.constant 0 : i32
      %dma_wait3A_132 = tpu.memref_slice %arg6[%add3A_130, %dma_wait3A_131] : memref<200x128xi32, #tpu.memory_space<vmem>> -> memref<1x128xi32, #tpu.memory_space<vmem>>
      %dma_wait3A_133 = tpu.memref_squeeze %dma_wait3A_132 : memref<1x128xi32, #tpu.memory_space<vmem>> -> memref<128xi32, #tpu.memory_space<vmem>>
      %dma_wait3A_134 = arith.constant 0 : i32
      %dma_wait3A_135 = arith.constant 0 : i32
      %dma_wait3A_136 = tpu.memref_slice %arg3[%dma_wait3A_134, %dma_wait3A_135] : memref<1000000x32xf32, #tpu.memory_space<hbm>> -> memref<1000000x32xf32, #tpu.memory_space<hbm>>
      tpu.wait_indirect_dma semaphore(%arg15 : memref<!tpu.dma_semaphore, #tpu.memory_space<semaphore_mem>>) src(%dma_wait3A_136 : memref<1000000x32xf32, #tpu.memory_space<hbm>>) dst(%arg9 : memref<128x32xf32, #tpu.memory_space<vmem>>)
      %ge3A_137 = arith.constant 2 : i32
      %ge3A_138 = arith.cmpi sge, %add3A_130, %ge3A_137 : i32
      %convert_element_type3A_139 = arith.extui %ge3A_138 : i1 to i32
      %cond3A_140 = arith.constant 0 : i32
      %cond3A_141 = arith.cmpi ne, %convert_element_type3A_139, %cond3A_140 : i32
      scf.if %cond3A_141 {
        %sub3A = arith.constant 2 : i32
        %sub3A_283 = arith.subi %add3A_130, %sub3A : i32
        %dma_wait3A_284 = arith.constant 0 : i32
        %dma_wait3A_285 = arith.constant 0 : i32
        %dma_wait3A_286 = arith.constant 0 : i32
        %dma_wait3A_287 = tpu.memref_slice %arg13[%dma_wait3A_284, %dma_wait3A_285, %dma_wait3A_286] : memref<4x8x129xf32, #tpu.memory_space<vmem>> -> memref<4x8x128xf32, #tpu.memory_space<vmem>>
        %dma_wait3A_288 = arith.constant 0 : i32
        %dma_wait3A_289 = arith.constant 0 : i32
        %dma_wait3A_290 = arith.constant 0 : i32
        %dma_wait3A_291 = tpu.memref_slice %arg5[%sub3A_283, %dma_wait3A_288, %add3A, %dma_wait3A_289, %dma_wait3A_290] : memref<200x4x32x8x128xf32, #tpu.memory_space<hbm>> -> memref<1x4x1x8x128xf32, #tpu.memory_space<hbm>>
        %dma_wait3A_292 = tpu.memref_squeeze %dma_wait3A_291 : memref<1x4x1x8x128xf32, #tpu.memory_space<hbm>> -> memref<4x8x128xf32, #tpu.memory_space<hbm>>
        %dma_wait3A_293 = arith.constant 0 : i32
        %dma_wait3A_294 = arith.constant 0 : i32
        %dma_wait3A_295 = arith.constant 0 : i32
        %dma_wait3A_296 = tpu.memref_slice %arg5[%sub3A_283, %dma_wait3A_293, %add3A, %dma_wait3A_294, %dma_wait3A_295] : memref<200x4x32x8x128xf32, #tpu.memory_space<hbm>> -> memref<1x4x1x8x128xf32, #tpu.memory_space<hbm>>
        %dma_wait3A_297 = tpu.memref_squeeze %dma_wait3A_296 : memref<1x4x1x8x128xf32, #tpu.memory_space<hbm>> -> memref<4x8x128xf32, #tpu.memory_space<hbm>>
        %dma_wait3A_298 = arith.constant 0 : i32
        %dma_wait3A_299 = arith.constant 0 : i32
        %dma_wait3A_300 = arith.constant 0 : i32
        %dma_wait3A_301 = tpu.memref_slice %arg13[%dma_wait3A_298, %dma_wait3A_299, %dma_wait3A_300] : memref<4x8x129xf32, #tpu.memory_space<vmem>> -> memref<4x8x128xf32, #tpu.memory_space<vmem>>
        tpu.wait_dma2 semaphore(%arg19 : memref<!tpu.dma_semaphore, #tpu.memory_space<semaphore_mem>>) src(%dma_wait3A_301 : memref<4x8x128xf32, #tpu.memory_space<vmem>>) dst(%dma_wait3A_297 : memref<4x8x128xf32, #tpu.memory_space<hbm>>)
      } else {
      }
      %get3A_142 = arith.index_cast %add3A_130 : i32 to index
      %get3A_143 = arith.constant 0 : index
      %get3A_144 = tpu.vector_load %arg7[%get3A_142, %get3A_143] {strides = array<i32>} : memref<200x32xf32, #tpu.memory_space<vmem>>, vector<16xf32>,
      %get3A_145 = arith.index_cast %add3A_130 : i32 to index
      %get3A_146 = arith.constant 16 : index
      %get3A_147 = tpu.vector_load %arg7[%get3A_145, %get3A_146] {strides = array<i32>} : memref<200x32xf32, #tpu.memory_space<vmem>>, vector<16xf32>,
      %scan3A_148 = arith.constant 0 : i32
      %scan3A_149 = arith.constant 0 : i32
      %scan3A_150 = arith.constant 128 : i32
      %scan3A_151 = arith.addi %scan3A_149, %scan3A_150 : i32
      %scan3A_152 = arith.constant 8 : i32
      scf.for %scan3A_283 = %scan3A_149 to %scan3A_151 step %scan3A_152  : i32 {
        %broadcast_in_dim3A = vector.broadcast %scan3A_283 : i32 to vector<16xi32>
        %get3A_284 = arith.index_cast %scan3A_283 : i32 to index
        %get3A_285 = arith.constant 0 : index
        %get3A_286 = tpu.vector_load %arg9[%get3A_284, %get3A_285] {strides = array<i32>} : memref<128x32xf32, #tpu.memory_space<vmem>>, vector<16xf32>,
        %add3A_287 = arith.addf %get3A_286, %get3A_144 : vector<16xf32>
        tpu.vector_store_idx %arg13[%div3A_6, %rem3A_4, %broadcast_in_dim3A], %add3A_287 : memref<4x8x129xf32, #tpu.memory_space<vmem>>[vector<16xi32>, vector<16xi32>, vector<16xi32>], vector<16xf32>,
        %get3A_288 = arith.index_cast %scan3A_283 : i32 to index
        %get3A_289 = arith.constant 16 : index
        %get3A_290 = tpu.vector_load %arg9[%get3A_288, %get3A_289] {strides = array<i32>} : memref<128x32xf32, #tpu.memory_space<vmem>>, vector<16xf32>,
        %add3A_291 = arith.addf %get3A_290, %get3A_147 : vector<16xf32>
        tpu.vector_store_idx %arg13[%add3A_9, %rem3A_4, %broadcast_in_dim3A], %add3A_291 : memref<4x8x129xf32, #tpu.memory_space<vmem>>[vector<16xi32>, vector<16xi32>, vector<16xi32>], vector<16xf32>,
        %scan3A_292 = arith.constant 1 : i32
        %scan3A_293 = arith.addi %scan3A_283, %scan3A_292 : i32
        %broadcast_in_dim3A_294 = vector.broadcast %scan3A_293 : i32 to vector<16xi32>
        %get3A_295 = arith.index_cast %scan3A_293 : i32 to index
        %get3A_296 = arith.constant 0 : index
        %get3A_297 = tpu.vector_load %arg9[%get3A_295, %get3A_296] {strides = array<i32>} : memref<128x32xf32, #tpu.memory_space<vmem>>, vector<16xf32>,
        %add3A_298 = arith.addf %get3A_297, %get3A_144 : vector<16xf32>
        tpu.vector_store_idx %arg13[%div3A_6, %rem3A_4, %broadcast_in_dim3A_294], %add3A_298 : memref<4x8x129xf32, #tpu.memory_space<vmem>>[vector<16xi32>, vector<16xi32>, vector<16xi32>], vector<16xf32>,
        %get3A_299 = arith.index_cast %scan3A_293 : i32 to index
        %get3A_300 = arith.constant 16 : index
        %get3A_301 = tpu.vector_load %arg9[%get3A_299, %get3A_300] {strides = array<i32>} : memref<128x32xf32, #tpu.memory_space<vmem>>, vector<16xf32>,
        %add3A_302 = arith.addf %get3A_301, %get3A_147 : vector<16xf32>
        tpu.vector_store_idx %arg13[%add3A_9, %rem3A_4, %broadcast_in_dim3A_294], %add3A_302 : memref<4x8x129xf32, #tpu.memory_space<vmem>>[vector<16xi32>, vector<16xi32>, vector<16xi32>], vector<16xf32>,
        %scan3A_303 = arith.constant 2 : i32
        %scan3A_304 = arith.addi %scan3A_283, %scan3A_303 : i32
        %broadcast_in_dim3A_305 = vector.broadcast %scan3A_304 : i32 to vector<16xi32>
        %get3A_306 = arith.index_cast %scan3A_304 : i32 to index
        %get3A_307 = arith.constant 0 : index
        %get3A_308 = tpu.vector_load %arg9[%get3A_306, %get3A_307] {strides = array<i32>} : memref<128x32xf32, #tpu.memory_space<vmem>>, vector<16xf32>,
        %add3A_309 = arith.addf %get3A_308, %get3A_144 : vector<16xf32>
        tpu.vector_store_idx %arg13[%div3A_6, %rem3A_4, %broadcast_in_dim3A_305], %add3A_309 : memref<4x8x129xf32, #tpu.memory_space<vmem>>[vector<16xi32>, vector<16xi32>, vector<16xi32>], vector<16xf32>,
        %get3A_310 = arith.index_cast %scan3A_304 : i32 to index
        %get3A_311 = arith.constant 16 : index
        %get3A_312 = tpu.vector_load %arg9[%get3A_310, %get3A_311] {strides = array<i32>} : memref<128x32xf32, #tpu.memory_space<vmem>>, vector<16xf32>,
        %add3A_313 = arith.addf %get3A_312, %get3A_147 : vector<16xf32>
        tpu.vector_store_idx %arg13[%add3A_9, %rem3A_4, %broadcast_in_dim3A_305], %add3A_313 : memref<4x8x129xf32, #tpu.memory_space<vmem>>[vector<16xi32>, vector<16xi32>, vector<16xi32>], vector<16xf32>,
        %scan3A_314 = arith.constant 3 : i32
        %scan3A_315 = arith.addi %scan3A_283, %scan3A_314 : i32
        %broadcast_in_dim3A_316 = vector.broadcast %scan3A_315 : i32 to vector<16xi32>
        %get3A_317 = arith.index_cast %scan3A_315 : i32 to index
        %get3A_318 = arith.constant 0 : index
        %get3A_319 = tpu.vector_load %arg9[%get3A_317, %get3A_318] {strides = array<i32>} : memref<128x32xf32, #tpu.memory_space<vmem>>, vector<16xf32>,
        %add3A_320 = arith.addf %get3A_319, %get3A_144 : vector<16xf32>
        tpu.vector_store_idx %arg13[%div3A_6, %rem3A_4, %broadcast_in_dim3A_316], %add3A_320 : memref<4x8x129xf32, #tpu.memory_space<vmem>>[vector<16xi32>, vector<16xi32>, vector<16xi32>], vector<16xf32>,
        %get3A_321 = arith.index_cast %scan3A_315 : i32 to index
        %get3A_322 = arith.constant 16 : index
        %get3A_323 = tpu.vector_load %arg9[%get3A_321, %get3A_322] {strides = array<i32>} : memref<128x32xf32, #tpu.memory_space<vmem>>, vector<16xf32>,
        %add3A_324 = arith.addf %get3A_323, %get3A_147 : vector<16xf32>
        tpu.vector_store_idx %arg13[%add3A_9, %rem3A_4, %broadcast_in_dim3A_316], %add3A_324 : memref<4x8x129xf32, #tpu.memory_space<vmem>>[vector<16xi32>, vector<16xi32>, vector<16xi32>], vector<16xf32>,
        %scan3A_325 = arith.constant 4 : i32
        %scan3A_326 = arith.addi %scan3A_283, %scan3A_325 : i32
        %broadcast_in_dim3A_327 = vector.broadcast %scan3A_326 : i32 to vector<16xi32>
        %get3A_328 = arith.index_cast %scan3A_326 : i32 to index
        %get3A_329 = arith.constant 0 : index
        %get3A_330 = tpu.vector_load %arg9[%get3A_328, %get3A_329] {strides = array<i32>} : memref<128x32xf32, #tpu.memory_space<vmem>>, vector<16xf32>,
        %add3A_331 = arith.addf %get3A_330, %get3A_144 : vector<16xf32>
        tpu.vector_store_idx %arg13[%div3A_6, %rem3A_4, %broadcast_in_dim3A_327], %add3A_331 : memref<4x8x129xf32, #tpu.memory_space<vmem>>[vector<16xi32>, vector<16xi32>, vector<16xi32>], vector<16xf32>,
        %get3A_332 = arith.index_cast %scan3A_326 : i32 to index
        %get3A_333 = arith.constant 16 : index
        %get3A_334 = tpu.vector_load %arg9[%get3A_332, %get3A_333] {strides = array<i32>} : memref<128x32xf32, #tpu.memory_space<vmem>>, vector<16xf32>,
        %add3A_335 = arith.addf %get3A_334, %get3A_147 : vector<16xf32>
        tpu.vector_store_idx %arg13[%add3A_9, %rem3A_4, %broadcast_in_dim3A_327], %add3A_335 : memref<4x8x129xf32, #tpu.memory_space<vmem>>[vector<16xi32>, vector<16xi32>, vector<16xi32>], vector<16xf32>,
        %scan3A_336 = arith.constant 5 : i32
        %scan3A_337 = arith.addi %scan3A_283, %scan3A_336 : i32
        %broadcast_in_dim3A_338 = vector.broadcast %scan3A_337 : i32 to vector<16xi32>
        %get3A_339 = arith.index_cast %scan3A_337 : i32 to index
        %get3A_340 = arith.constant 0 : index
        %get3A_341 = tpu.vector_load %arg9[%get3A_339, %get3A_340] {strides = array<i32>} : memref<128x32xf32, #tpu.memory_space<vmem>>, vector<16xf32>,
        %add3A_342 = arith.addf %get3A_341, %get3A_144 : vector<16xf32>
        tpu.vector_store_idx %arg13[%div3A_6, %rem3A_4, %broadcast_in_dim3A_338], %add3A_342 : memref<4x8x129xf32, #tpu.memory_space<vmem>>[vector<16xi32>, vector<16xi32>, vector<16xi32>], vector<16xf32>,
        %get3A_343 = arith.index_cast %scan3A_337 : i32 to index
        %get3A_344 = arith.constant 16 : index
        %get3A_345 = tpu.vector_load %arg9[%get3A_343, %get3A_344] {strides = array<i32>} : memref<128x32xf32, #tpu.memory_space<vmem>>, vector<16xf32>,
        %add3A_346 = arith.addf %get3A_345, %get3A_147 : vector<16xf32>
        tpu.vector_store_idx %arg13[%add3A_9, %rem3A_4, %broadcast_in_dim3A_338], %add3A_346 : memref<4x8x129xf32, #tpu.memory_space<vmem>>[vector<16xi32>, vector<16xi32>, vector<16xi32>], vector<16xf32>,
        %scan3A_347 = arith.constant 6 : i32
        %scan3A_348 = arith.addi %scan3A_283, %scan3A_347 : i32
        %broadcast_in_dim3A_349 = vector.broadcast %scan3A_348 : i32 to vector<16xi32>
        %get3A_350 = arith.index_cast %scan3A_348 : i32 to index
        %get3A_351 = arith.constant 0 : index
        %get3A_352 = tpu.vector_load %arg9[%get3A_350, %get3A_351] {strides = array<i32>} : memref<128x32xf32, #tpu.memory_space<vmem>>, vector<16xf32>,
        %add3A_353 = arith.addf %get3A_352, %get3A_144 : vector<16xf32>
        tpu.vector_store_idx %arg13[%div3A_6, %rem3A_4, %broadcast_in_dim3A_349], %add3A_353 : memref<4x8x129xf32, #tpu.memory_space<vmem>>[vector<16xi32>, vector<16xi32>, vector<16xi32>], vector<16xf32>,
        %get3A_354 = arith.index_cast %scan3A_348 : i32 to index
        %get3A_355 = arith.constant 16 : index
        %get3A_356 = tpu.vector_load %arg9[%get3A_354, %get3A_355] {strides = array<i32>} : memref<128x32xf32, #tpu.memory_space<vmem>>, vector<16xf32>,
        %add3A_357 = arith.addf %get3A_356, %get3A_147 : vector<16xf32>
        tpu.vector_store_idx %arg13[%add3A_9, %rem3A_4, %broadcast_in_dim3A_349], %add3A_357 : memref<4x8x129xf32, #tpu.memory_space<vmem>>[vector<16xi32>, vector<16xi32>, vector<16xi32>], vector<16xf32>,
        %scan3A_358 = arith.constant 7 : i32
        %scan3A_359 = arith.addi %scan3A_283, %scan3A_358 : i32
        %broadcast_in_dim3A_360 = vector.broadcast %scan3A_359 : i32 to vector<16xi32>
        %get3A_361 = arith.index_cast %scan3A_359 : i32 to index
        %get3A_362 = arith.constant 0 : index
        %get3A_363 = tpu.vector_load %arg9[%get3A_361, %get3A_362] {strides = array<i32>} : memref<128x32xf32, #tpu.memory_space<vmem>>, vector<16xf32>,
        %add3A_364 = arith.addf %get3A_363, %get3A_144 : vector<16xf32>
        tpu.vector_store_idx %arg13[%div3A_6, %rem3A_4, %broadcast_in_dim3A_360], %add3A_364 : memref<4x8x129xf32, #tpu.memory_space<vmem>>[vector<16xi32>, vector<16xi32>, vector<16xi32>], vector<16xf32>,
        %get3A_365 = arith.index_cast %scan3A_359 : i32 to index
        %get3A_366 = arith.constant 16 : index
        %get3A_367 = tpu.vector_load %arg9[%get3A_365, %get3A_366] {strides = array<i32>} : memref<128x32xf32, #tpu.memory_space<vmem>>, vector<16xf32>,
        %add3A_368 = arith.addf %get3A_367, %get3A_147 : vector<16xf32>
        tpu.vector_store_idx %arg13[%add3A_9, %rem3A_4, %broadcast_in_dim3A_360], %add3A_368 : memref<4x8x129xf32, #tpu.memory_space<vmem>>[vector<16xi32>, vector<16xi32>, vector<16xi32>], vector<16xf32>,
      }
      %scan3A_153 = arith.constant 128 : i32
      %dma_start3A_154 = arith.constant 0 : i32
      %dma_start3A_155 = arith.constant 0 : i32
      %dma_start3A_156 = arith.constant 0 : i32
      %dma_start3A_157 = tpu.memref_slice %arg13[%dma_start3A_154, %dma_start3A_155, %dma_start3A_156] : memref<4x8x129xf32, #tpu.memory_space<vmem>> -> memref<4x8x128xf32, #tpu.memory_space<vmem>>
      %dma_start3A_158 = arith.constant 0 : i32
      %dma_start3A_159 = arith.constant 0 : i32
      %dma_start3A_160 = arith.constant 0 : i32
      %dma_start3A_161 = tpu.memref_slice %arg5[%add3A_130, %dma_start3A_158, %add3A, %dma_start3A_159, %dma_start3A_160] : memref<200x4x32x8x128xf32, #tpu.memory_space<hbm>> -> memref<1x4x1x8x128xf32, #tpu.memory_space<hbm>>
      %dma_start3A_162 = tpu.memref_squeeze %dma_start3A_161 : memref<1x4x1x8x128xf32, #tpu.memory_space<hbm>> -> memref<4x8x128xf32, #tpu.memory_space<hbm>>
      %dma_start3A_163 = arith.constant 0 : i32
      %dma_start3A_164 = arith.constant 0 : i32
      %dma_start3A_165 = arith.constant 0 : i32
      %dma_start3A_166 = tpu.memref_slice %arg5[%add3A_130, %dma_start3A_163, %add3A, %dma_start3A_164, %dma_start3A_165] : memref<200x4x32x8x128xf32, #tpu.memory_space<hbm>> -> memref<1x4x1x8x128xf32, #tpu.memory_space<hbm>>
      %dma_start3A_167 = tpu.memref_squeeze %dma_start3A_166 : memref<1x4x1x8x128xf32, #tpu.memory_space<hbm>> -> memref<4x8x128xf32, #tpu.memory_space<hbm>>
      %dma_start3A_168 = arith.constant 0 : i32
      %dma_start3A_169 = arith.constant 0 : i32
      %dma_start3A_170 = arith.constant 0 : i32
      %dma_start3A_171 = tpu.memref_slice %arg13[%dma_start3A_168, %dma_start3A_169, %dma_start3A_170] : memref<4x8x129xf32, #tpu.memory_space<vmem>> -> memref<4x8x128xf32, #tpu.memory_space<vmem>>
      tpu.enqueue_dma source(%dma_start3A_171 : memref<4x8x128xf32, #tpu.memory_space<vmem>>) target(%dma_start3A_167 : memref<4x8x128xf32, #tpu.memory_space<hbm>>) target_semaphore(%arg19 : memref<!tpu.dma_semaphore, #tpu.memory_space<semaphore_mem>>)
      %add3A_172 = arith.constant 4 : i32
      %add3A_173 = arith.addi %add3A_130, %add3A_172 : i32
      %lt3A_174 = arith.constant 200 : i32
      %lt3A_175 = arith.cmpi slt, %add3A_173, %lt3A_174 : i32
      %convert_element_type3A_176 = arith.extui %lt3A_175 : i1 to i32
      %cond3A_177 = arith.constant 0 : i32
      %cond3A_178 = arith.cmpi ne, %convert_element_type3A_176, %cond3A_177 : i32
      scf.if %cond3A_178 {
        %add3A_283 = arith.constant 4 : i32
        %add3A_284 = arith.addi %add3A_130, %add3A_283 : i32
        %dma_start3A_285 = arith.constant 0 : i32
        %dma_start3A_286 = tpu.memref_slice %arg6[%add3A_284, %dma_start3A_285] : memref<200x128xi32, #tpu.memory_space<vmem>> -> memref<1x128xi32, #tpu.memory_space<vmem>>
        %dma_start3A_287 = tpu.memref_squeeze %dma_start3A_286 : memref<1x128xi32, #tpu.memory_space<vmem>> -> memref<128xi32, #tpu.memory_space<vmem>>
        %dma_start3A_288 = arith.constant 0 : i32
        %dma_start3A_289 = arith.constant 0 : i32
        %dma_start3A_290 = tpu.memref_slice %arg3[%dma_start3A_288, %dma_start3A_289] : memref<1000000x32xf32, #tpu.memory_space<hbm>> -> memref<1000000x32xf32, #tpu.memory_space<hbm>>
        tpu.enqueue_indirect_dma source(%dma_start3A_290 : memref<1000000x32xf32, #tpu.memory_space<hbm>>) target(%arg9 : memref<128x32xf32, #tpu.memory_space<vmem>>) offsets(%dma_start3A_287 : memref<128xi32, #tpu.memory_space<vmem>>) semaphore(%arg15 : memref<!tpu.dma_semaphore, #tpu.memory_space<semaphore_mem>>)
      } else {
      }
      %mul3A_179 = arith.constant 4 : i32
      %mul3A_180 = arith.muli %mul3A_179, %scan3A_79 : i32
      %add3A_181 = arith.constant 2 : i32
      %add3A_182 = arith.addi %mul3A_180, %add3A_181 : i32
      %dma_wait3A_183 = arith.constant 0 : i32
      %dma_wait3A_184 = tpu.memref_slice %arg6[%add3A_182, %dma_wait3A_183] : memref<200x128xi32, #tpu.memory_space<vmem>> -> memref<1x128xi32, #tpu.memory_space<vmem>>
      %dma_wait3A_185 = tpu.memref_squeeze %dma_wait3A_184 : memref<1x128xi32, #tpu.memory_space<vmem>> -> memref<128xi32, #tpu.memory_space<vmem>>
      %dma_wait3A_186 = arith.constant 0 : i32
      %dma_wait3A_187 = arith.constant 0 : i32
      %dma_wait3A_188 = tpu.memref_slice %arg3[%dma_wait3A_186, %dma_wait3A_187] : memref<1000000x32xf32, #tpu.memory_space<hbm>> -> memref<1000000x32xf32, #tpu.memory_space<hbm>>
      tpu.wait_indirect_dma semaphore(%arg16 : memref<!tpu.dma_semaphore, #tpu.memory_space<semaphore_mem>>) src(%dma_wait3A_188 : memref<1000000x32xf32, #tpu.memory_space<hbm>>) dst(%arg10 : memref<128x32xf32, #tpu.memory_space<vmem>>)
      %ge3A_189 = arith.constant 2 : i32
      %ge3A_190 = arith.cmpi sge, %add3A_182, %ge3A_189 : i32
      %convert_element_type3A_191 = arith.extui %ge3A_190 : i1 to i32
      %cond3A_192 = arith.constant 0 : i32
      %cond3A_193 = arith.cmpi ne, %convert_element_type3A_191, %cond3A_192 : i32
      scf.if %cond3A_193 {
        %sub3A = arith.constant 2 : i32
        %sub3A_283 = arith.subi %add3A_182, %sub3A : i32
        %dma_wait3A_284 = arith.constant 0 : i32
        %dma_wait3A_285 = arith.constant 0 : i32
        %dma_wait3A_286 = arith.constant 0 : i32
        %dma_wait3A_287 = tpu.memref_slice %arg12[%dma_wait3A_284, %dma_wait3A_285, %dma_wait3A_286] : memref<4x8x129xf32, #tpu.memory_space<vmem>> -> memref<4x8x128xf32, #tpu.memory_space<vmem>>
        %dma_wait3A_288 = arith.constant 0 : i32
        %dma_wait3A_289 = arith.constant 0 : i32
        %dma_wait3A_290 = arith.constant 0 : i32
        %dma_wait3A_291 = tpu.memref_slice %arg5[%sub3A_283, %dma_wait3A_288, %add3A, %dma_wait3A_289, %dma_wait3A_290] : memref<200x4x32x8x128xf32, #tpu.memory_space<hbm>> -> memref<1x4x1x8x128xf32, #tpu.memory_space<hbm>>
        %dma_wait3A_292 = tpu.memref_squeeze %dma_wait3A_291 : memref<1x4x1x8x128xf32, #tpu.memory_space<hbm>> -> memref<4x8x128xf32, #tpu.memory_space<hbm>>
        %dma_wait3A_293 = arith.constant 0 : i32
        %dma_wait3A_294 = arith.constant 0 : i32
        %dma_wait3A_295 = arith.constant 0 : i32
        %dma_wait3A_296 = tpu.memref_slice %arg5[%sub3A_283, %dma_wait3A_293, %add3A, %dma_wait3A_294, %dma_wait3A_295] : memref<200x4x32x8x128xf32, #tpu.memory_space<hbm>> -> memref<1x4x1x8x128xf32, #tpu.memory_space<hbm>>
        %dma_wait3A_297 = tpu.memref_squeeze %dma_wait3A_296 : memref<1x4x1x8x128xf32, #tpu.memory_space<hbm>> -> memref<4x8x128xf32, #tpu.memory_space<hbm>>
        %dma_wait3A_298 = arith.constant 0 : i32
        %dma_wait3A_299 = arith.constant 0 : i32
        %dma_wait3A_300 = arith.constant 0 : i32
        %dma_wait3A_301 = tpu.memref_slice %arg12[%dma_wait3A_298, %dma_wait3A_299, %dma_wait3A_300] : memref<4x8x129xf32, #tpu.memory_space<vmem>> -> memref<4x8x128xf32, #tpu.memory_space<vmem>>
        tpu.wait_dma2 semaphore(%arg18 : memref<!tpu.dma_semaphore, #tpu.memory_space<semaphore_mem>>) src(%dma_wait3A_301 : memref<4x8x128xf32, #tpu.memory_space<vmem>>) dst(%dma_wait3A_297 : memref<4x8x128xf32, #tpu.memory_space<hbm>>)
      } else {
      }
      %get3A_194 = arith.index_cast %add3A_182 : i32 to index
      %get3A_195 = arith.constant 0 : index
      %get3A_196 = tpu.vector_load %arg7[%get3A_194, %get3A_195] {strides = array<i32>} : memref<200x32xf32, #tpu.memory_space<vmem>>, vector<16xf32>,
      %get3A_197 = arith.index_cast %add3A_182 : i32 to index
      %get3A_198 = arith.constant 16 : index
      %get3A_199 = tpu.vector_load %arg7[%get3A_197, %get3A_198] {strides = array<i32>} : memref<200x32xf32, #tpu.memory_space<vmem>>, vector<16xf32>,
      %scan3A_200 = arith.constant 0 : i32
      %scan3A_201 = arith.constant 0 : i32
      %scan3A_202 = arith.constant 128 : i32
      %scan3A_203 = arith.addi %scan3A_201, %scan3A_202 : i32
      %scan3A_204 = arith.constant 8 : i32
      scf.for %scan3A_283 = %scan3A_201 to %scan3A_203 step %scan3A_204  : i32 {
        %broadcast_in_dim3A = vector.broadcast %scan3A_283 : i32 to vector<16xi32>
        %get3A_284 = arith.index_cast %scan3A_283 : i32 to index
        %get3A_285 = arith.constant 0 : index
        %get3A_286 = tpu.vector_load %arg10[%get3A_284, %get3A_285] {strides = array<i32>} : memref<128x32xf32, #tpu.memory_space<vmem>>, vector<16xf32>,
        %add3A_287 = arith.addf %get3A_286, %get3A_196 : vector<16xf32>
        tpu.vector_store_idx %arg12[%div3A_6, %rem3A_4, %broadcast_in_dim3A], %add3A_287 : memref<4x8x129xf32, #tpu.memory_space<vmem>>[vector<16xi32>, vector<16xi32>, vector<16xi32>], vector<16xf32>,
        %get3A_288 = arith.index_cast %scan3A_283 : i32 to index
        %get3A_289 = arith.constant 16 : index
        %get3A_290 = tpu.vector_load %arg10[%get3A_288, %get3A_289] {strides = array<i32>} : memref<128x32xf32, #tpu.memory_space<vmem>>, vector<16xf32>,
        %add3A_291 = arith.addf %get3A_290, %get3A_199 : vector<16xf32>
        tpu.vector_store_idx %arg12[%add3A_9, %rem3A_4, %broadcast_in_dim3A], %add3A_291 : memref<4x8x129xf32, #tpu.memory_space<vmem>>[vector<16xi32>, vector<16xi32>, vector<16xi32>], vector<16xf32>,
        %scan3A_292 = arith.constant 1 : i32
        %scan3A_293 = arith.addi %scan3A_283, %scan3A_292 : i32
        %broadcast_in_dim3A_294 = vector.broadcast %scan3A_293 : i32 to vector<16xi32>
        %get3A_295 = arith.index_cast %scan3A_293 : i32 to index
        %get3A_296 = arith.constant 0 : index
        %get3A_297 = tpu.vector_load %arg10[%get3A_295, %get3A_296] {strides = array<i32>} : memref<128x32xf32, #tpu.memory_space<vmem>>, vector<16xf32>,
        %add3A_298 = arith.addf %get3A_297, %get3A_196 : vector<16xf32>
        tpu.vector_store_idx %arg12[%div3A_6, %rem3A_4, %broadcast_in_dim3A_294], %add3A_298 : memref<4x8x129xf32, #tpu.memory_space<vmem>>[vector<16xi32>, vector<16xi32>, vector<16xi32>], vector<16xf32>,
        %get3A_299 = arith.index_cast %scan3A_293 : i32 to index
        %get3A_300 = arith.constant 16 : index
        %get3A_301 = tpu.vector_load %arg10[%get3A_299, %get3A_300] {strides = array<i32>} : memref<128x32xf32, #tpu.memory_space<vmem>>, vector<16xf32>,
        %add3A_302 = arith.addf %get3A_301, %get3A_199 : vector<16xf32>
        tpu.vector_store_idx %arg12[%add3A_9, %rem3A_4, %broadcast_in_dim3A_294], %add3A_302 : memref<4x8x129xf32, #tpu.memory_space<vmem>>[vector<16xi32>, vector<16xi32>, vector<16xi32>], vector<16xf32>,
        %scan3A_303 = arith.constant 2 : i32
        %scan3A_304 = arith.addi %scan3A_283, %scan3A_303 : i32
        %broadcast_in_dim3A_305 = vector.broadcast %scan3A_304 : i32 to vector<16xi32>
        %get3A_306 = arith.index_cast %scan3A_304 : i32 to index
        %get3A_307 = arith.constant 0 : index
        %get3A_308 = tpu.vector_load %arg10[%get3A_306, %get3A_307] {strides = array<i32>} : memref<128x32xf32, #tpu.memory_space<vmem>>, vector<16xf32>,
        %add3A_309 = arith.addf %get3A_308, %get3A_196 : vector<16xf32>
        tpu.vector_store_idx %arg12[%div3A_6, %rem3A_4, %broadcast_in_dim3A_305], %add3A_309 : memref<4x8x129xf32, #tpu.memory_space<vmem>>[vector<16xi32>, vector<16xi32>, vector<16xi32>], vector<16xf32>,
        %get3A_310 = arith.index_cast %scan3A_304 : i32 to index
        %get3A_311 = arith.constant 16 : index
        %get3A_312 = tpu.vector_load %arg10[%get3A_310, %get3A_311] {strides = array<i32>} : memref<128x32xf32, #tpu.memory_space<vmem>>, vector<16xf32>,
        %add3A_313 = arith.addf %get3A_312, %get3A_199 : vector<16xf32>
        tpu.vector_store_idx %arg12[%add3A_9, %rem3A_4, %broadcast_in_dim3A_305], %add3A_313 : memref<4x8x129xf32, #tpu.memory_space<vmem>>[vector<16xi32>, vector<16xi32>, vector<16xi32>], vector<16xf32>,
        %scan3A_314 = arith.constant 3 : i32
        %scan3A_315 = arith.addi %scan3A_283, %scan3A_314 : i32
        %broadcast_in_dim3A_316 = vector.broadcast %scan3A_315 : i32 to vector<16xi32>
        %get3A_317 = arith.index_cast %scan3A_315 : i32 to index
        %get3A_318 = arith.constant 0 : index
        %get3A_319 = tpu.vector_load %arg10[%get3A_317, %get3A_318] {strides = array<i32>} : memref<128x32xf32, #tpu.memory_space<vmem>>, vector<16xf32>,
        %add3A_320 = arith.addf %get3A_319, %get3A_196 : vector<16xf32>
        tpu.vector_store_idx %arg12[%div3A_6, %rem3A_4, %broadcast_in_dim3A_316], %add3A_320 : memref<4x8x129xf32, #tpu.memory_space<vmem>>[vector<16xi32>, vector<16xi32>, vector<16xi32>], vector<16xf32>,
        %get3A_321 = arith.index_cast %scan3A_315 : i32 to index
        %get3A_322 = arith.constant 16 : index
        %get3A_323 = tpu.vector_load %arg10[%get3A_321, %get3A_322] {strides = array<i32>} : memref<128x32xf32, #tpu.memory_space<vmem>>, vector<16xf32>,
        %add3A_324 = arith.addf %get3A_323, %get3A_199 : vector<16xf32>
        tpu.vector_store_idx %arg12[%add3A_9, %rem3A_4, %broadcast_in_dim3A_316], %add3A_324 : memref<4x8x129xf32, #tpu.memory_space<vmem>>[vector<16xi32>, vector<16xi32>, vector<16xi32>], vector<16xf32>,
        %scan3A_325 = arith.constant 4 : i32
        %scan3A_326 = arith.addi %scan3A_283, %scan3A_325 : i32
        %broadcast_in_dim3A_327 = vector.broadcast %scan3A_326 : i32 to vector<16xi32>
        %get3A_328 = arith.index_cast %scan3A_326 : i32 to index
        %get3A_329 = arith.constant 0 : index
        %get3A_330 = tpu.vector_load %arg10[%get3A_328, %get3A_329] {strides = array<i32>} : memref<128x32xf32, #tpu.memory_space<vmem>>, vector<16xf32>,
        %add3A_331 = arith.addf %get3A_330, %get3A_196 : vector<16xf32>
        tpu.vector_store_idx %arg12[%div3A_6, %rem3A_4, %broadcast_in_dim3A_327], %add3A_331 : memref<4x8x129xf32, #tpu.memory_space<vmem>>[vector<16xi32>, vector<16xi32>, vector<16xi32>], vector<16xf32>,
        %get3A_332 = arith.index_cast %scan3A_326 : i32 to index
        %get3A_333 = arith.constant 16 : index
        %get3A_334 = tpu.vector_load %arg10[%get3A_332, %get3A_333] {strides = array<i32>} : memref<128x32xf32, #tpu.memory_space<vmem>>, vector<16xf32>,
        %add3A_335 = arith.addf %get3A_334, %get3A_199 : vector<16xf32>
        tpu.vector_store_idx %arg12[%add3A_9, %rem3A_4, %broadcast_in_dim3A_327], %add3A_335 : memref<4x8x129xf32, #tpu.memory_space<vmem>>[vector<16xi32>, vector<16xi32>, vector<16xi32>], vector<16xf32>,
        %scan3A_336 = arith.constant 5 : i32
        %scan3A_337 = arith.addi %scan3A_283, %scan3A_336 : i32
        %broadcast_in_dim3A_338 = vector.broadcast %scan3A_337 : i32 to vector<16xi32>
        %get3A_339 = arith.index_cast %scan3A_337 : i32 to index
        %get3A_340 = arith.constant 0 : index
        %get3A_341 = tpu.vector_load %arg10[%get3A_339, %get3A_340] {strides = array<i32>} : memref<128x32xf32, #tpu.memory_space<vmem>>, vector<16xf32>,
        %add3A_342 = arith.addf %get3A_341, %get3A_196 : vector<16xf32>
        tpu.vector_store_idx %arg12[%div3A_6, %rem3A_4, %broadcast_in_dim3A_338], %add3A_342 : memref<4x8x129xf32, #tpu.memory_space<vmem>>[vector<16xi32>, vector<16xi32>, vector<16xi32>], vector<16xf32>,
        %get3A_343 = arith.index_cast %scan3A_337 : i32 to index
        %get3A_344 = arith.constant 16 : index
        %get3A_345 = tpu.vector_load %arg10[%get3A_343, %get3A_344] {strides = array<i32>} : memref<128x32xf32, #tpu.memory_space<vmem>>, vector<16xf32>,
        %add3A_346 = arith.addf %get3A_345, %get3A_199 : vector<16xf32>
        tpu.vector_store_idx %arg12[%add3A_9, %rem3A_4, %broadcast_in_dim3A_338], %add3A_346 : memref<4x8x129xf32, #tpu.memory_space<vmem>>[vector<16xi32>, vector<16xi32>, vector<16xi32>], vector<16xf32>,
        %scan3A_347 = arith.constant 6 : i32
        %scan3A_348 = arith.addi %scan3A_283, %scan3A_347 : i32
        %broadcast_in_dim3A_349 = vector.broadcast %scan3A_348 : i32 to vector<16xi32>
        %get3A_350 = arith.index_cast %scan3A_348 : i32 to index
        %get3A_351 = arith.constant 0 : index
        %get3A_352 = tpu.vector_load %arg10[%get3A_350, %get3A_351] {strides = array<i32>} : memref<128x32xf32, #tpu.memory_space<vmem>>, vector<16xf32>,
        %add3A_353 = arith.addf %get3A_352, %get3A_196 : vector<16xf32>
        tpu.vector_store_idx %arg12[%div3A_6, %rem3A_4, %broadcast_in_dim3A_349], %add3A_353 : memref<4x8x129xf32, #tpu.memory_space<vmem>>[vector<16xi32>, vector<16xi32>, vector<16xi32>], vector<16xf32>,
        %get3A_354 = arith.index_cast %scan3A_348 : i32 to index
        %get3A_355 = arith.constant 16 : index
        %get3A_356 = tpu.vector_load %arg10[%get3A_354, %get3A_355] {strides = array<i32>} : memref<128x32xf32, #tpu.memory_space<vmem>>, vector<16xf32>,
        %add3A_357 = arith.addf %get3A_356, %get3A_199 : vector<16xf32>
        tpu.vector_store_idx %arg12[%add3A_9, %rem3A_4, %broadcast_in_dim3A_349], %add3A_357 : memref<4x8x129xf32, #tpu.memory_space<vmem>>[vector<16xi32>, vector<16xi32>, vector<16xi32>], vector<16xf32>,
        %scan3A_358 = arith.constant 7 : i32
        %scan3A_359 = arith.addi %scan3A_283, %scan3A_358 : i32
        %broadcast_in_dim3A_360 = vector.broadcast %scan3A_359 : i32 to vector<16xi32>
        %get3A_361 = arith.index_cast %scan3A_359 : i32 to index
        %get3A_362 = arith.constant 0 : index
        %get3A_363 = tpu.vector_load %arg10[%get3A_361, %get3A_362] {strides = array<i32>} : memref<128x32xf32, #tpu.memory_space<vmem>>, vector<16xf32>,
        %add3A_364 = arith.addf %get3A_363, %get3A_196 : vector<16xf32>
        tpu.vector_store_idx %arg12[%div3A_6, %rem3A_4, %broadcast_in_dim3A_360], %add3A_364 : memref<4x8x129xf32, #tpu.memory_space<vmem>>[vector<16xi32>, vector<16xi32>, vector<16xi32>], vector<16xf32>,
        %get3A_365 = arith.index_cast %scan3A_359 : i32 to index
        %get3A_366 = arith.constant 16 : index
        %get3A_367 = tpu.vector_load %arg10[%get3A_365, %get3A_366] {strides = array<i32>} : memref<128x32xf32, #tpu.memory_space<vmem>>, vector<16xf32>,
        %add3A_368 = arith.addf %get3A_367, %get3A_199 : vector<16xf32>
        tpu.vector_store_idx %arg12[%add3A_9, %rem3A_4, %broadcast_in_dim3A_360], %add3A_368 : memref<4x8x129xf32, #tpu.memory_space<vmem>>[vector<16xi32>, vector<16xi32>, vector<16xi32>], vector<16xf32>,
      }
      %scan3A_205 = arith.constant 128 : i32
      %dma_start3A_206 = arith.constant 0 : i32
      %dma_start3A_207 = arith.constant 0 : i32
      %dma_start3A_208 = arith.constant 0 : i32
      %dma_start3A_209 = tpu.memref_slice %arg12[%dma_start3A_206, %dma_start3A_207, %dma_start3A_208] : memref<4x8x129xf32, #tpu.memory_space<vmem>> -> memref<4x8x128xf32, #tpu.memory_space<vmem>>
      %dma_start3A_210 = arith.constant 0 : i32
      %dma_start3A_211 = arith.constant 0 : i32
      %dma_start3A_212 = arith.constant 0 : i32
      %dma_start3A_213 = tpu.memref_slice %arg5[%add3A_182, %dma_start3A_210, %add3A, %dma_start3A_211, %dma_start3A_212] : memref<200x4x32x8x128xf32, #tpu.memory_space<hbm>> -> memref<1x4x1x8x128xf32, #tpu.memory_space<hbm>>
      %dma_start3A_214 = tpu.memref_squeeze %dma_start3A_213 : memref<1x4x1x8x128xf32, #tpu.memory_space<hbm>> -> memref<4x8x128xf32, #tpu.memory_space<hbm>>
      %dma_start3A_215 = arith.constant 0 : i32
      %dma_start3A_216 = arith.constant 0 : i32
      %dma_start3A_217 = arith.constant 0 : i32
      %dma_start3A_218 = tpu.memref_slice %arg5[%add3A_182, %dma_start3A_215, %add3A, %dma_start3A_216, %dma_start3A_217] : memref<200x4x32x8x128xf32, #tpu.memory_space<hbm>> -> memref<1x4x1x8x128xf32, #tpu.memory_space<hbm>>
      %dma_start3A_219 = tpu.memref_squeeze %dma_start3A_218 : memref<1x4x1x8x128xf32, #tpu.memory_space<hbm>> -> memref<4x8x128xf32, #tpu.memory_space<hbm>>
      %dma_start3A_220 = arith.constant 0 : i32
      %dma_start3A_221 = arith.constant 0 : i32
      %dma_start3A_222 = arith.constant 0 : i32
      %dma_start3A_223 = tpu.memref_slice %arg12[%dma_start3A_220, %dma_start3A_221, %dma_start3A_222] : memref<4x8x129xf32, #tpu.memory_space<vmem>> -> memref<4x8x128xf32, #tpu.memory_space<vmem>>
      tpu.enqueue_dma source(%dma_start3A_223 : memref<4x8x128xf32, #tpu.memory_space<vmem>>) target(%dma_start3A_219 : memref<4x8x128xf32, #tpu.memory_space<hbm>>) target_semaphore(%arg18 : memref<!tpu.dma_semaphore, #tpu.memory_space<semaphore_mem>>)
      %add3A_224 = arith.constant 4 : i32
      %add3A_225 = arith.addi %add3A_182, %add3A_224 : i32
      %lt3A_226 = arith.constant 200 : i32
      %lt3A_227 = arith.cmpi slt, %add3A_225, %lt3A_226 : i32
      %convert_element_type3A_228 = arith.extui %lt3A_227 : i1 to i32
      %cond3A_229 = arith.constant 0 : i32
      %cond3A_230 = arith.cmpi ne, %convert_element_type3A_228, %cond3A_229 : i32
      scf.if %cond3A_230 {
        %add3A_283 = arith.constant 4 : i32
        %add3A_284 = arith.addi %add3A_182, %add3A_283 : i32
        %dma_start3A_285 = arith.constant 0 : i32
        %dma_start3A_286 = tpu.memref_slice %arg6[%add3A_284, %dma_start3A_285] : memref<200x128xi32, #tpu.memory_space<vmem>> -> memref<1x128xi32, #tpu.memory_space<vmem>>
        %dma_start3A_287 = tpu.memref_squeeze %dma_start3A_286 : memref<1x128xi32, #tpu.memory_space<vmem>> -> memref<128xi32, #tpu.memory_space<vmem>>
        %dma_start3A_288 = arith.constant 0 : i32
        %dma_start3A_289 = arith.constant 0 : i32
        %dma_start3A_290 = tpu.memref_slice %arg3[%dma_start3A_288, %dma_start3A_289] : memref<1000000x32xf32, #tpu.memory_space<hbm>> -> memref<1000000x32xf32, #tpu.memory_space<hbm>>
        tpu.enqueue_indirect_dma source(%dma_start3A_290 : memref<1000000x32xf32, #tpu.memory_space<hbm>>) target(%arg10 : memref<128x32xf32, #tpu.memory_space<vmem>>) offsets(%dma_start3A_287 : memref<128xi32, #tpu.memory_space<vmem>>) semaphore(%arg16 : memref<!tpu.dma_semaphore, #tpu.memory_space<semaphore_mem>>)
      } else {
      }
      %mul3A_231 = arith.constant 4 : i32
      %mul3A_232 = arith.muli %mul3A_231, %scan3A_79 : i32
      %add3A_233 = arith.constant 3 : i32
      %add3A_234 = arith.addi %mul3A_232, %add3A_233 : i32
      %dma_wait3A_235 = arith.constant 0 : i32
      %dma_wait3A_236 = tpu.memref_slice %arg6[%add3A_234, %dma_wait3A_235] : memref<200x128xi32, #tpu.memory_space<vmem>> -> memref<1x128xi32, #tpu.memory_space<vmem>>
      %dma_wait3A_237 = tpu.memref_squeeze %dma_wait3A_236 : memref<1x128xi32, #tpu.memory_space<vmem>> -> memref<128xi32, #tpu.memory_space<vmem>>
      %dma_wait3A_238 = arith.constant 0 : i32
      %dma_wait3A_239 = arith.constant 0 : i32
      %dma_wait3A_240 = tpu.memref_slice %arg3[%dma_wait3A_238, %dma_wait3A_239] : memref<1000000x32xf32, #tpu.memory_space<hbm>> -> memref<1000000x32xf32, #tpu.memory_space<hbm>>
      tpu.wait_indirect_dma semaphore(%arg17 : memref<!tpu.dma_semaphore, #tpu.memory_space<semaphore_mem>>) src(%dma_wait3A_240 : memref<1000000x32xf32, #tpu.memory_space<hbm>>) dst(%arg11 : memref<128x32xf32, #tpu.memory_space<vmem>>)
      %ge3A_241 = arith.constant 2 : i32
      %ge3A_242 = arith.cmpi sge, %add3A_234, %ge3A_241 : i32
      %convert_element_type3A_243 = arith.extui %ge3A_242 : i1 to i32
      %cond3A_244 = arith.constant 0 : i32
      %cond3A_245 = arith.cmpi ne, %convert_element_type3A_243, %cond3A_244 : i32
      scf.if %cond3A_245 {
        %sub3A = arith.constant 2 : i32
        %sub3A_283 = arith.subi %add3A_234, %sub3A : i32
        %dma_wait3A_284 = arith.constant 0 : i32
        %dma_wait3A_285 = arith.constant 0 : i32
        %dma_wait3A_286 = arith.constant 0 : i32
        %dma_wait3A_287 = tpu.memref_slice %arg13[%dma_wait3A_284, %dma_wait3A_285, %dma_wait3A_286] : memref<4x8x129xf32, #tpu.memory_space<vmem>> -> memref<4x8x128xf32, #tpu.memory_space<vmem>>
        %dma_wait3A_288 = arith.constant 0 : i32
        %dma_wait3A_289 = arith.constant 0 : i32
        %dma_wait3A_290 = arith.constant 0 : i32
        %dma_wait3A_291 = tpu.memref_slice %arg5[%sub3A_283, %dma_wait3A_288, %add3A, %dma_wait3A_289, %dma_wait3A_290] : memref<200x4x32x8x128xf32, #tpu.memory_space<hbm>> -> memref<1x4x1x8x128xf32, #tpu.memory_space<hbm>>
        %dma_wait3A_292 = tpu.memref_squeeze %dma_wait3A_291 : memref<1x4x1x8x128xf32, #tpu.memory_space<hbm>> -> memref<4x8x128xf32, #tpu.memory_space<hbm>>
        %dma_wait3A_293 = arith.constant 0 : i32
        %dma_wait3A_294 = arith.constant 0 : i32
        %dma_wait3A_295 = arith.constant 0 : i32
        %dma_wait3A_296 = tpu.memref_slice %arg5[%sub3A_283, %dma_wait3A_293, %add3A, %dma_wait3A_294, %dma_wait3A_295] : memref<200x4x32x8x128xf32, #tpu.memory_space<hbm>> -> memref<1x4x1x8x128xf32, #tpu.memory_space<hbm>>
        %dma_wait3A_297 = tpu.memref_squeeze %dma_wait3A_296 : memref<1x4x1x8x128xf32, #tpu.memory_space<hbm>> -> memref<4x8x128xf32, #tpu.memory_space<hbm>>
        %dma_wait3A_298 = arith.constant 0 : i32
        %dma_wait3A_299 = arith.constant 0 : i32
        %dma_wait3A_300 = arith.constant 0 : i32
        %dma_wait3A_301 = tpu.memref_slice %arg13[%dma_wait3A_298, %dma_wait3A_299, %dma_wait3A_300] : memref<4x8x129xf32, #tpu.memory_space<vmem>> -> memref<4x8x128xf32, #tpu.memory_space<vmem>>
        tpu.wait_dma2 semaphore(%arg19 : memref<!tpu.dma_semaphore, #tpu.memory_space<semaphore_mem>>) src(%dma_wait3A_301 : memref<4x8x128xf32, #tpu.memory_space<vmem>>) dst(%dma_wait3A_297 : memref<4x8x128xf32, #tpu.memory_space<hbm>>)
      } else {
      }
      %get3A_246 = arith.index_cast %add3A_234 : i32 to index
      %get3A_247 = arith.constant 0 : index
      %get3A_248 = tpu.vector_load %arg7[%get3A_246, %get3A_247] {strides = array<i32>} : memref<200x32xf32, #tpu.memory_space<vmem>>, vector<16xf32>,
      %get3A_249 = arith.index_cast %add3A_234 : i32 to index
      %get3A_250 = arith.constant 16 : index
      %get3A_251 = tpu.vector_load %arg7[%get3A_249, %get3A_250] {strides = array<i32>} : memref<200x32xf32, #tpu.memory_space<vmem>>, vector<16xf32>,
      %scan3A_252 = arith.constant 0 : i32
      %scan3A_253 = arith.constant 0 : i32
      %scan3A_254 = arith.constant 128 : i32
      %scan3A_255 = arith.addi %scan3A_253, %scan3A_254 : i32
      %scan3A_256 = arith.constant 8 : i32
      scf.for %scan3A_283 = %scan3A_253 to %scan3A_255 step %scan3A_256  : i32 {
        %broadcast_in_dim3A = vector.broadcast %scan3A_283 : i32 to vector<16xi32>
        %get3A_284 = arith.index_cast %scan3A_283 : i32 to index
        %get3A_285 = arith.constant 0 : index
        %get3A_286 = tpu.vector_load %arg11[%get3A_284, %get3A_285] {strides = array<i32>} : memref<128x32xf32, #tpu.memory_space<vmem>>, vector<16xf32>,
        %add3A_287 = arith.addf %get3A_286, %get3A_248 : vector<16xf32>
        tpu.vector_store_idx %arg13[%div3A_6, %rem3A_4, %broadcast_in_dim3A], %add3A_287 : memref<4x8x129xf32, #tpu.memory_space<vmem>>[vector<16xi32>, vector<16xi32>, vector<16xi32>], vector<16xf32>,
        %get3A_288 = arith.index_cast %scan3A_283 : i32 to index
        %get3A_289 = arith.constant 16 : index
        %get3A_290 = tpu.vector_load %arg11[%get3A_288, %get3A_289] {strides = array<i32>} : memref<128x32xf32, #tpu.memory_space<vmem>>, vector<16xf32>,
        %add3A_291 = arith.addf %get3A_290, %get3A_251 : vector<16xf32>
        tpu.vector_store_idx %arg13[%add3A_9, %rem3A_4, %broadcast_in_dim3A], %add3A_291 : memref<4x8x129xf32, #tpu.memory_space<vmem>>[vector<16xi32>, vector<16xi32>, vector<16xi32>], vector<16xf32>,
        %scan3A_292 = arith.constant 1 : i32
        %scan3A_293 = arith.addi %scan3A_283, %scan3A_292 : i32
        %broadcast_in_dim3A_294 = vector.broadcast %scan3A_293 : i32 to vector<16xi32>
        %get3A_295 = arith.index_cast %scan3A_293 : i32 to index
        %get3A_296 = arith.constant 0 : index
        %get3A_297 = tpu.vector_load %arg11[%get3A_295, %get3A_296] {strides = array<i32>} : memref<128x32xf32, #tpu.memory_space<vmem>>, vector<16xf32>,
        %add3A_298 = arith.addf %get3A_297, %get3A_248 : vector<16xf32>
        tpu.vector_store_idx %arg13[%div3A_6, %rem3A_4, %broadcast_in_dim3A_294], %add3A_298 : memref<4x8x129xf32, #tpu.memory_space<vmem>>[vector<16xi32>, vector<16xi32>, vector<16xi32>], vector<16xf32>,
        %get3A_299 = arith.index_cast %scan3A_293 : i32 to index
        %get3A_300 = arith.constant 16 : index
        %get3A_301 = tpu.vector_load %arg11[%get3A_299, %get3A_300] {strides = array<i32>} : memref<128x32xf32, #tpu.memory_space<vmem>>, vector<16xf32>,
        %add3A_302 = arith.addf %get3A_301, %get3A_251 : vector<16xf32>
        tpu.vector_store_idx %arg13[%add3A_9, %rem3A_4, %broadcast_in_dim3A_294], %add3A_302 : memref<4x8x129xf32, #tpu.memory_space<vmem>>[vector<16xi32>, vector<16xi32>, vector<16xi32>], vector<16xf32>,
        %scan3A_303 = arith.constant 2 : i32
        %scan3A_304 = arith.addi %scan3A_283, %scan3A_303 : i32
        %broadcast_in_dim3A_305 = vector.broadcast %scan3A_304 : i32 to vector<16xi32>
        %get3A_306 = arith.index_cast %scan3A_304 : i32 to index
        %get3A_307 = arith.constant 0 : index
        %get3A_308 = tpu.vector_load %arg11[%get3A_306, %get3A_307] {strides = array<i32>} : memref<128x32xf32, #tpu.memory_space<vmem>>, vector<16xf32>,
        %add3A_309 = arith.addf %get3A_308, %get3A_248 : vector<16xf32>
        tpu.vector_store_idx %arg13[%div3A_6, %rem3A_4, %broadcast_in_dim3A_305], %add3A_309 : memref<4x8x129xf32, #tpu.memory_space<vmem>>[vector<16xi32>, vector<16xi32>, vector<16xi32>], vector<16xf32>,
        %get3A_310 = arith.index_cast %scan3A_304 : i32 to index
        %get3A_311 = arith.constant 16 : index
        %get3A_312 = tpu.vector_load %arg11[%get3A_310, %get3A_311] {strides = array<i32>} : memref<128x32xf32, #tpu.memory_space<vmem>>, vector<16xf32>,
        %add3A_313 = arith.addf %get3A_312, %get3A_251 : vector<16xf32>
        tpu.vector_store_idx %arg13[%add3A_9, %rem3A_4, %broadcast_in_dim3A_305], %add3A_313 : memref<4x8x129xf32, #tpu.memory_space<vmem>>[vector<16xi32>, vector<16xi32>, vector<16xi32>], vector<16xf32>,
        %scan3A_314 = arith.constant 3 : i32
        %scan3A_315 = arith.addi %scan3A_283, %scan3A_314 : i32
        %broadcast_in_dim3A_316 = vector.broadcast %scan3A_315 : i32 to vector<16xi32>
        %get3A_317 = arith.index_cast %scan3A_315 : i32 to index
        %get3A_318 = arith.constant 0 : index
        %get3A_319 = tpu.vector_load %arg11[%get3A_317, %get3A_318] {strides = array<i32>} : memref<128x32xf32, #tpu.memory_space<vmem>>, vector<16xf32>,
        %add3A_320 = arith.addf %get3A_319, %get3A_248 : vector<16xf32>
        tpu.vector_store_idx %arg13[%div3A_6, %rem3A_4, %broadcast_in_dim3A_316], %add3A_320 : memref<4x8x129xf32, #tpu.memory_space<vmem>>[vector<16xi32>, vector<16xi32>, vector<16xi32>], vector<16xf32>,
        %get3A_321 = arith.index_cast %scan3A_315 : i32 to index
        %get3A_322 = arith.constant 16 : index
        %get3A_323 = tpu.vector_load %arg11[%get3A_321, %get3A_322] {strides = array<i32>} : memref<128x32xf32, #tpu.memory_space<vmem>>, vector<16xf32>,
        %add3A_324 = arith.addf %get3A_323, %get3A_251 : vector<16xf32>
        tpu.vector_store_idx %arg13[%add3A_9, %rem3A_4, %broadcast_in_dim3A_316], %add3A_324 : memref<4x8x129xf32, #tpu.memory_space<vmem>>[vector<16xi32>, vector<16xi32>, vector<16xi32>], vector<16xf32>,
        %scan3A_325 = arith.constant 4 : i32
        %scan3A_326 = arith.addi %scan3A_283, %scan3A_325 : i32
        %broadcast_in_dim3A_327 = vector.broadcast %scan3A_326 : i32 to vector<16xi32>
        %get3A_328 = arith.index_cast %scan3A_326 : i32 to index
        %get3A_329 = arith.constant 0 : index
        %get3A_330 = tpu.vector_load %arg11[%get3A_328, %get3A_329] {strides = array<i32>} : memref<128x32xf32, #tpu.memory_space<vmem>>, vector<16xf32>,
        %add3A_331 = arith.addf %get3A_330, %get3A_248 : vector<16xf32>
        tpu.vector_store_idx %arg13[%div3A_6, %rem3A_4, %broadcast_in_dim3A_327], %add3A_331 : memref<4x8x129xf32, #tpu.memory_space<vmem>>[vector<16xi32>, vector<16xi32>, vector<16xi32>], vector<16xf32>,
        %get3A_332 = arith.index_cast %scan3A_326 : i32 to index
        %get3A_333 = arith.constant 16 : index
        %get3A_334 = tpu.vector_load %arg11[%get3A_332, %get3A_333] {strides = array<i32>} : memref<128x32xf32, #tpu.memory_space<vmem>>, vector<16xf32>,
        %add3A_335 = arith.addf %get3A_334, %get3A_251 : vector<16xf32>
        tpu.vector_store_idx %arg13[%add3A_9, %rem3A_4, %broadcast_in_dim3A_327], %add3A_335 : memref<4x8x129xf32, #tpu.memory_space<vmem>>[vector<16xi32>, vector<16xi32>, vector<16xi32>], vector<16xf32>,
        %scan3A_336 = arith.constant 5 : i32
        %scan3A_337 = arith.addi %scan3A_283, %scan3A_336 : i32
        %broadcast_in_dim3A_338 = vector.broadcast %scan3A_337 : i32 to vector<16xi32>
        %get3A_339 = arith.index_cast %scan3A_337 : i32 to index
        %get3A_340 = arith.constant 0 : index
        %get3A_341 = tpu.vector_load %arg11[%get3A_339, %get3A_340] {strides = array<i32>} : memref<128x32xf32, #tpu.memory_space<vmem>>, vector<16xf32>,
        %add3A_342 = arith.addf %get3A_341, %get3A_248 : vector<16xf32>
        tpu.vector_store_idx %arg13[%div3A_6, %rem3A_4, %broadcast_in_dim3A_338], %add3A_342 : memref<4x8x129xf32, #tpu.memory_space<vmem>>[vector<16xi32>, vector<16xi32>, vector<16xi32>], vector<16xf32>,
        %get3A_343 = arith.index_cast %scan3A_337 : i32 to index
        %get3A_344 = arith.constant 16 : index
        %get3A_345 = tpu.vector_load %arg11[%get3A_343, %get3A_344] {strides = array<i32>} : memref<128x32xf32, #tpu.memory_space<vmem>>, vector<16xf32>,
        %add3A_346 = arith.addf %get3A_345, %get3A_251 : vector<16xf32>
        tpu.vector_store_idx %arg13[%add3A_9, %rem3A_4, %broadcast_in_dim3A_338], %add3A_346 : memref<4x8x129xf32, #tpu.memory_space<vmem>>[vector<16xi32>, vector<16xi32>, vector<16xi32>], vector<16xf32>,
        %scan3A_347 = arith.constant 6 : i32
        %scan3A_348 = arith.addi %scan3A_283, %scan3A_347 : i32
        %broadcast_in_dim3A_349 = vector.broadcast %scan3A_348 : i32 to vector<16xi32>
        %get3A_350 = arith.index_cast %scan3A_348 : i32 to index
        %get3A_351 = arith.constant 0 : index
        %get3A_352 = tpu.vector_load %arg11[%get3A_350, %get3A_351] {strides = array<i32>} : memref<128x32xf32, #tpu.memory_space<vmem>>, vector<16xf32>,
        %add3A_353 = arith.addf %get3A_352, %get3A_248 : vector<16xf32>
        tpu.vector_store_idx %arg13[%div3A_6, %rem3A_4, %broadcast_in_dim3A_349], %add3A_353 : memref<4x8x129xf32, #tpu.memory_space<vmem>>[vector<16xi32>, vector<16xi32>, vector<16xi32>], vector<16xf32>,
        %get3A_354 = arith.index_cast %scan3A_348 : i32 to index
        %get3A_355 = arith.constant 16 : index
        %get3A_356 = tpu.vector_load %arg11[%get3A_354, %get3A_355] {strides = array<i32>} : memref<128x32xf32, #tpu.memory_space<vmem>>, vector<16xf32>,
        %add3A_357 = arith.addf %get3A_356, %get3A_251 : vector<16xf32>
        tpu.vector_store_idx %arg13[%add3A_9, %rem3A_4, %broadcast_in_dim3A_349], %add3A_357 : memref<4x8x129xf32, #tpu.memory_space<vmem>>[vector<16xi32>, vector<16xi32>, vector<16xi32>], vector<16xf32>,
        %scan3A_358 = arith.constant 7 : i32
        %scan3A_359 = arith.addi %scan3A_283, %scan3A_358 : i32
        %broadcast_in_dim3A_360 = vector.broadcast %scan3A_359 : i32 to vector<16xi32>
        %get3A_361 = arith.index_cast %scan3A_359 : i32 to index
        %get3A_362 = arith.constant 0 : index
        %get3A_363 = tpu.vector_load %arg11[%get3A_361, %get3A_362] {strides = array<i32>} : memref<128x32xf32, #tpu.memory_space<vmem>>, vector<16xf32>,
        %add3A_364 = arith.addf %get3A_363, %get3A_248 : vector<16xf32>
        tpu.vector_store_idx %arg13[%div3A_6, %rem3A_4, %broadcast_in_dim3A_360], %add3A_364 : memref<4x8x129xf32, #tpu.memory_space<vmem>>[vector<16xi32>, vector<16xi32>, vector<16xi32>], vector<16xf32>,
        %get3A_365 = arith.index_cast %scan3A_359 : i32 to index
        %get3A_366 = arith.constant 16 : index
        %get3A_367 = tpu.vector_load %arg11[%get3A_365, %get3A_366] {strides = array<i32>} : memref<128x32xf32, #tpu.memory_space<vmem>>, vector<16xf32>,
        %add3A_368 = arith.addf %get3A_367, %get3A_251 : vector<16xf32>
        tpu.vector_store_idx %arg13[%add3A_9, %rem3A_4, %broadcast_in_dim3A_360], %add3A_368 : memref<4x8x129xf32, #tpu.memory_space<vmem>>[vector<16xi32>, vector<16xi32>, vector<16xi32>], vector<16xf32>,
      }
      %scan3A_257 = arith.constant 128 : i32
      %dma_start3A_258 = arith.constant 0 : i32
      %dma_start3A_259 = arith.constant 0 : i32
      %dma_start3A_260 = arith.constant 0 : i32
      %dma_start3A_261 = tpu.memref_slice %arg13[%dma_start3A_258, %dma_start3A_259, %dma_start3A_260] : memref<4x8x129xf32, #tpu.memory_space<vmem>> -> memref<4x8x128xf32, #tpu.memory_space<vmem>>
      %dma_start3A_262 = arith.constant 0 : i32
      %dma_start3A_263 = arith.constant 0 : i32
      %dma_start3A_264 = arith.constant 0 : i32
      %dma_start3A_265 = tpu.memref_slice %arg5[%add3A_234, %dma_start3A_262, %add3A, %dma_start3A_263, %dma_start3A_264] : memref<200x4x32x8x128xf32, #tpu.memory_space<hbm>> -> memref<1x4x1x8x128xf32, #tpu.memory_space<hbm>>
      %dma_start3A_266 = tpu.memref_squeeze %dma_start3A_265 : memref<1x4x1x8x128xf32, #tpu.memory_space<hbm>> -> memref<4x8x128xf32, #tpu.memory_space<hbm>>
      %dma_start3A_267 = arith.constant 0 : i32
      %dma_start3A_268 = arith.constant 0 : i32
      %dma_start3A_269 = arith.constant 0 : i32
      %dma_start3A_270 = tpu.memref_slice %arg5[%add3A_234, %dma_start3A_267, %add3A, %dma_start3A_268, %dma_start3A_269] : memref<200x4x32x8x128xf32, #tpu.memory_space<hbm>> -> memref<1x4x1x8x128xf32, #tpu.memory_space<hbm>>
      %dma_start3A_271 = tpu.memref_squeeze %dma_start3A_270 : memref<1x4x1x8x128xf32, #tpu.memory_space<hbm>> -> memref<4x8x128xf32, #tpu.memory_space<hbm>>
      %dma_start3A_272 = arith.constant 0 : i32
      %dma_start3A_273 = arith.constant 0 : i32
      %dma_start3A_274 = arith.constant 0 : i32
      %dma_start3A_275 = tpu.memref_slice %arg13[%dma_start3A_272, %dma_start3A_273, %dma_start3A_274] : memref<4x8x129xf32, #tpu.memory_space<vmem>> -> memref<4x8x128xf32, #tpu.memory_space<vmem>>
      tpu.enqueue_dma source(%dma_start3A_275 : memref<4x8x128xf32, #tpu.memory_space<vmem>>) target(%dma_start3A_271 : memref<4x8x128xf32, #tpu.memory_space<hbm>>) target_semaphore(%arg19 : memref<!tpu.dma_semaphore, #tpu.memory_space<semaphore_mem>>)
      %add3A_276 = arith.constant 4 : i32
      %add3A_277 = arith.addi %add3A_234, %add3A_276 : i32
      %lt3A_278 = arith.constant 200 : i32
      %lt3A_279 = arith.cmpi slt, %add3A_277, %lt3A_278 : i32
      %convert_element_type3A_280 = arith.extui %lt3A_279 : i1 to i32
      %cond3A_281 = arith.constant 0 : i32
      %cond3A_282 = arith.cmpi ne, %convert_element_type3A_280, %cond3A_281 : i32
      scf.if %cond3A_282 {
        %add3A_283 = arith.constant 4 : i32
        %add3A_284 = arith.addi %add3A_234, %add3A_283 : i32
        %dma_start3A_285 = arith.constant 0 : i32
        %dma_start3A_286 = tpu.memref_slice %arg6[%add3A_284, %dma_start3A_285] : memref<200x128xi32, #tpu.memory_space<vmem>> -> memref<1x128xi32, #tpu.memory_space<vmem>>
        %dma_start3A_287 = tpu.memref_squeeze %dma_start3A_286 : memref<1x128xi32, #tpu.memory_space<vmem>> -> memref<128xi32, #tpu.memory_space<vmem>>
        %dma_start3A_288 = arith.constant 0 : i32
        %dma_start3A_289 = arith.constant 0 : i32
        %dma_start3A_290 = tpu.memref_slice %arg3[%dma_start3A_288, %dma_start3A_289] : memref<1000000x32xf32, #tpu.memory_space<hbm>> -> memref<1000000x32xf32, #tpu.memory_space<hbm>>
        tpu.enqueue_indirect_dma source(%dma_start3A_290 : memref<1000000x32xf32, #tpu.memory_space<hbm>>) target(%arg11 : memref<128x32xf32, #tpu.memory_space<vmem>>) offsets(%dma_start3A_287 : memref<128xi32, #tpu.memory_space<vmem>>) semaphore(%arg17 : memref<!tpu.dma_semaphore, #tpu.memory_space<semaphore_mem>>)
      } else {
      }
    }
    %scan3A_41 = arith.constant 50 : i32
    %dma_wait3A = arith.constant 198 : i32
    %dma_wait3A_42 = arith.constant 0 : i32
    %dma_wait3A_43 = arith.constant 0 : i32
    %dma_wait3A_44 = arith.constant 0 : i32
    %dma_wait3A_45 = tpu.memref_slice %arg12[%dma_wait3A_42, %dma_wait3A_43, %dma_wait3A_44] : memref<4x8x129xf32, #tpu.memory_space<vmem>> -> memref<4x8x128xf32, #tpu.memory_space<vmem>>
    %dma_wait3A_46 = arith.constant 0 : i32
    %dma_wait3A_47 = arith.constant 0 : i32
    %dma_wait3A_48 = arith.constant 0 : i32
    %dma_wait3A_49 = tpu.memref_slice %arg5[%dma_wait3A, %dma_wait3A_46, %add3A, %dma_wait3A_47, %dma_wait3A_48] : memref<200x4x32x8x128xf32, #tpu.memory_space<hbm>> -> memref<1x4x1x8x128xf32, #tpu.memory_space<hbm>>
    %dma_wait3A_50 = tpu.memref_squeeze %dma_wait3A_49 : memref<1x4x1x8x128xf32, #tpu.memory_space<hbm>> -> memref<4x8x128xf32, #tpu.memory_space<hbm>>
    %dma_wait3A_51 = arith.constant 0 : i32
    %dma_wait3A_52 = arith.constant 0 : i32
    %dma_wait3A_53 = arith.constant 0 : i32
    %dma_wait3A_54 = tpu.memref_slice %arg5[%dma_wait3A, %dma_wait3A_51, %add3A, %dma_wait3A_52, %dma_wait3A_53] : memref<200x4x32x8x128xf32, #tpu.memory_space<hbm>> -> memref<1x4x1x8x128xf32, #tpu.memory_space<hbm>>
    %dma_wait3A_55 = tpu.memref_squeeze %dma_wait3A_54 : memref<1x4x1x8x128xf32, #tpu.memory_space<hbm>> -> memref<4x8x128xf32, #tpu.memory_space<hbm>>
    %dma_wait3A_56 = arith.constant 0 : i32
    %dma_wait3A_57 = arith.constant 0 : i32
    %dma_wait3A_58 = arith.constant 0 : i32
    %dma_wait3A_59 = tpu.memref_slice %arg12[%dma_wait3A_56, %dma_wait3A_57, %dma_wait3A_58] : memref<4x8x129xf32, #tpu.memory_space<vmem>> -> memref<4x8x128xf32, #tpu.memory_space<vmem>>
    tpu.wait_dma2 semaphore(%arg18 : memref<!tpu.dma_semaphore, #tpu.memory_space<semaphore_mem>>) src(%dma_wait3A_59 : memref<4x8x128xf32, #tpu.memory_space<vmem>>) dst(%dma_wait3A_55 : memref<4x8x128xf32, #tpu.memory_space<hbm>>)
    %dma_wait3A_60 = arith.constant 199 : i32
    %dma_wait3A_61 = arith.constant 0 : i32
    %dma_wait3A_62 = arith.constant 0 : i32
    %dma_wait3A_63 = arith.constant 0 : i32
    %dma_wait3A_64 = tpu.memref_slice %arg13[%dma_wait3A_61, %dma_wait3A_62, %dma_wait3A_63] : memref<4x8x129xf32, #tpu.memory_space<vmem>> -> memref<4x8x128xf32, #tpu.memory_space<vmem>>
    %dma_wait3A_65 = arith.constant 0 : i32
    %dma_wait3A_66 = arith.constant 0 : i32
    %dma_wait3A_67 = arith.constant 0 : i32
    %dma_wait3A_68 = tpu.memref_slice %arg5[%dma_wait3A_60, %dma_wait3A_65, %add3A, %dma_wait3A_66, %dma_wait3A_67] : memref<200x4x32x8x128xf32, #tpu.memory_space<hbm>> -> memref<1x4x1x8x128xf32, #tpu.memory_space<hbm>>
    %dma_wait3A_69 = tpu.memref_squeeze %dma_wait3A_68 : memref<1x4x1x8x128xf32, #tpu.memory_space<hbm>> -> memref<4x8x128xf32, #tpu.memory_space<hbm>>
    %dma_wait3A_70 = arith.constant 0 : i32
    %dma_wait3A_71 = arith.constant 0 : i32
    %dma_wait3A_72 = arith.constant 0 : i32
    %dma_wait3A_73 = tpu.memref_slice %arg5[%dma_wait3A_60, %dma_wait3A_70, %add3A, %dma_wait3A_71, %dma_wait3A_72] : memref<200x4x32x8x128xf32, #tpu.memory_space<hbm>> -> memref<1x4x1x8x128xf32, #tpu.memory_space<hbm>>
    %dma_wait3A_74 = tpu.memref_squeeze %dma_wait3A_73 : memref<1x4x1x8x128xf32, #tpu.memory_space<hbm>> -> memref<4x8x128xf32, #tpu.memory_space<hbm>>
    %dma_wait3A_75 = arith.constant 0 : i32
    %dma_wait3A_76 = arith.constant 0 : i32
    %dma_wait3A_77 = arith.constant 0 : i32
    %dma_wait3A_78 = tpu.memref_slice %arg13[%dma_wait3A_75, %dma_wait3A_76, %dma_wait3A_77] : memref<4x8x129xf32, #tpu.memory_space<vmem>> -> memref<4x8x128xf32, #tpu.memory_space<vmem>>
    tpu.wait_dma2 semaphore(%arg19 : memref<!tpu.dma_semaphore, #tpu.memory_space<semaphore_mem>>) src(%dma_wait3A_78 : memref<4x8x128xf32, #tpu.memory_space<vmem>>) dst(%dma_wait3A_74 : memref<4x8x128xf32, #tpu.memory_space<hbm>>)
    return
  }
}

</mosaic_0001>

<sc_bundles>
// kernel: kernel.3.cloned.1.call-start
scs
__scs_entry_jumppad:
0x0: {  	(pc) =	sbr.rel $0x88, $3  }
0x1: {  	(tag) =	ssettag $0x0;
	lr =	simm.s32 $0x1  }
0x2: {  	[smem:$0x3F9E] =	sst lr;
	_ =	strace $0xD0000000  }
0x3: {  	_ = 	snop  }
0x4: {  	_ = 	snop  }
0x5: {  	_ = 	snop  }
0x6: {  	_ = 	snop  }
0x7: {  	_ = 	snop  }
__scs_overlays_trampoline_lowered:
0x8: {  	[smem:$0x3FAD] =	sst s0  }
0x9: {  	[smem:$0x3FAE] =	sst s1  }
0xa: {  	[smem:$0x3FAF] =	sst s2  }
0xb: {  	[smem:$0x3FB0] =	sst s3  }
0xc: {  	[smem:$0x3FB1] =	sst s4  }
0xd: {  	[smem:$0x3FB2] =	sst s5  }
0xe: {  	[smem:$0x3FB3] =	sst s6  }
0xf: {  	[smem:$0x3FB4] =	sst s7  }
0x10: {  	[smem:$0x3FB5] =	sst s8  }
0x11: {  	[smem:$0x3FB6] =	sst s9;
	s0 =	simm.s32 @!p0 $0x0  }
0x12: {  	s1 =	sld [smem:$0x3F9C];
	s0 =	simm.s32 @p0 $0x1  }
0x13: {  	[smem:$0x3FB7] =	sst s0;
	s0 =	simm.s32 @!p1 $0x0  }
0x14: {  	s2 =	sld [smem:$0x3F9B];
	s0 =	simm.s32 @p1 $0x1  }
0x15: {  	[smem:$0x3FB8] =	sst s0;
	s0 =	simm.s32 @!p2 $0x0  }
0x16: {  	s3 =	sld [smem:$0x3FDB];
	s0 =	simm.s32 @p2 $0x1  }
0x17: {  	s4 =	simm.s32 $0x1BF5;
	[smem:$0x3FBA] =	sst s0  }
0x18: {  	s0 =	sld [smem:$0x3F9D];
	_ =	swait.ge [sflag:s4], $0x0  }
0x19: {  	s7 =	sld [smem:$0x3F9E]  }
0x1a: {  	s8 =	sadd.s32 $0xFFFFE003, lr  }
0x1b: {  	s9 =	sadd.s32 $0xFFFFFEF7, lr;
	s5 =	simm.s32 $0xFFFFFFFF;
	p2 =	slt.u32 s8, $0xFFFFF086  }
0x1c: {  	p1 =	slt.u32 s9, $0xF7A;
	s5 =	simm.s32 @!p2 $0x0  }
0x1d: {  	s5 =	simm.s32 @p1 $0x1;
	p0 =	seq.s32 s7, s2  }
0x1e: {  	s7 =	smul.u32 @!p0 $0xF7A, s2;
	p2 =	seq.s32 @!p0 s5, $0x0  }
0x1f: {  	s9 =	smul.u32 $0xF7A, s1;
	s8 =	simm.s32 @!p0 $0x1BF5;
	p2 =	por !p2, p0  }
0x20: {  	[sflag:s8] =	ssyncset.s32 @!p0 $0xFFFFF086;
	s6 =	sadd.s32 @!p0 s3, s7;
	s7 =	simm.s32 @!p0 $0x108  }
0x21: {  	s3 =	sadd.s32 s3, s9;
	s6 =	sadd.s32 @!p0 $0x88, s6;
	s7 =	simm.s32 @p2 $0x1082  }
0x22: {  	[simem:s7], [sflag:s8] =	dma.local @!p0 [hbm:s6], $0xF7A  }
0x23: {  	s9 =	sor.u32 $0xD0000000, s2;
	s6 =	simm.s32 $0x108;
	_ =	swait.ge @!p0 [sflag:s8], $0x0  }
0x24: {  	s3 =	sadd.s32 $0x88, s3;
	s6 =	simm.s32 @!p1 $0x1082;
	[sflag:s4] =	ssyncset.s32 $0xFFFFF086  }
0x25: {  	[simem:s6], [sflag:s4] =	dma.local [hbm:s3], $0xF7A  }
0x26: {  	[smem:$0x3F9E] =	sst s1;
	(tag) =	ssettag s2;
	_ =	strace s9  }
0x27: {  	s1 =	sld [smem:$0x3FAE]  }
0x28: {  	s2 =	sld [smem:$0x3FAF]  }
0x29: {  	s4 =	sld [smem:$0x3FB1]  }
0x2a: {  	p0 =	seq.s32 s5, $0x0;
	s5 =	sld [smem:$0x3FB2]  }
0x2b: {  	s6 =	sld [smem:$0x3FB3]  }
0x2c: {  	s7 =	sld [smem:$0x3FB4]  }
0x2d: {  	s3 =	simm.s32 $0x108;
	s8 =	sld [smem:$0x3FB5]  }
0x2e: {  	s3 =	simm.s32 @!p0 $0x1082;
	s9 =	sld [smem:$0x3FB6]  }
0x2f: {  	lr =	sadd.s32 s0, s3;
	s0 =	sld [smem:$0x3FAD]  }
0x30: {  	s3 =	sld [smem:$0x3FB0]  }
0x31: {  	[smem:$0x3FB9] =	sst s10  }
0x32: {  	s10 =	sld [smem:$0x3FB7];
	_ =	sdelay $0x3  }
0x33: {  	p0 =	seq.s32 s10, $0x1;
	s10 =	sld [smem:$0x3FB9];
	_ =	sdelay $0x3  }
0x34: {  	[smem:$0x3FB9] =	sst s10  }
0x35: {  	s10 =	sld [smem:$0x3FB8];
	_ =	sdelay $0x3  }
0x36: {  	p1 =	seq.s32 s10, $0x1;
	s10 =	sld [smem:$0x3FB9];
	_ =	sdelay $0x3  }
0x37: {  	[smem:$0x3FB9] =	sst s10  }
0x38: {  	s10 =	sld [smem:$0x3FBA]  }
0x39: {  	_ = 	snop;
	(pc) =	sbr.ind lr, $3  }
0x3a: {  	_ = 	snop  }
0x3b: {  	_ = 	snop  }
0x3c: {  	p2 =	seq.s32 s10, $0x1;
	s10 =	sld [smem:$0x3FB9]  }
0x3d: {  	_ =	shalt  }
0x3e: {  	_ =	shalt  }
0x3f: {  	_ =	shalt  }
0x40: {  	_ =	shalt  }
0x41: {  	_ =	shalt  }
0x42: {  	_ =	shalt  }
0x43: {  	_ =	shalt  }
0x44: {  	_ =	shalt  }
0x45: {  	_ =	shalt  }
0x46: {  	_ =	shalt  }
0x47: {  	_ =	shalt  }
0x48: {  	_ =	shalt  }
0x49: {  	_ =	shalt  }
0x4a: {  	_ =	shalt  }
0x4b: {  	_ =	shalt  }
0x4c: {  	_ =	shalt  }
0x4d: {  	_ =	shalt  }
0x4e: {  	_ =	shalt  }
0x4f: {  	_ =	shalt  }
0x50: {  	_ =	shalt  }
0x51: {  	_ =	shalt  }
0x52: {  	_ =	shalt  }
0x53: {  	_ =	shalt  }
0x54: {  	_ =	shalt  }
0x55: {  	_ =	shalt  }
0x56: {  	_ =	shalt  }
0x57: {  	_ =	shalt  }
0x58: {  	_ =	shalt  }
0x59: {  	_ =	shalt  }
0x5a: {  	_ =	shalt  }
0x5b: {  	_ =	shalt  }
0x5c: {  	_ =	shalt  }
0x5d: {  	_ =	shalt  }
0x5e: {  	_ =	shalt  }
0x5f: {  	_ =	shalt  }
0x60: {  	_ =	shalt  }
0x61: {  	_ =	shalt  }
0x62: {  	_ =	shalt  }
0x63: {  	_ =	shalt  }
0x64: {  	_ =	shalt  }
0x65: {  	_ =	shalt  }
0x66: {  	_ =	shalt  }
0x67: {  	_ =	shalt  }
0x68: {  	_ =	shalt  }
0x69: {  	_ =	shalt  }
0x6a: {  	_ =	shalt  }
0x6b: {  	_ =	shalt  }
0x6c: {  	_ =	shalt  }
0x6d: {  	_ =	shalt  }
0x6e: {  	_ =	shalt  }
0x6f: {  	_ =	shalt  }
0x70: {  	_ =	shalt  }
0x71: {  	_ =	shalt  }
0x72: {  	_ =	shalt  }
0x73: {  	_ =	shalt  }
0x74: {  	_ =	shalt  }
0x75: {  	_ =	shalt  }
0x76: {  	_ =	shalt  }
0x77: {  	_ =	shalt  }
0x78: {  	_ =	shalt  }
0x79: {  	_ =	shalt  }
0x7a: {  	_ =	shalt  }
0x7b: {  	_ =	shalt  }
0x7c: {  	_ =	shalt  }
0x7d: {  	_ =	shalt  }
0x7e: {  	_ =	shalt  }
0x7f: {  	_ =	shalt  }
0x80: {  	_ =	shalt  }
0x81: {  	_ =	shalt  }
0x82: {  	_ =	shalt  }
0x83: {  	_ =	shalt  }
0x84: {  	_ =	shalt  }
0x85: {  	_ =	shalt  }
0x86: {  	_ =	shalt  }
0x87: {  	_ =	shalt  }
.Lfunc_end0:
.L_simem_size_0:
called_computation_lowered:
.L_overlay_start_0:
0x88: {  	s2 =	sld [smem:$0x3FD9]  }
0x89: {  	s3 =	sld [smem:$0x3FFE];
	_ =	sdelay $0x1  }
0x8a: {  	s1 =	srdreg.scid  }
0x8b: {  	s0 =	sand.u32 $0x1, s1  }
0x8c: {  	s17 =	sshll.u32 s0, $0xA;
	s2 =	sadd.s32 s3, s2  }
0x8d: {  	s2 =	sadd.s32 s2, s17  }
0x8e: {  	[smem:$0x3FC5] =	sst s2  }
0x8f: {  	_ = 	snop  }
0x90: {  	s2 =	sld [smem:$0x3FD0];
	(tm) =	ssettm $0x1  }
0x91: {  	s18 =	sld [smem:$0x3FFB];
	_ =	sdelay $0x3  }
0x92: {  	_ =	strace s18  }
0x93: {  	s3 =	sld [smem:$0x3FFC];
	_ =	sdelay $0x3  }
0x94: {  	_ =	strace s3  }
0x95: {  	s3 =	sld [smem:$0x3FFD];
	_ =	sdelay $0x3  }
0x96: {  	_ =	strace s3  }
0x97: {  	_ =	strace $0x8FFFFFFF  }
0x98: {  	s19 =	sld [smem:$0x3FDB];
	_ =	sdelay $0x1  }
0x99: {  	s4 =	simm.s32 $_scs_section_size  }
0x9a: {  	s5 =	simm.s32 $_size__tile_overlayer_lowered;
	s6 =	simm.s32 $_tile_overlayer_lowered  }
0x9b: {  	s22 =	simm.s32 $0x1BFF;
	s21 =	sshll.u32 s6, $0x1;
	s3 =	sadd.s32 s4, s19  }
0x9c: {  	s7 =	simm.s32 $0x0;
	s20 =	sshll.u32 s5, $0x1;
	s5 =	sadd.s32 s21, s3  }
0x9d: {  	[timem:s7], [sflag:s22] =	dma.local [hbm:s5], s20  }
0x9e: {  	_ =	swait.ge [sflag:s22], s20  }
0x9f: {  	s4 =	ssub.s32 $0x0, s20;
	[sflag:s22] =	ssyncset.done $0x0  }
0xa0: {  	[sflag:s22] =	ssyncadd.s32 s4;
	_ =	sdelay $0x1  }
0xa1: {  	s23 =	simm.s32 $0x1B8B  }
0xa2: {  	_ =	swait.ge [sflag:s23], $0x1  }
0xa3: {  	[sflag:s23] =	ssyncset.done $0x0  }
0xa4: {  	s25 =	simm.s32 $0x1B8E;
	s24 =	sld [smem:$0x3FFE];
	[sflag:s23] =	ssyncadd.s32 $0xFFFFFFFF  }
0xa5: {  	s26 =	simm.s32 $execute0_lowered;
	[smem:$0x3FD2] =	sst s25  }
0xa6: {  	s5 =	sshll.u32 s26, $0x1;
	_ =	strace $0x80000046;
	[dreg:$0x1] =	wrdreg $0xFFFFFFFF  }
0xa7: {  	s28 =	simm.s32 $_size_execute0_lowered;
	s3 =	sadd.s32 s3, s5;
	[dreg:$0x0] =	wrdreg $0x0  }
0xa8: {  	s5 =	sshll.u32 s28, $0x1;
	[dreg:$0x2] =	wrdreg s3  }
0xa9: {  	[dreg:$0x3] =	wrdreg s5  }
0xaa: {  	[dreg:$0x4] =	wrdreg $0xC0  }
0xab: {  	_ =	task [dreg:s7], $0x5FFFF  }
0xac: {  	[dreg:$0x1] =	wrdreg $0xFFFFFFFF  }
0xad: {  	[dreg:$0x0] =	wrdreg $0x60  }
0xae: {  	[dreg:$0x2] =	wrdreg s24  }
0xaf: {  	[dreg:$0x3] =	wrdreg s2  }
0xb0: {  	[dreg:$0x4] =	wrdreg $0x9  }
0xb1: {  	_ =	task.clear_ibuf [dreg:s7], $0x5FFFF;
	_ =	strace $0x90000046  }
0xb2: {  	s29 =	simm.s32 $0x9;
	_ =	strace $0x80000048  }
0xb3: {  	_ =	swait.ge [sflag:s29], $0x1  }
0xb4: {  	[sflag:s29] =	ssyncadd.s32 $0xFFFFFFFF  }
0xb5: {  	_ =	strace $0x90000048  }
0xb6: {  	_ =	sfence  }
0xb7: {  	s30 =	sld [smem:$0x0];
	_ =	sdelay $0x2  }
0xb8: {  	s31 =	sshll.u32 s1, $0xD;
	s1 =	sshrl.u32 s1, $0x2  }
0xb9: {  	s3 =	sand.u32 $0x4000, s31;
	s1 =	sadd.s32 s1, s30  }
0xba: {  	s0 =	sor.u32 s3, s0;
	s1 =	sshll.u32 s1, $0x11  }
0xbb: {  	s0 =	sor.u32 s1, s0  }
0xbc: {  	s0 =	sadd.s32 $0x8F2B, s0  }
0xbd: {  	[sflag:s0] =	ssyncadd.remote.s32 $0x1  }
0xbe: {  	_ =	sfence.sel $0xFFFF  }
0xbf: {  	[dreg:$0x0] =	wrdreg $0xFFFFFFFF;
	(pc) =	sbr.abs _section_cstart, $3  }
0xc0: {  	[dreg:$0x1] =	wrdreg $0xFFFFFFFF  }
0xc1: {  	_ =	task.clear_ibuf [dreg:s7], $0x2FFFF;
	_ =	strace $0x9FFFFFFF  }
0xc2: {  	(tm) =	ssettm $0x7FFFFFFF  }
0xc3: {  	_ =	shalt  }
tec
execute0_lowered:
.L_overlay_start_1:
0x0: {  	(tag) =	ssettag $0x1  }
0x1: {  	s0 =	rddreg [dreg:$0x0]  }
0x2: {  	s1 =	srdreg.scid;
	s3 =	stileid.u32  }
0x3: {  	s2 =	rddreg [dreg:$0x1];
	s19 =	simm.s32 $0x1;
	s20 =	simm.s32 $0xBD00  }
0x4: {  	s23 =	simm.s32 $0xBD88;
	s24 =	simm.s32 $0xBE10;
	s28 =	simm.s32 $0x2  }
0x5: {  	s29 =	simm.s32 $0xCE00;
	s30 =	simm.s32 $0xDAC0;
	s31 =	simm.s32 $0xDB48  }
0x6: {  	s10 =	simm.s32 $0xDCE0;
	s12 =	simm.s32 $0xDD68;
	s13 =	simm.s32 $0xDDF0  }
0x7: {  	s14 =	simm.s32 $0xDE78;
	s15 =	simm.s32 $0x3;
	s16 =	simm.s32 $0x5  }
0x8: {  	s17 =	simm.s32 $0x4;
	s1 =	sand.u32 $0x1, s1;
	s4 =	sshll.u32 s3, $0x1  }
0x9: {  	v0 =	vlaneseq.u32;
	s8 =	simm.s32 $0x0;
	s3 =	simm.s32 $0x0;
	s5 =	sor.u32 s1, s4  }
0xa: {  	v1 =	vimm.s32 $0x0;
	vm0 =	vcmask $0x300;
	v0 =	vmul.u32 $0x88, v0;
	[smem:$0x7FF] =	sst s3;
	s1 =	ssub.s32 $0x2, s1;
	s4 =	sshll.u32 s5, $0x4  }
0xb: {  	v1 =	vsel vm0, $0x3, v1;
	_ =	strace $0x80000047;
	s7 =	sshrl.u32 s1, $0x1;
	s6 =	sadd.s32 s4, s0  }
.Ltmp0:
0xc: {  	v2 =	vadd.s32 $0x880, v0;
	v3 =	vor.u32 $0x1, v0;
	v4 =	vadd.s32 $0x881, v0;
	s4 =	sadd.s32 $0xF42C00, s0;
	s0 =	sadd.s32 $0x19800, s0;
	(pc) =	sbr.rel .LBB2_1-.Ltmp0, $4  }
0xd: {  	v5 =	vor.u32 $0x2, v0;
	v6 =	vadd.s32 $0x882, v0;
	v7 =	vor.u32 $0x3, v0;
	s25 =	ssub.s32 s1, s7;
	s7 =	sshll.u32 s5, $0xA;
	s1 =	simm.s32 $0xDBD0  }
0xe: {  	v8 =	vadd.s32 $0x883, v0;
	v9 =	vor.u32 $0x4, v0;
	v10 =	vadd.s32 $0x884, v0;
	s5 =	simm.s32 $0x6;
	[dreg:$0x3] =	wrdreg s0;
	s26 =	sadd.s32 $0x800, s6  }
0xf: {  	v11 =	vor.u32 $0x5, v0;
	v12 =	vadd.s32 $0x885, v0;
	v13 =	vor.u32 $0x6, v0;
	s0 =	smax.u32 s25, $0x1;
	s25 =	simm.s32 $0xD9B0;
	[dreg:$0x4] =	wrdreg s26  }
0x10: {  	v14 =	vadd.s32 $0x886, v0;
	v15 =	vor.u32 $0x7, v0;
	v16 =	vadd.s32 $0x887, v0;
	[dreg:$0x5] =	wrdreg s0;
	s26 =	simm.s32 $0xDA38;
	s0 =	simm.s32 $0xDC58  }
.LBB2_12:
0x11: {  	_ =	swait.ge [sflag:s16], $0x1000  }
0x12: {  	[sflag:s16] =	ssyncset.done $0x0  }
0x13: {  	[sflag:s16] =	ssyncadd.s32 $0xFFFFF000  }
0x14: {  	_ =	swait.ge [sflag:s5], $0x1000  }
0x15: {  	s8 =	rddreg [dreg:$0x6]  }
0x16: {  	s6 =	rddreg [dreg:$0x5];
	s8 =	sadd.s32 $0x1, s8  }
0x17: {  	p0 =	sne.s32 s8, s6  }
.Ltmp1:
0x18: {  	_ = 	snop;
	(pc) =	sbr.rel @!p0 .LBB2_13-.Ltmp1, $3  }
0x19: {  	_ =	sdelay $0x1  }
0x1a: {  	[sflag:s5] =	ssyncset.done $0x0  }
0x1b: {  	[sflag:s5] =	ssyncadd.s32 $0xFFFFF000  }
.LBB2_1:
0x1c: {  	[dreg:$0x6] =	wrdreg s8  }
0x1d: {  	s6 =	rddreg [dreg:$0x4]  }
0x1e: {  	s8 =	simm.s32 $0x80;
	s9 =	simm.s32 $0x1000;
	s18 =	simm.s32 $0x7  }
0x1f: {  	[tilespmem:s3], [sflag:$0x7] =	stream.strided.gather [hbm4b:s6+s8], $0x6400, s9, s8, $0x38;
	[tilespmem:$0xDF00] =	vst v63  }
0x20: {  	_ =	swait.ge [sflag:s18], $0x6400  }
0x21: {  	[sflag:s18] =	ssyncset.done $0x0  }
0x22: {  	s11 =	simm.s32 $0x6400;
	s21 =	rddreg [dreg:$0x3];
	[sflag:s18] =	ssyncadd.s32 $0xFFFF9C00  }
0x23: {  	[tilespmem:s11], [sflag:$0x7] =	stream.linear.gather [hbm4b:s21+s3], $0x1900, $0x38;
	[tilespmem:$0xDF00] =	vst v63  }
0x24: {  	_ =	swait.ge [sflag:s18], $0x1900  }
0x25: {  	[sflag:s18] =	ssyncset.done $0x0  }
0x26: {  	s22 =	simm.s32 $0x7D00;
	[sflag:s18] =	ssyncadd.s32 $0xFFFFE700  }
0x27: {  	[tilespmem:s22], [sflag:$0x1] =	stream.indirect.gather [hbm4b:s4+s8], $0x20, s3, s8, $0xb8;
	[tilespmem:$0xDF00] =	vst v63  }
0x28: {  	s9 =	simm.s32 $0x8D00  }
0x29: {  	[tilespmem:s9], [sflag:$0x2] =	stream.indirect.gather [hbm4b:s4+s8], $0x20, s8, s8, $0xb8;
	[tilespmem:$0xDF00] =	vst v63  }
0x2a: {  	s11 =	simm.s32 $0x100;
	s18 =	simm.s32 $0x9D00  }
0x2b: {  	[tilespmem:s18], [sflag:$0x3] =	stream.indirect.gather [hbm4b:s4+s8], $0x20, s11, s8, $0xb8;
	[tilespmem:$0xDF00] =	vst v63  }
0x2c: {  	s6 =	simm.s32 $0x0;
	s21 =	simm.s32 $0x180;
	s22 =	simm.s32 $0xAD00  }
0x2d: {  	[tilespmem:s22], [sflag:$0x4] =	stream.indirect.gather [hbm4b:s4+s8], $0x20, s21, s8, $0xb8;
	[tilespmem:$0xDF00] =	vst v63  }
.LBB2_2:
0x2e: {  	_ =	swait.ge [sflag:s19], $0x1000  }
0x2f: {  	p1 =	seq.s32 s6, $0x0;
	[sflag:s19] =	ssyncset.done $0x0  }
0x30: {  	s8 =	simm.s32 @!p1 $0x5;
	[sflag:s19] =	ssyncadd.s32 $0xFFFFF000  }
0x31: {  	s9 =	simm.s32 $0x0;
	_ =	swait.ge @!p1 [sflag:s8], $0x1000  }
0x32: {  	s11 =	sshll.u32 s6, $0x7;
	v17 =	vmov s9;
	[sflag:s8] =	ssyncset.done @!p1 $0x0  }
0x33: {  	s9 =	sand.u32 $0x3FFFFF80, s11;
	v18 =	vshrl.u32 v17, $0x3;
	[sflag:s8] =	ssyncadd.s32 @!p1 $0xFFFFF000  }
0x34: {  	s11 =	simm.s32 $0x7D80;
	v18 =	vshll.u32 v18, v1;
	v17 =	vld [tilespmem:s9+$0x6400]  }
0x35: {  	v20 =	vbroadcast v18, $0x0;
	v19 =	vld [tilespmem:s11+$0xFFFFFF80];
	_ =	sdelay $0x1  }
0x36: {  	v21 =	vadd.s32 v0, v20;
	_ =	sdelay $0x2  }
0x37: {  	v19 =	vadd.f32 v19, v17;
	_ =	sdelay $0x1  }
0x38: {  	v18 =	vld [tilespmem:s9+$0x6410];
	[tilespmem:v21+s20+$0x0] =	vst.idx.msk $0xffff, v19  }
0x39: {  	v19 =	vld [tilespmem:s11+$0xFFFFFF90];
	_ =	sdelay $0x1  }
0x3a: {  	v20 =	vadd.s32 v2, v20;
	_ =	sdelay $0x1  }
0x3b: {  	s18 =	simm.s32 $0x1  }
0x3c: {  	v21 =	vmov s18;
	v19 =	vadd.f32 v19, v18  }
0x3d: {  	v21 =	vshrl.u32 v21, $0x3  }
0x3e: {  	[tilespmem:v20+s20+$0x0] =	vst.idx.msk $0xffff, v19;
	v19 =	vshll.u32 v21, v1  }
0x3f: {  	v20 =	vld [tilespmem:s11+$0xFFFFFFA0];
	v19 =	vbroadcast v19, $0x0;
	_ =	sdelay $0x1  }
0x40: {  	v21 =	vadd.s32 v3, v19;
	_ =	sdelay $0x2  }
0x41: {  	v20 =	vadd.f32 v20, v17;
	_ =	sdelay $0x1  }
0x42: {  	[tilespmem:v21+s20+$0x0] =	vst.idx.msk $0xffff, v20  }
0x43: {  	v20 =	vld [tilespmem:s11+$0xFFFFFFB0];
	_ =	sdelay $0x1  }
0x44: {  	v19 =	vadd.s32 v4, v19;
	_ =	sdelay $0x1  }
0x45: {  	s21 =	simm.s32 $0x2  }
0x46: {  	v21 =	vmov s21;
	v20 =	vadd.f32 v20, v18  }
0x47: {  	v21 =	vshrl.u32 v21, $0x3  }
0x48: {  	[tilespmem:v19+s20+$0x0] =	vst.idx.msk $0xffff, v20;
	v19 =	vshll.u32 v21, v1  }
0x49: {  	v20 =	vld [tilespmem:s11+$0xFFFFFFC0];
	v19 =	vbroadcast v19, $0x0;
	_ =	sdelay $0x1  }
0x4a: {  	v21 =	vadd.s32 v5, v19;
	_ =	sdelay $0x2  }
0x4b: {  	v20 =	vadd.f32 v20, v17;
	_ =	sdelay $0x1  }
0x4c: {  	[tilespmem:v21+s20+$0x0] =	vst.idx.msk $0xffff, v20  }
0x4d: {  	v20 =	vld [tilespmem:s11+$0xFFFFFFD0];
	_ =	sdelay $0x1  }
0x4e: {  	v19 =	vadd.s32 v6, v19;
	_ =	sdelay $0x1  }
0x4f: {  	s22 =	simm.s32 $0x3  }
0x50: {  	v21 =	vmov s22;
	v20 =	vadd.f32 v20, v18  }
0x51: {  	v21 =	vshrl.u32 v21, $0x3  }
0x52: {  	[tilespmem:v19+s20+$0x0] =	vst.idx.msk $0xffff, v20;
	v19 =	vshll.u32 v21, v1  }
0x53: {  	v20 =	vld [tilespmem:s11+$0xFFFFFFE0];
	v19 =	vbroadcast v19, $0x0;
	_ =	sdelay $0x1  }
0x54: {  	v21 =	vadd.s32 v7, v19;
	_ =	sdelay $0x2  }
0x55: {  	v20 =	vadd.f32 v20, v17;
	_ =	sdelay $0x1  }
0x56: {  	[tilespmem:v21+s20+$0x0] =	vst.idx.msk $0xffff, v20  }
0x57: {  	v20 =	vld [tilespmem:s11+$0xFFFFFFF0];
	_ =	sdelay $0x1  }
0x58: {  	v19 =	vadd.s32 v8, v19;
	_ =	sdelay $0x1  }
0x59: {  	s9 =	simm.s32 $0x4  }
0x5a: {  	v21 =	vmov s9;
	v20 =	vadd.f32 v20, v18  }
0x5b: {  	v21 =	vshrl.u32 v21, $0x3  }
0x5c: {  	[tilespmem:v19+s20+$0x0] =	vst.idx.msk $0xffff, v20;
	v19 =	vshll.u32 v21, v1  }
0x5d: {  	v20 =	vld [tilespmem:s11+$0x0];
	v19 =	vbroadcast v19, $0x0;
	_ =	sdelay $0x1  }
0x5e: {  	v21 =	vadd.s32 v9, v19;
	_ =	sdelay $0x2  }
0x5f: {  	v20 =	vadd.f32 v20, v17;
	_ =	sdelay $0x1  }
0x60: {  	[tilespmem:v21+s20+$0x0] =	vst.idx.msk $0xffff, v20  }
0x61: {  	v20 =	vld [tilespmem:s11+$0x10];
	_ =	sdelay $0x1  }
0x62: {  	v19 =	vadd.s32 v10, v19;
	_ =	sdelay $0x1  }
0x63: {  	s18 =	simm.s32 $0x5  }
0x64: {  	v21 =	vmov s18;
	v20 =	vadd.f32 v20, v18  }
0x65: {  	v21 =	vshrl.u32 v21, $0x3  }
0x66: {  	[tilespmem:v19+s20+$0x0] =	vst.idx.msk $0xffff, v20;
	v19 =	vshll.u32 v21, v1  }
0x67: {  	v20 =	vld [tilespmem:s11+$0x20];
	v19 =	vbroadcast v19, $0x0;
	_ =	sdelay $0x1  }
0x68: {  	v21 =	vadd.s32 v11, v19;
	_ =	sdelay $0x2  }
0x69: {  	v20 =	vadd.f32 v20, v17;
	_ =	sdelay $0x1  }
0x6a: {  	[tilespmem:v21+s20+$0x0] =	vst.idx.msk $0xffff, v20  }
0x6b: {  	v20 =	vld [tilespmem:s11+$0x30];
	_ =	sdelay $0x1  }
0x6c: {  	v19 =	vadd.s32 v12, v19;
	_ =	sdelay $0x1  }
0x6d: {  	s21 =	simm.s32 $0x6  }
0x6e: {  	v21 =	vmov s21;
	v20 =	vadd.f32 v20, v18  }
0x6f: {  	v21 =	vshrl.u32 v21, $0x3  }
0x70: {  	[tilespmem:v19+s20+$0x0] =	vst.idx.msk $0xffff, v20;
	v19 =	vshll.u32 v21, v1  }
0x71: {  	v20 =	vld [tilespmem:s11+$0x40];
	v19 =	vbroadcast v19, $0x0;
	_ =	sdelay $0x1  }
0x72: {  	v21 =	vadd.s32 v13, v19;
	_ =	sdelay $0x2  }
0x73: {  	v20 =	vadd.f32 v20, v17;
	_ =	sdelay $0x1  }
0x74: {  	[tilespmem:v21+s20+$0x0] =	vst.idx.msk $0xffff, v20  }
0x75: {  	v20 =	vld [tilespmem:s11+$0x50];
	_ =	sdelay $0x1  }
0x76: {  	v19 =	vadd.s32 v14, v19;
	_ =	sdelay $0x1  }
0x77: {  	s22 =	simm.s32 $0x7  }
0x78: {  	v21 =	vmov s22;
	v20 =	vadd.f32 v20, v18  }
0x79: {  	v21 =	vshrl.u32 v21, $0x3  }
0x7a: {  	[tilespmem:v19+s20+$0x0] =	vst.idx.msk $0xffff, v20;
	v19 =	vshll.u32 v21, v1  }
0x7b: {  	v20 =	vld [tilespmem:s11+$0x60];
	v19 =	vbroadcast v19, $0x0;
	_ =	sdelay $0x1  }
0x7c: {  	v21 =	vadd.s32 v15, v19;
	_ =	sdelay $0x2  }
0x7d: {  	v20 =	vadd.f32 v20, v17;
	_ =	sdelay $0x1  }
0x7e: {  	[tilespmem:v21+s20+$0x0] =	vst.idx.msk $0xffff, v20  }
0x7f: {  	v20 =	vld [tilespmem:s11+$0x70];
	_ =	sdelay $0x1  }
0x80: {  	v19 =	vadd.s32 v16, v19  }
0x81: {  	s9 =	simm.s32 $0x8  }
0x82: {  	v21 =	vmov s9  }
0x83: {  	s8 =	sshll.u32 s6, $0x2;
	s18 =	simm.s32 $0x10;
	v21 =	vshrl.u32 v21, $0x3;
	v20 =	vadd.f32 v20, v18  }
.LBB2_3:
0x84: {  	p0 =	slt.u32 s18, $0x78  }
0x85: {  	v21 =	vshll.u32 v21, v1;
	[tilespmem:v19+s20+$0x0] =	vst.idx.msk $0xffff, v20;
	s11 =	sadd.s32 $0x100, s11;
	s21 =	smov.u32 s18;
	s18 =	sadd.s32 $0x8, s18  }
0x86: {  	v19 =	vld [tilespmem:s11+$0xFFFFFF80];
	v20 =	vbroadcast v21, $0x0;
	_ =	sdelay $0x1  }
0x87: {  	v21 =	vadd.s32 v0, v20;
	_ =	sdelay $0x2  }
0x88: {  	v19 =	vadd.f32 v19, v17;
	_ =	sdelay $0x1  }
0x89: {  	[tilespmem:v21+s20+$0x0] =	vst.idx.msk $0xffff, v19  }
0x8a: {  	v19 =	vld [tilespmem:s11+$0xFFFFFF90];
	_ =	sdelay $0x1  }
0x8b: {  	v20 =	vadd.s32 v2, v20;
	_ =	sdelay $0x1  }
0x8c: {  	s22 =	sadd.s32 $0x1, s9  }
0x8d: {  	v21 =	vmov s22;
	v19 =	vadd.f32 v19, v18  }
0x8e: {  	v21 =	vshrl.u32 v21, $0x3  }
0x8f: {  	[tilespmem:v20+s20+$0x0] =	vst.idx.msk $0xffff, v19;
	v19 =	vshll.u32 v21, v1  }
0x90: {  	v20 =	vld [tilespmem:s11+$0xFFFFFFA0];
	v19 =	vbroadcast v19, $0x0;
	_ =	sdelay $0x1  }
0x91: {  	v21 =	vadd.s32 v3, v19;
	_ =	sdelay $0x2  }
0x92: {  	v20 =	vadd.f32 v20, v17;
	_ =	sdelay $0x1  }
0x93: {  	[tilespmem:v21+s20+$0x0] =	vst.idx.msk $0xffff, v20  }
0x94: {  	v20 =	vld [tilespmem:s11+$0xFFFFFFB0];
	_ =	sdelay $0x1  }
0x95: {  	v19 =	vadd.s32 v4, v19;
	_ =	sdelay $0x1  }
0x96: {  	s22 =	sadd.s32 $0x2, s9  }
0x97: {  	v21 =	vmov s22;
	v20 =	vadd.f32 v20, v18  }
0x98: {  	v21 =	vshrl.u32 v21, $0x3  }
0x99: {  	[tilespmem:v19+s20+$0x0] =	vst.idx.msk $0xffff, v20;
	v19 =	vshll.u32 v21, v1  }
0x9a: {  	v20 =	vld [tilespmem:s11+$0xFFFFFFC0];
	v19 =	vbroadcast v19, $0x0;
	_ =	sdelay $0x1  }
0x9b: {  	v21 =	vadd.s32 v5, v19;
	_ =	sdelay $0x2  }
0x9c: {  	v20 =	vadd.f32 v20, v17;
	_ =	sdelay $0x1  }
0x9d: {  	[tilespmem:v21+s20+$0x0] =	vst.idx.msk $0xffff, v20  }
0x9e: {  	v20 =	vld [tilespmem:s11+$0xFFFFFFD0];
	_ =	sdelay $0x1  }
0x9f: {  	v19 =	vadd.s32 v6, v19;
	_ =	sdelay $0x1  }
0xa0: {  	s22 =	sadd.s32 $0x3, s9  }
0xa1: {  	v21 =	vmov s22;
	v20 =	vadd.f32 v20, v18  }
0xa2: {  	v21 =	vshrl.u32 v21, $0x3  }
0xa3: {  	[tilespmem:v19+s20+$0x0] =	vst.idx.msk $0xffff, v20;
	v19 =	vshll.u32 v21, v1  }
0xa4: {  	v20 =	vld [tilespmem:s11+$0xFFFFFFE0];
	v19 =	vbroadcast v19, $0x0;
	_ =	sdelay $0x1  }
0xa5: {  	v21 =	vadd.s32 v7, v19;
	_ =	sdelay $0x2  }
0xa6: {  	v20 =	vadd.f32 v20, v17;
	_ =	sdelay $0x1  }
0xa7: {  	[tilespmem:v21+s20+$0x0] =	vst.idx.msk $0xffff, v20  }
0xa8: {  	v20 =	vld [tilespmem:s11+$0xFFFFFFF0];
	_ =	sdelay $0x1  }
0xa9: {  	v19 =	vadd.s32 v8, v19;
	_ =	sdelay $0x1  }
0xaa: {  	s22 =	sadd.s32 $0x4, s9  }
0xab: {  	v21 =	vmov s22;
	v20 =	vadd.f32 v20, v18  }
0xac: {  	v21 =	vshrl.u32 v21, $0x3  }
0xad: {  	[tilespmem:v19+s20+$0x0] =	vst.idx.msk $0xffff, v20;
	v19 =	vshll.u32 v21, v1  }
0xae: {  	v20 =	vld [tilespmem:s11+$0x0];
	v19 =	vbroadcast v19, $0x0;
	_ =	sdelay $0x1  }
0xaf: {  	v21 =	vadd.s32 v9, v19;
	_ =	sdelay $0x2  }
0xb0: {  	v20 =	vadd.f32 v20, v17;
	_ =	sdelay $0x1  }
0xb1: {  	[tilespmem:v21+s20+$0x0] =	vst.idx.msk $0xffff, v20  }
0xb2: {  	v20 =	vld [tilespmem:s11+$0x10];
	_ =	sdelay $0x1  }
0xb3: {  	v19 =	vadd.s32 v10, v19;
	_ =	sdelay $0x1  }
0xb4: {  	s22 =	sadd.s32 $0x5, s9  }
0xb5: {  	v21 =	vmov s22;
	v20 =	vadd.f32 v20, v18  }
0xb6: {  	v21 =	vshrl.u32 v21, $0x3  }
0xb7: {  	[tilespmem:v19+s20+$0x0] =	vst.idx.msk $0xffff, v20;
	v19 =	vshll.u32 v21, v1  }
0xb8: {  	v20 =	vld [tilespmem:s11+$0x20];
	v19 =	vbroadcast v19, $0x0;
	_ =	sdelay $0x1  }
0xb9: {  	v21 =	vadd.s32 v11, v19;
	_ =	sdelay $0x2  }
0xba: {  	v20 =	vadd.f32 v20, v17;
	_ =	sdelay $0x1  }
0xbb: {  	[tilespmem:v21+s20+$0x0] =	vst.idx.msk $0xffff, v20  }
0xbc: {  	v20 =	vld [tilespmem:s11+$0x30];
	_ =	sdelay $0x1  }
0xbd: {  	v19 =	vadd.s32 v12, v19;
	_ =	sdelay $0x1  }
0xbe: {  	s22 =	sadd.s32 $0x6, s9  }
0xbf: {  	v21 =	vmov s22;
	v20 =	vadd.f32 v20, v18  }
0xc0: {  	v21 =	vshrl.u32 v21, $0x3  }
0xc1: {  	[tilespmem:v19+s20+$0x0] =	vst.idx.msk $0xffff, v20;
	v19 =	vshll.u32 v21, v1  }
0xc2: {  	v20 =	vld [tilespmem:s11+$0x40];
	v19 =	vbroadcast v19, $0x0;
	_ =	sdelay $0x1  }
0xc3: {  	v21 =	vadd.s32 v13, v19;
	_ =	sdelay $0x2  }
0xc4: {  	v20 =	vadd.f32 v20, v17;
	_ =	sdelay $0x1  }
0xc5: {  	[tilespmem:v21+s20+$0x0] =	vst.idx.msk $0xffff, v20  }
0xc6: {  	v20 =	vld [tilespmem:s11+$0x50];
	_ =	sdelay $0x1  }
0xc7: {  	v19 =	vadd.s32 v14, v19;
	_ =	sdelay $0x1  }
0xc8: {  	s22 =	sadd.s32 $0x7, s9;
	s9 =	smov.u32 s21  }
0xc9: {  	v21 =	vmov s22;
	v20 =	vadd.f32 v20, v18  }
0xca: {  	v21 =	vshrl.u32 v21, $0x3  }
0xcb: {  	[tilespmem:v19+s20+$0x0] =	vst.idx.msk $0xffff, v20;
	v19 =	vshll.u32 v21, v1  }
0xcc: {  	v20 =	vld [tilespmem:s11+$0x60];
	v19 =	vbroadcast v19, $0x0;
	_ =	sdelay $0x1  }
0xcd: {  	v21 =	vadd.s32 v15, v19;
	_ =	sdelay $0x2  }
0xce: {  	v20 =	vadd.f32 v20, v17;
	_ =	sdelay $0x1  }
0xcf: {  	[tilespmem:v21+s20+$0x0] =	vst.idx.msk $0xffff, v20  }
0xd0: {  	v20 =	vld [tilespmem:s11+$0x70];
	_ =	sdelay $0x1  }
.Ltmp2:
0xd1: {  	v19 =	vadd.s32 v16, v19;
	(pc) =	sbr.rel @p0 .LBB2_3-.Ltmp2, $3  }
0xd2: {  	_ =	sdelay $0x1  }
0xd3: {  	v21 =	vmov s9;
	v20 =	vadd.f32 v20, v18  }
0xd4: {  	v21 =	vshrl.u32 v21, $0x3  }
0xd5: {  	_ =	sdelay $0x3  }
0xd6: {  	v21 =	vshll.u32 v21, v1;
	[tilespmem:v19+s20+$0x0] =	vst.idx.msk $0xffff, v20;
	s11 =	sadd.s32 $0x100, s11  }
0xd7: {  	v19 =	vld [tilespmem:s11+$0xFFFFFF80];
	v20 =	vbroadcast v21, $0x0;
	_ =	sdelay $0x1  }
0xd8: {  	v21 =	vadd.s32 v0, v20;
	_ =	sdelay $0x2  }
0xd9: {  	v19 =	vadd.f32 v19, v17;
	_ =	sdelay $0x1  }
0xda: {  	[tilespmem:v21+s20+$0x0] =	vst.idx.msk $0xffff, v19  }
0xdb: {  	v19 =	vld [tilespmem:s11+$0xFFFFFF90];
	_ =	sdelay $0x1  }
0xdc: {  	v20 =	vadd.s32 v2, v20;
	_ =	sdelay $0x1  }
0xdd: {  	s18 =	sadd.s32 $0x1, s9  }
0xde: {  	v21 =	vmov s18;
	v19 =	vadd.f32 v19, v18  }
0xdf: {  	v21 =	vshrl.u32 v21, $0x3  }
0xe0: {  	[tilespmem:v20+s20+$0x0] =	vst.idx.msk $0xffff, v19;
	v19 =	vshll.u32 v21, v1  }
0xe1: {  	v20 =	vld [tilespmem:s11+$0xFFFFFFA0];
	v19 =	vbroadcast v19, $0x0;
	_ =	sdelay $0x1  }
0xe2: {  	v21 =	vadd.s32 v3, v19;
	_ =	sdelay $0x2  }
0xe3: {  	v20 =	vadd.f32 v20, v17;
	_ =	sdelay $0x1  }
0xe4: {  	[tilespmem:v21+s20+$0x0] =	vst.idx.msk $0xffff, v20  }
0xe5: {  	v20 =	vld [tilespmem:s11+$0xFFFFFFB0];
	_ =	sdelay $0x1  }
0xe6: {  	v19 =	vadd.s32 v4, v19;
	_ =	sdelay $0x1  }
0xe7: {  	s21 =	sadd.s32 $0x2, s9  }
0xe8: {  	v21 =	vmov s21;
	v20 =	vadd.f32 v20, v18  }
0xe9: {  	v21 =	vshrl.u32 v21, $0x3  }
0xea: {  	[tilespmem:v19+s20+$0x0] =	vst.idx.msk $0xffff, v20;
	v19 =	vshll.u32 v21, v1  }
0xeb: {  	v20 =	vld [tilespmem:s11+$0xFFFFFFC0];
	v19 =	vbroadcast v19, $0x0;
	_ =	sdelay $0x1  }
0xec: {  	v21 =	vadd.s32 v5, v19;
	_ =	sdelay $0x2  }
0xed: {  	v20 =	vadd.f32 v20, v17;
	_ =	sdelay $0x1  }
0xee: {  	[tilespmem:v21+s20+$0x0] =	vst.idx.msk $0xffff, v20  }
0xef: {  	v20 =	vld [tilespmem:s11+$0xFFFFFFD0];
	_ =	sdelay $0x1  }
0xf0: {  	v19 =	vadd.s32 v6, v19;
	_ =	sdelay $0x1  }
0xf1: {  	s22 =	sadd.s32 $0x3, s9  }
0xf2: {  	v21 =	vmov s22;
	v20 =	vadd.f32 v20, v18  }
0xf3: {  	v21 =	vshrl.u32 v21, $0x3  }
0xf4: {  	[tilespmem:v19+s20+$0x0] =	vst.idx.msk $0xffff, v20;
	v19 =	vshll.u32 v21, v1  }
0xf5: {  	v20 =	vld [tilespmem:s11+$0xFFFFFFE0];
	v19 =	vbroadcast v19, $0x0;
	_ =	sdelay $0x1  }
0xf6: {  	v21 =	vadd.s32 v7, v19;
	_ =	sdelay $0x2  }
0xf7: {  	v20 =	vadd.f32 v20, v17;
	_ =	sdelay $0x1  }
0xf8: {  	[tilespmem:v21+s20+$0x0] =	vst.idx.msk $0xffff, v20  }
0xf9: {  	v20 =	vld [tilespmem:s11+$0xFFFFFFF0];
	_ =	sdelay $0x1  }
0xfa: {  	v19 =	vadd.s32 v8, v19;
	_ =	sdelay $0x1  }
0xfb: {  	s21 =	sadd.s32 $0x4, s9  }
0xfc: {  	v21 =	vmov s21;
	v20 =	vadd.f32 v20, v18  }
0xfd: {  	v21 =	vshrl.u32 v21, $0x3  }
0xfe: {  	[tilespmem:v19+s20+$0x0] =	vst.idx.msk $0xffff, v20;
	v19 =	vshll.u32 v21, v1  }
0xff: {  	v20 =	vld [tilespmem:s11+$0x0];
	v19 =	vbroadcast v19, $0x0;
	_ =	sdelay $0x1  }
0x100: {  	v21 =	vadd.s32 v9, v19;
	_ =	sdelay $0x2  }
0x101: {  	v20 =	vadd.f32 v20, v17;
	_ =	sdelay $0x1  }
0x102: {  	[tilespmem:v21+s20+$0x0] =	vst.idx.msk $0xffff, v20  }
0x103: {  	v20 =	vld [tilespmem:s11+$0x10];
	_ =	sdelay $0x1  }
0x104: {  	v19 =	vadd.s32 v10, v19;
	_ =	sdelay $0x1  }
0x105: {  	s22 =	sadd.s32 $0x5, s9  }
0x106: {  	v21 =	vmov s22;
	v20 =	vadd.f32 v20, v18  }
0x107: {  	v21 =	vshrl.u32 v21, $0x3  }
0x108: {  	[tilespmem:v19+s20+$0x0] =	vst.idx.msk $0xffff, v20;
	v19 =	vshll.u32 v21, v1  }
0x109: {  	v20 =	vld [tilespmem:s11+$0x20];
	v19 =	vbroadcast v19, $0x0;
	_ =	sdelay $0x1  }
0x10a: {  	v21 =	vadd.s32 v11, v19;
	_ =	sdelay $0x2  }
0x10b: {  	v20 =	vadd.f32 v20, v17;
	_ =	sdelay $0x1  }
0x10c: {  	[tilespmem:v21+s20+$0x0] =	vst.idx.msk $0xffff, v20  }
0x10d: {  	v20 =	vld [tilespmem:s11+$0x30];
	_ =	sdelay $0x1  }
0x10e: {  	v19 =	vadd.s32 v12, v19;
	_ =	sdelay $0x1  }
0x10f: {  	s21 =	sadd.s32 $0x6, s9  }
0x110: {  	v21 =	vmov s21;
	v20 =	vadd.f32 v20, v18  }
0x111: {  	v21 =	vshrl.u32 v21, $0x3  }
0x112: {  	[tilespmem:v19+s20+$0x0] =	vst.idx.msk $0xffff, v20;
	v19 =	vshll.u32 v21, v1  }
0x113: {  	v20 =	vld [tilespmem:s11+$0x40];
	v19 =	vbroadcast v19, $0x0;
	_ =	sdelay $0x1  }
0x114: {  	v21 =	vadd.s32 v13, v19;
	_ =	sdelay $0x2  }
0x115: {  	v20 =	vadd.f32 v20, v17;
	_ =	sdelay $0x1  }
0x116: {  	[tilespmem:v21+s20+$0x0] =	vst.idx.msk $0xffff, v20  }
0x117: {  	v20 =	vld [tilespmem:s11+$0x50];
	_ =	sdelay $0x1  }
0x118: {  	v19 =	vadd.s32 v14, v19;
	_ =	sdelay $0x1  }
0x119: {  	s22 =	sadd.s32 $0x7, s9  }
0x11a: {  	v21 =	vmov s22;
	v20 =	vadd.f32 v20, v18  }
0x11b: {  	v21 =	vshrl.u32 v21, $0x3  }
0x11c: {  	[tilespmem:v19+s20+$0x0] =	vst.idx.msk $0xffff, v20;
	v19 =	vshll.u32 v21, v1  }
0x11d: {  	v20 =	vld [tilespmem:s11+$0x60];
	v19 =	vbroadcast v19, $0x0;
	_ =	sdelay $0x1  }
0x11e: {  	v21 =	vadd.s32 v15, v19;
	_ =	sdelay $0x2  }
0x11f: {  	v17 =	vadd.f32 v20, v17;
	_ =	sdelay $0x1  }
0x120: {  	[tilespmem:v21+s20+$0x0] =	vst.idx.msk $0xffff, v17  }
0x121: {  	v17 =	vld [tilespmem:s11+$0x70];
	_ =	sdelay $0x1  }
0x122: {  	v19 =	vadd.s32 v16, v19;
	_ =	sdelay $0x1  }
0x123: {  	s18 =	sshll.u32 s6, $0x13  }
0x124: {  	s9 =	sor.u32 s7, s18;
	v17 =	vadd.f32 v17, v18  }
0x125: {  	s9 =	sshrl.u32 s9, $0x3  }
0x126: {  	s9 =	sadd.s32 s2, s9;
	[tilespmem:v19+s20+$0x0] =	vst.idx.msk $0xffff, v17  }
0x127: {  	[hbm4b:s9+s3] =	stream.linear.scatter [tilespmem:s20], [sflag:$0x5], $0x80, $0x38;
	[tilespmem:$0xDF00] =	vst v63  }
0x128: {  	s21 =	sadd.s32 $0x10, s9  }
0x129: {  	[hbm4b:s21+s3] =	stream.linear.scatter [tilespmem:s23], [sflag:$0x5], $0x80, $0x38;
	[tilespmem:$0xDF00] =	vst v63  }
0x12a: {  	s22 =	sadd.s32 $0x20, s9  }
0x12b: {  	[hbm4b:s22+s3] =	stream.linear.scatter [tilespmem:s24], [sflag:$0x5], $0x80, $0x38;
	[tilespmem:$0xDF00] =	vst v63  }
0x12c: {  	s23 =	sadd.s32 $0x30, s9;
	s24 =	simm.s32 $0xBE98  }
0x12d: {  	[hbm4b:s23+s3] =	stream.linear.scatter [tilespmem:s24], [sflag:$0x5], $0x80, $0x38;
	[tilespmem:$0xDF00] =	vst v63  }
0x12e: {  	s21 =	sadd.s32 $0x40, s9;
	s22 =	simm.s32 $0xBF20  }
0x12f: {  	[hbm4b:s21+s3] =	stream.linear.scatter [tilespmem:s22], [sflag:$0x5], $0x80, $0x38;
	[tilespmem:$0xDF00] =	vst v63  }
0x130: {  	s23 =	sadd.s32 $0x50, s9;
	s24 =	simm.s32 $0xBFA8  }
0x131: {  	[hbm4b:s23+s3] =	stream.linear.scatter [tilespmem:s24], [sflag:$0x5], $0x80, $0x38;
	[tilespmem:$0xDF00] =	vst v63  }
0x132: {  	s21 =	sadd.s32 $0x60, s9;
	s22 =	simm.s32 $0xC030  }
0x133: {  	[hbm4b:s21+s3] =	stream.linear.scatter [tilespmem:s22], [sflag:$0x5], $0x80, $0x38;
	[tilespmem:$0xDF00] =	vst v63  }
0x134: {  	s23 =	sadd.s32 $0x70, s9;
	s24 =	simm.s32 $0xC0B8  }
0x135: {  	[hbm4b:s23+s3] =	stream.linear.scatter [tilespmem:s24], [sflag:$0x5], $0x80, $0x38;
	[tilespmem:$0xDF00] =	vst v63  }
0x136: {  	s21 =	sadd.s32 $0x1000, s9;
	s22 =	simm.s32 $0xC140  }
0x137: {  	[hbm4b:s21+s3] =	stream.linear.scatter [tilespmem:s22], [sflag:$0x5], $0x80, $0x38;
	[tilespmem:$0xDF00] =	vst v63  }
0x138: {  	s23 =	sadd.s32 $0x1010, s9;
	s24 =	simm.s32 $0xC1C8  }
0x139: {  	[hbm4b:s23+s3] =	stream.linear.scatter [tilespmem:s24], [sflag:$0x5], $0x80, $0x38;
	[tilespmem:$0xDF00] =	vst v63  }
0x13a: {  	s21 =	sadd.s32 $0x1020, s9;
	s22 =	simm.s32 $0xC250  }
0x13b: {  	[hbm4b:s21+s3] =	stream.linear.scatter [tilespmem:s22], [sflag:$0x5], $0x80, $0x38;
	[tilespmem:$0xDF00] =	vst v63  }
0x13c: {  	s23 =	sadd.s32 $0x1030, s9;
	s24 =	simm.s32 $0xC2D8  }
0x13d: {  	[hbm4b:s23+s3] =	stream.linear.scatter [tilespmem:s24], [sflag:$0x5], $0x80, $0x38;
	[tilespmem:$0xDF00] =	vst v63  }
0x13e: {  	s21 =	sadd.s32 $0x1040, s9;
	s22 =	simm.s32 $0xC360  }
0x13f: {  	[hbm4b:s21+s3] =	stream.linear.scatter [tilespmem:s22], [sflag:$0x5], $0x80, $0x38;
	[tilespmem:$0xDF00] =	vst v63  }
0x140: {  	s23 =	sadd.s32 $0x1050, s9;
	s24 =	simm.s32 $0xC3E8  }
0x141: {  	[hbm4b:s23+s3] =	stream.linear.scatter [tilespmem:s24], [sflag:$0x5], $0x80, $0x38;
	[tilespmem:$0xDF00] =	vst v63  }
0x142: {  	s21 =	sadd.s32 $0x1060, s9;
	s22 =	simm.s32 $0xC470  }
0x143: {  	[hbm4b:s21+s3] =	stream.linear.scatter [tilespmem:s22], [sflag:$0x5], $0x80, $0x38;
	[tilespmem:$0xDF00] =	vst v63  }
0x144: {  	s23 =	sadd.s32 $0x1070, s9;
	s24 =	simm.s32 $0xC4F8  }
0x145: {  	[hbm4b:s23+s3] =	stream.linear.scatter [tilespmem:s24], [sflag:$0x5], $0x80, $0x38;
	[tilespmem:$0xDF00] =	vst v63  }
0x146: {  	s21 =	sadd.s32 $0x2000, s9;
	s22 =	simm.s32 $0xC580  }
0x147: {  	[hbm4b:s21+s3] =	stream.linear.scatter [tilespmem:s22], [sflag:$0x5], $0x80, $0x38;
	[tilespmem:$0xDF00] =	vst v63  }
0x148: {  	s23 =	sadd.s32 $0x2010, s9;
	s24 =	simm.s32 $0xC608  }
0x149: {  	[hbm4b:s23+s3] =	stream.linear.scatter [tilespmem:s24], [sflag:$0x5], $0x80, $0x38;
	[tilespmem:$0xDF00] =	vst v63  }
0x14a: {  	s21 =	sadd.s32 $0x2020, s9;
	s22 =	simm.s32 $0xC690  }
0x14b: {  	[hbm4b:s21+s3] =	stream.linear.scatter [tilespmem:s22], [sflag:$0x5], $0x80, $0x38;
	[tilespmem:$0xDF00] =	vst v63  }
0x14c: {  	s23 =	sadd.s32 $0x2030, s9;
	s24 =	simm.s32 $0xC718  }
0x14d: {  	[hbm4b:s23+s3] =	stream.linear.scatter [tilespmem:s24], [sflag:$0x5], $0x80, $0x38;
	[tilespmem:$0xDF00] =	vst v63  }
0x14e: {  	s21 =	sadd.s32 $0x2040, s9;
	s22 =	simm.s32 $0xC7A0  }
0x14f: {  	[hbm4b:s21+s3] =	stream.linear.scatter [tilespmem:s22], [sflag:$0x5], $0x80, $0x38;
	[tilespmem:$0xDF00] =	vst v63  }
0x150: {  	s23 =	sadd.s32 $0x2050, s9;
	s24 =	simm.s32 $0xC828  }
0x151: {  	[hbm4b:s23+s3] =	stream.linear.scatter [tilespmem:s24], [sflag:$0x5], $0x80, $0x38;
	[tilespmem:$0xDF00] =	vst v63  }
0x152: {  	s21 =	sadd.s32 $0x2060, s9;
	s22 =	simm.s32 $0xC8B0  }
0x153: {  	[hbm4b:s21+s3] =	stream.linear.scatter [tilespmem:s22], [sflag:$0x5], $0x80, $0x38;
	[tilespmem:$0xDF00] =	vst v63  }
0x154: {  	s23 =	sadd.s32 $0x2070, s9;
	s24 =	simm.s32 $0xC938  }
0x155: {  	[hbm4b:s23+s3] =	stream.linear.scatter [tilespmem:s24], [sflag:$0x5], $0x80, $0x38;
	[tilespmem:$0xDF00] =	vst v63  }
0x156: {  	s21 =	sadd.s32 $0x3000, s9;
	s22 =	simm.s32 $0xC9C0  }
0x157: {  	[hbm4b:s21+s3] =	stream.linear.scatter [tilespmem:s22], [sflag:$0x5], $0x80, $0x38;
	[tilespmem:$0xDF00] =	vst v63  }
0x158: {  	s23 =	sadd.s32 $0x3010, s9;
	s24 =	simm.s32 $0xCA48  }
0x159: {  	[hbm4b:s23+s3] =	stream.linear.scatter [tilespmem:s24], [sflag:$0x5], $0x80, $0x38;
	[tilespmem:$0xDF00] =	vst v63  }
0x15a: {  	s21 =	sadd.s32 $0x3020, s9;
	s22 =	simm.s32 $0xCAD0  }
0x15b: {  	[hbm4b:s21+s3] =	stream.linear.scatter [tilespmem:s22], [sflag:$0x5], $0x80, $0x38;
	[tilespmem:$0xDF00] =	vst v63  }
0x15c: {  	s23 =	sadd.s32 $0x3030, s9;
	s24 =	simm.s32 $0xCB58  }
0x15d: {  	[hbm4b:s23+s3] =	stream.linear.scatter [tilespmem:s24], [sflag:$0x5], $0x80, $0x38;
	[tilespmem:$0xDF00] =	vst v63  }
0x15e: {  	s21 =	sadd.s32 $0x3040, s9;
	s22 =	simm.s32 $0xCBE0  }
0x15f: {  	[hbm4b:s21+s3] =	stream.linear.scatter [tilespmem:s22], [sflag:$0x5], $0x80, $0x38;
	[tilespmem:$0xDF00] =	vst v63  }
0x160: {  	s23 =	sadd.s32 $0x3050, s9;
	s24 =	simm.s32 $0xCC68  }
0x161: {  	[hbm4b:s23+s3] =	stream.linear.scatter [tilespmem:s24], [sflag:$0x5], $0x80, $0x38;
	[tilespmem:$0xDF00] =	vst v63  }
0x162: {  	s21 =	sadd.s32 $0x3060, s9;
	s22 =	simm.s32 $0xCCF0  }
0x163: {  	[hbm4b:s21+s3] =	stream.linear.scatter [tilespmem:s22], [sflag:$0x5], $0x80, $0x38;
	[tilespmem:$0xDF00] =	vst v63  }
0x164: {  	p0 =	seq.s32 s6, $0x31;
	s9 =	sadd.s32 $0x3070, s9;
	s23 =	simm.s32 $0xCD78  }
0x165: {  	[hbm4b:s9+s3] =	stream.linear.scatter [tilespmem:s23], [sflag:$0x5], $0x80, $0x38;
	[tilespmem:$0xDF00] =	vst v63  }
0x166: {  	s9 =	sshll.u32 @!p0 s6, $0x9  }
0x167: {  	s11 =	sand.u32 @!p0 $0x3FFFFE00, s9  }
0x168: {  	s18 =	simm.s32 @!p0 $0x80;
	s21 =	simm.s32 @!p0 $0x7D00;
	s9 =	sadd.s32 @!p0 $0x200, s11  }
0x169: {  	[tilespmem:s21], [sflag:$0x1] =	stream.indirect.gather @!p0 [hbm4b:s4+s18], $0x20, s9, s18, $0xb8;
	[tilespmem:$0xDF00] =	vst v63  }
0x16a: {  	_ =	swait.ge [sflag:s28], $0x1000  }
0x16b: {  	[sflag:s28] =	ssyncset.done $0x0  }
0x16c: {  	s9 =	simm.s32 @!p1 $0x6;
	[sflag:s28] =	ssyncadd.s32 $0xFFFFF000  }
0x16d: {  	s24 =	simm.s32 $0x0;
	s18 =	sor.u32 $0x1, s8;
	_ =	swait.ge @!p1 [sflag:s9], $0x1000  }
0x16e: {  	v17 =	vmov s24;
	s22 =	sshll.u32 s18, $0x5;
	[sflag:s9] =	ssyncset.done @!p1 $0x0  }
0x16f: {  	v18 =	vshrl.u32 v17, $0x3;
	s23 =	sand.u32 $0x3FFFFFE0, s22;
	[sflag:s9] =	ssyncadd.s32 @!p1 $0xFFFFF000  }
0x170: {  	v18 =	vshll.u32 v18, v1;
	s9 =	simm.s32 $0x8D80;
	v17 =	vld [tilespmem:s23+$0x6400]  }
0x171: {  	v20 =	vbroadcast v18, $0x0;
	v19 =	vld [tilespmem:s9+$0xFFFFFF80];
	_ =	sdelay $0x1  }
0x172: {  	v21 =	vadd.s32 v0, v20;
	_ =	sdelay $0x2  }
0x173: {  	v19 =	vadd.f32 v19, v17;
	_ =	sdelay $0x1  }
0x174: {  	v18 =	vld [tilespmem:s23+$0x6410];
	[tilespmem:v21+s29+$0x0] =	vst.idx.msk $0xffff, v19  }
0x175: {  	v19 =	vld [tilespmem:s9+$0xFFFFFF90];
	_ =	sdelay $0x1  }
0x176: {  	v20 =	vadd.s32 v2, v20;
	_ =	sdelay $0x1  }
0x177: {  	s24 =	simm.s32 $0x1  }
0x178: {  	v21 =	vmov s24;
	v19 =	vadd.f32 v19, v18  }
0x179: {  	v21 =	vshrl.u32 v21, $0x3  }
0x17a: {  	[tilespmem:v20+s29+$0x0] =	vst.idx.msk $0xffff, v19;
	v19 =	vshll.u32 v21, v1  }
0x17b: {  	v20 =	vld [tilespmem:s9+$0xFFFFFFA0];
	v19 =	vbroadcast v19, $0x0;
	_ =	sdelay $0x1  }
0x17c: {  	v21 =	vadd.s32 v3, v19;
	_ =	sdelay $0x2  }
0x17d: {  	v20 =	vadd.f32 v20, v17;
	_ =	sdelay $0x1  }
0x17e: {  	[tilespmem:v21+s29+$0x0] =	vst.idx.msk $0xffff, v20  }
0x17f: {  	v20 =	vld [tilespmem:s9+$0xFFFFFFB0];
	_ =	sdelay $0x1  }
0x180: {  	v19 =	vadd.s32 v4, v19;
	_ =	sdelay $0x1  }
0x181: {  	s22 =	simm.s32 $0x2  }
0x182: {  	v21 =	vmov s22;
	v20 =	vadd.f32 v20, v18  }
0x183: {  	v21 =	vshrl.u32 v21, $0x3  }
0x184: {  	[tilespmem:v19+s29+$0x0] =	vst.idx.msk $0xffff, v20;
	v19 =	vshll.u32 v21, v1  }
0x185: {  	v20 =	vld [tilespmem:s9+$0xFFFFFFC0];
	v19 =	vbroadcast v19, $0x0;
	_ =	sdelay $0x1  }
0x186: {  	v21 =	vadd.s32 v5, v19;
	_ =	sdelay $0x2  }
0x187: {  	v20 =	vadd.f32 v20, v17;
	_ =	sdelay $0x1  }
0x188: {  	[tilespmem:v21+s29+$0x0] =	vst.idx.msk $0xffff, v20  }
0x189: {  	v20 =	vld [tilespmem:s9+$0xFFFFFFD0];
	_ =	sdelay $0x1  }
0x18a: {  	v19 =	vadd.s32 v6, v19;
	_ =	sdelay $0x1  }
0x18b: {  	s23 =	simm.s32 $0x3  }
0x18c: {  	v21 =	vmov s23;
	v20 =	vadd.f32 v20, v18  }
0x18d: {  	v21 =	vshrl.u32 v21, $0x3  }
0x18e: {  	[tilespmem:v19+s29+$0x0] =	vst.idx.msk $0xffff, v20;
	v19 =	vshll.u32 v21, v1  }
0x18f: {  	v20 =	vld [tilespmem:s9+$0xFFFFFFE0];
	v19 =	vbroadcast v19, $0x0;
	_ =	sdelay $0x1  }
0x190: {  	v21 =	vadd.s32 v7, v19;
	_ =	sdelay $0x2  }
0x191: {  	v20 =	vadd.f32 v20, v17;
	_ =	sdelay $0x1  }
0x192: {  	[tilespmem:v21+s29+$0x0] =	vst.idx.msk $0xffff, v20  }
0x193: {  	v20 =	vld [tilespmem:s9+$0xFFFFFFF0];
	_ =	sdelay $0x1  }
0x194: {  	v19 =	vadd.s32 v8, v19;
	_ =	sdelay $0x1  }
0x195: {  	s24 =	simm.s32 $0x4  }
0x196: {  	v21 =	vmov s24;
	v20 =	vadd.f32 v20, v18  }
0x197: {  	v21 =	vshrl.u32 v21, $0x3  }
0x198: {  	[tilespmem:v19+s29+$0x0] =	vst.idx.msk $0xffff, v20;
	v19 =	vshll.u32 v21, v1  }
0x199: {  	v20 =	vld [tilespmem:s9+$0x0];
	v19 =	vbroadcast v19, $0x0;
	_ =	sdelay $0x1  }
0x19a: {  	v21 =	vadd.s32 v9, v19;
	_ =	sdelay $0x2  }
0x19b: {  	v20 =	vadd.f32 v20, v17;
	_ =	sdelay $0x1  }
0x19c: {  	[tilespmem:v21+s29+$0x0] =	vst.idx.msk $0xffff, v20  }
0x19d: {  	v20 =	vld [tilespmem:s9+$0x10];
	_ =	sdelay $0x1  }
0x19e: {  	v19 =	vadd.s32 v10, v19;
	_ =	sdelay $0x1  }
0x19f: {  	s22 =	simm.s32 $0x5  }
0x1a0: {  	v21 =	vmov s22;
	v20 =	vadd.f32 v20, v18  }
0x1a1: {  	v21 =	vshrl.u32 v21, $0x3  }
0x1a2: {  	[tilespmem:v19+s29+$0x0] =	vst.idx.msk $0xffff, v20;
	v19 =	vshll.u32 v21, v1  }
0x1a3: {  	v20 =	vld [tilespmem:s9+$0x20];
	v19 =	vbroadcast v19, $0x0;
	_ =	sdelay $0x1  }
0x1a4: {  	v21 =	vadd.s32 v11, v19;
	_ =	sdelay $0x2  }
0x1a5: {  	v20 =	vadd.f32 v20, v17;
	_ =	sdelay $0x1  }
0x1a6: {  	[tilespmem:v21+s29+$0x0] =	vst.idx.msk $0xffff, v20  }
0x1a7: {  	v20 =	vld [tilespmem:s9+$0x30];
	_ =	sdelay $0x1  }
0x1a8: {  	v19 =	vadd.s32 v12, v19;
	_ =	sdelay $0x1  }
0x1a9: {  	s23 =	simm.s32 $0x6  }
0x1aa: {  	v21 =	vmov s23;
	v20 =	vadd.f32 v20, v18  }
0x1ab: {  	v21 =	vshrl.u32 v21, $0x3  }
0x1ac: {  	[tilespmem:v19+s29+$0x0] =	vst.idx.msk $0xffff, v20;
	v19 =	vshll.u32 v21, v1  }
0x1ad: {  	v20 =	vld [tilespmem:s9+$0x40];
	v19 =	vbroadcast v19, $0x0;
	_ =	sdelay $0x1  }
0x1ae: {  	v21 =	vadd.s32 v13, v19;
	_ =	sdelay $0x2  }
0x1af: {  	v20 =	vadd.f32 v20, v17;
	_ =	sdelay $0x1  }
0x1b0: {  	[tilespmem:v21+s29+$0x0] =	vst.idx.msk $0xffff, v20  }
0x1b1: {  	v20 =	vld [tilespmem:s9+$0x50];
	_ =	sdelay $0x1  }
0x1b2: {  	v19 =	vadd.s32 v14, v19;
	_ =	sdelay $0x1  }
0x1b3: {  	s24 =	simm.s32 $0x7  }
0x1b4: {  	v21 =	vmov s24;
	v20 =	vadd.f32 v20, v18  }
0x1b5: {  	v21 =	vshrl.u32 v21, $0x3  }
0x1b6: {  	[tilespmem:v19+s29+$0x0] =	vst.idx.msk $0xffff, v20;
	v19 =	vshll.u32 v21, v1  }
0x1b7: {  	v20 =	vld [tilespmem:s9+$0x60];
	v19 =	vbroadcast v19, $0x0;
	_ =	sdelay $0x1  }
0x1b8: {  	v21 =	vadd.s32 v15, v19;
	_ =	sdelay $0x2  }
0x1b9: {  	v20 =	vadd.f32 v20, v17;
	_ =	sdelay $0x1  }
0x1ba: {  	[tilespmem:v21+s29+$0x0] =	vst.idx.msk $0xffff, v20  }
0x1bb: {  	v20 =	vld [tilespmem:s9+$0x70];
	_ =	sdelay $0x1  }
0x1bc: {  	v19 =	vadd.s32 v16, v19  }
0x1bd: {  	s21 =	simm.s32 $0x8  }
0x1be: {  	v21 =	vmov s21  }
0x1bf: {  	s22 =	simm.s32 $0x10;
	v21 =	vshrl.u32 v21, $0x3;
	v20 =	vadd.f32 v20, v18  }
.LBB2_5:
0x1c0: {  	p1 =	slt.u32 s22, $0x78  }
0x1c1: {  	v21 =	vshll.u32 v21, v1;
	[tilespmem:v19+s29+$0x0] =	vst.idx.msk $0xffff, v20;
	s9 =	sadd.s32 $0x100, s9;
	s23 =	smov.u32 s22;
	s22 =	sadd.s32 $0x8, s22  }
0x1c2: {  	v19 =	vld [tilespmem:s9+$0xFFFFFF80];
	v20 =	vbroadcast v21, $0x0;
	_ =	sdelay $0x1  }
0x1c3: {  	v21 =	vadd.s32 v0, v20;
	_ =	sdelay $0x2  }
0x1c4: {  	v19 =	vadd.f32 v19, v17;
	_ =	sdelay $0x1  }
0x1c5: {  	[tilespmem:v21+s29+$0x0] =	vst.idx.msk $0xffff, v19  }
0x1c6: {  	v19 =	vld [tilespmem:s9+$0xFFFFFF90];
	_ =	sdelay $0x1  }
0x1c7: {  	v20 =	vadd.s32 v2, v20;
	_ =	sdelay $0x1  }
0x1c8: {  	s24 =	sadd.s32 $0x1, s21  }
0x1c9: {  	v21 =	vmov s24;
	v19 =	vadd.f32 v19, v18  }
0x1ca: {  	v21 =	vshrl.u32 v21, $0x3  }
0x1cb: {  	[tilespmem:v20+s29+$0x0] =	vst.idx.msk $0xffff, v19;
	v19 =	vshll.u32 v21, v1  }
0x1cc: {  	v20 =	vld [tilespmem:s9+$0xFFFFFFA0];
	v19 =	vbroadcast v19, $0x0;
	_ =	sdelay $0x1  }
0x1cd: {  	v21 =	vadd.s32 v3, v19;
	_ =	sdelay $0x2  }
0x1ce: {  	v20 =	vadd.f32 v20, v17;
	_ =	sdelay $0x1  }
0x1cf: {  	[tilespmem:v21+s29+$0x0] =	vst.idx.msk $0xffff, v20  }
0x1d0: {  	v20 =	vld [tilespmem:s9+$0xFFFFFFB0];
	_ =	sdelay $0x1  }
0x1d1: {  	v19 =	vadd.s32 v4, v19;
	_ =	sdelay $0x1  }
0x1d2: {  	s24 =	sadd.s32 $0x2, s21  }
0x1d3: {  	v21 =	vmov s24;
	v20 =	vadd.f32 v20, v18  }
0x1d4: {  	v21 =	vshrl.u32 v21, $0x3  }
0x1d5: {  	[tilespmem:v19+s29+$0x0] =	vst.idx.msk $0xffff, v20;
	v19 =	vshll.u32 v21, v1  }
0x1d6: {  	v20 =	vld [tilespmem:s9+$0xFFFFFFC0];
	v19 =	vbroadcast v19, $0x0;
	_ =	sdelay $0x1  }
0x1d7: {  	v21 =	vadd.s32 v5, v19;
	_ =	sdelay $0x2  }
0x1d8: {  	v20 =	vadd.f32 v20, v17;
	_ =	sdelay $0x1  }
0x1d9: {  	[tilespmem:v21+s29+$0x0] =	vst.idx.msk $0xffff, v20  }
0x1da: {  	v20 =	vld [tilespmem:s9+$0xFFFFFFD0];
	_ =	sdelay $0x1  }
0x1db: {  	v19 =	vadd.s32 v6, v19;
	_ =	sdelay $0x1  }
0x1dc: {  	s24 =	sadd.s32 $0x3, s21  }
0x1dd: {  	v21 =	vmov s24;
	v20 =	vadd.f32 v20, v18  }
0x1de: {  	v21 =	vshrl.u32 v21, $0x3  }
0x1df: {  	[tilespmem:v19+s29+$0x0] =	vst.idx.msk $0xffff, v20;
	v19 =	vshll.u32 v21, v1  }
0x1e0: {  	v20 =	vld [tilespmem:s9+$0xFFFFFFE0];
	v19 =	vbroadcast v19, $0x0;
	_ =	sdelay $0x1  }
0x1e1: {  	v21 =	vadd.s32 v7, v19;
	_ =	sdelay $0x2  }
0x1e2: {  	v20 =	vadd.f32 v20, v17;
	_ =	sdelay $0x1  }
0x1e3: {  	[tilespmem:v21+s29+$0x0] =	vst.idx.msk $0xffff, v20  }
0x1e4: {  	v20 =	vld [tilespmem:s9+$0xFFFFFFF0];
	_ =	sdelay $0x1  }
0x1e5: {  	v19 =	vadd.s32 v8, v19;
	_ =	sdelay $0x1  }
0x1e6: {  	s24 =	sadd.s32 $0x4, s21  }
0x1e7: {  	v21 =	vmov s24;
	v20 =	vadd.f32 v20, v18  }
0x1e8: {  	v21 =	vshrl.u32 v21, $0x3  }
0x1e9: {  	[tilespmem:v19+s29+$0x0] =	vst.idx.msk $0xffff, v20;
	v19 =	vshll.u32 v21, v1  }
0x1ea: {  	v20 =	vld [tilespmem:s9+$0x0];
	v19 =	vbroadcast v19, $0x0;
	_ =	sdelay $0x1  }
0x1eb: {  	v21 =	vadd.s32 v9, v19;
	_ =	sdelay $0x2  }
0x1ec: {  	v20 =	vadd.f32 v20, v17;
	_ =	sdelay $0x1  }
0x1ed: {  	[tilespmem:v21+s29+$0x0] =	vst.idx.msk $0xffff, v20  }
0x1ee: {  	v20 =	vld [tilespmem:s9+$0x10];
	_ =	sdelay $0x1  }
0x1ef: {  	v19 =	vadd.s32 v10, v19;
	_ =	sdelay $0x1  }
0x1f0: {  	s24 =	sadd.s32 $0x5, s21  }
0x1f1: {  	v21 =	vmov s24;
	v20 =	vadd.f32 v20, v18  }
0x1f2: {  	v21 =	vshrl.u32 v21, $0x3  }
0x1f3: {  	[tilespmem:v19+s29+$0x0] =	vst.idx.msk $0xffff, v20;
	v19 =	vshll.u32 v21, v1  }
0x1f4: {  	v20 =	vld [tilespmem:s9+$0x20];
	v19 =	vbroadcast v19, $0x0;
	_ =	sdelay $0x1  }
0x1f5: {  	v21 =	vadd.s32 v11, v19;
	_ =	sdelay $0x2  }
0x1f6: {  	v20 =	vadd.f32 v20, v17;
	_ =	sdelay $0x1  }
0x1f7: {  	[tilespmem:v21+s29+$0x0] =	vst.idx.msk $0xffff, v20  }
0x1f8: {  	v20 =	vld [tilespmem:s9+$0x30];
	_ =	sdelay $0x1  }
0x1f9: {  	v19 =	vadd.s32 v12, v19;
	_ =	sdelay $0x1  }
0x1fa: {  	s24 =	sadd.s32 $0x6, s21  }
0x1fb: {  	v21 =	vmov s24;
	v20 =	vadd.f32 v20, v18  }
0x1fc: {  	v21 =	vshrl.u32 v21, $0x3  }
0x1fd: {  	[tilespmem:v19+s29+$0x0] =	vst.idx.msk $0xffff, v20;
	v19 =	vshll.u32 v21, v1  }
0x1fe: {  	v20 =	vld [tilespmem:s9+$0x40];
	v19 =	vbroadcast v19, $0x0;
	_ =	sdelay $0x1  }
0x1ff: {  	v21 =	vadd.s32 v13, v19;
	_ =	sdelay $0x2  }
0x200: {  	v20 =	vadd.f32 v20, v17;
	_ =	sdelay $0x1  }
0x201: {  	[tilespmem:v21+s29+$0x0] =	vst.idx.msk $0xffff, v20  }
0x202: {  	v20 =	vld [tilespmem:s9+$0x50];
	_ =	sdelay $0x1  }
0x203: {  	v19 =	vadd.s32 v14, v19;
	_ =	sdelay $0x1  }
0x204: {  	s24 =	sadd.s32 $0x7, s21;
	s21 =	smov.u32 s23  }
0x205: {  	v21 =	vmov s24;
	v20 =	vadd.f32 v20, v18  }
0x206: {  	v21 =	vshrl.u32 v21, $0x3  }
0x207: {  	[tilespmem:v19+s29+$0x0] =	vst.idx.msk $0xffff, v20;
	v19 =	vshll.u32 v21, v1  }
0x208: {  	v20 =	vld [tilespmem:s9+$0x60];
	v19 =	vbroadcast v19, $0x0;
	_ =	sdelay $0x1  }
0x209: {  	v21 =	vadd.s32 v15, v19;
	_ =	sdelay $0x2  }
0x20a: {  	v20 =	vadd.f32 v20, v17;
	_ =	sdelay $0x1  }
0x20b: {  	[tilespmem:v21+s29+$0x0] =	vst.idx.msk $0xffff, v20  }
0x20c: {  	v20 =	vld [tilespmem:s9+$0x70];
	_ =	sdelay $0x1  }
.Ltmp3:
0x20d: {  	v19 =	vadd.s32 v16, v19;
	(pc) =	sbr.rel @p1 .LBB2_5-.Ltmp3, $3  }
0x20e: {  	_ =	sdelay $0x1  }
0x20f: {  	v21 =	vmov s21;
	v20 =	vadd.f32 v20, v18  }
0x210: {  	v21 =	vshrl.u32 v21, $0x3  }
0x211: {  	_ =	sdelay $0x3  }
0x212: {  	v21 =	vshll.u32 v21, v1;
	[tilespmem:v19+s29+$0x0] =	vst.idx.msk $0xffff, v20;
	s9 =	sadd.s32 $0x100, s9  }
0x213: {  	v19 =	vld [tilespmem:s9+$0xFFFFFF80];
	v20 =	vbroadcast v21, $0x0;
	_ =	sdelay $0x1  }
0x214: {  	v21 =	vadd.s32 v0, v20;
	_ =	sdelay $0x2  }
0x215: {  	v19 =	vadd.f32 v19, v17;
	_ =	sdelay $0x1  }
0x216: {  	[tilespmem:v21+s29+$0x0] =	vst.idx.msk $0xffff, v19  }
0x217: {  	v19 =	vld [tilespmem:s9+$0xFFFFFF90];
	_ =	sdelay $0x1  }
0x218: {  	v20 =	vadd.s32 v2, v20;
	_ =	sdelay $0x1  }
0x219: {  	s22 =	sadd.s32 $0x1, s21  }
0x21a: {  	v21 =	vmov s22;
	v19 =	vadd.f32 v19, v18  }
0x21b: {  	v21 =	vshrl.u32 v21, $0x3  }
0x21c: {  	[tilespmem:v20+s29+$0x0] =	vst.idx.msk $0xffff, v19;
	v19 =	vshll.u32 v21, v1  }
0x21d: {  	v20 =	vld [tilespmem:s9+$0xFFFFFFA0];
	v19 =	vbroadcast v19, $0x0;
	_ =	sdelay $0x1  }
0x21e: {  	v21 =	vadd.s32 v3, v19;
	_ =	sdelay $0x2  }
0x21f: {  	v20 =	vadd.f32 v20, v17;
	_ =	sdelay $0x1  }
0x220: {  	[tilespmem:v21+s29+$0x0] =	vst.idx.msk $0xffff, v20  }
0x221: {  	v20 =	vld [tilespmem:s9+$0xFFFFFFB0];
	_ =	sdelay $0x1  }
0x222: {  	v19 =	vadd.s32 v4, v19;
	_ =	sdelay $0x1  }
0x223: {  	s23 =	sadd.s32 $0x2, s21  }
0x224: {  	v21 =	vmov s23;
	v20 =	vadd.f32 v20, v18  }
0x225: {  	v21 =	vshrl.u32 v21, $0x3  }
0x226: {  	[tilespmem:v19+s29+$0x0] =	vst.idx.msk $0xffff, v20;
	v19 =	vshll.u32 v21, v1  }
0x227: {  	v20 =	vld [tilespmem:s9+$0xFFFFFFC0];
	v19 =	vbroadcast v19, $0x0;
	_ =	sdelay $0x1  }
0x228: {  	v21 =	vadd.s32 v5, v19;
	_ =	sdelay $0x2  }
0x229: {  	v20 =	vadd.f32 v20, v17;
	_ =	sdelay $0x1  }
0x22a: {  	[tilespmem:v21+s29+$0x0] =	vst.idx.msk $0xffff, v20  }
0x22b: {  	v20 =	vld [tilespmem:s9+$0xFFFFFFD0];
	_ =	sdelay $0x1  }
0x22c: {  	v19 =	vadd.s32 v6, v19;
	_ =	sdelay $0x1  }
0x22d: {  	s24 =	sadd.s32 $0x3, s21  }
0x22e: {  	v21 =	vmov s24;
	v20 =	vadd.f32 v20, v18  }
0x22f: {  	v21 =	vshrl.u32 v21, $0x3  }
0x230: {  	[tilespmem:v19+s29+$0x0] =	vst.idx.msk $0xffff, v20;
	v19 =	vshll.u32 v21, v1  }
0x231: {  	v20 =	vld [tilespmem:s9+$0xFFFFFFE0];
	v19 =	vbroadcast v19, $0x0;
	_ =	sdelay $0x1  }
0x232: {  	v21 =	vadd.s32 v7, v19;
	_ =	sdelay $0x2  }
0x233: {  	v20 =	vadd.f32 v20, v17;
	_ =	sdelay $0x1  }
0x234: {  	[tilespmem:v21+s29+$0x0] =	vst.idx.msk $0xffff, v20  }
0x235: {  	v20 =	vld [tilespmem:s9+$0xFFFFFFF0];
	_ =	sdelay $0x1  }
0x236: {  	v19 =	vadd.s32 v8, v19;
	_ =	sdelay $0x1  }
0x237: {  	s23 =	sadd.s32 $0x4, s21  }
0x238: {  	v21 =	vmov s23;
	v20 =	vadd.f32 v20, v18  }
0x239: {  	v21 =	vshrl.u32 v21, $0x3  }
0x23a: {  	[tilespmem:v19+s29+$0x0] =	vst.idx.msk $0xffff, v20;
	v19 =	vshll.u32 v21, v1  }
0x23b: {  	v20 =	vld [tilespmem:s9+$0x0];
	v19 =	vbroadcast v19, $0x0;
	_ =	sdelay $0x1  }
0x23c: {  	v21 =	vadd.s32 v9, v19;
	_ =	sdelay $0x2  }
0x23d: {  	v20 =	vadd.f32 v20, v17;
	_ =	sdelay $0x1  }
0x23e: {  	[tilespmem:v21+s29+$0x0] =	vst.idx.msk $0xffff, v20  }
0x23f: {  	v20 =	vld [tilespmem:s9+$0x10];
	_ =	sdelay $0x1  }
0x240: {  	v19 =	vadd.s32 v10, v19;
	_ =	sdelay $0x1  }
0x241: {  	s24 =	sadd.s32 $0x5, s21  }
0x242: {  	v21 =	vmov s24;
	v20 =	vadd.f32 v20, v18  }
0x243: {  	v21 =	vshrl.u32 v21, $0x3  }
0x244: {  	[tilespmem:v19+s29+$0x0] =	vst.idx.msk $0xffff, v20;
	v19 =	vshll.u32 v21, v1  }
0x245: {  	v20 =	vld [tilespmem:s9+$0x20];
	v19 =	vbroadcast v19, $0x0;
	_ =	sdelay $0x1  }
0x246: {  	v21 =	vadd.s32 v11, v19;
	_ =	sdelay $0x2  }
0x247: {  	v20 =	vadd.f32 v20, v17;
	_ =	sdelay $0x1  }
0x248: {  	[tilespmem:v21+s29+$0x0] =	vst.idx.msk $0xffff, v20  }
0x249: {  	v20 =	vld [tilespmem:s9+$0x30];
	_ =	sdelay $0x1  }
0x24a: {  	v19 =	vadd.s32 v12, v19;
	_ =	sdelay $0x1  }
0x24b: {  	s23 =	sadd.s32 $0x6, s21  }
0x24c: {  	v21 =	vmov s23;
	v20 =	vadd.f32 v20, v18  }
0x24d: {  	v21 =	vshrl.u32 v21, $0x3  }
0x24e: {  	[tilespmem:v19+s29+$0x0] =	vst.idx.msk $0xffff, v20;
	v19 =	vshll.u32 v21, v1  }
0x24f: {  	v20 =	vld [tilespmem:s9+$0x40];
	v19 =	vbroadcast v19, $0x0;
	_ =	sdelay $0x1  }
0x250: {  	v21 =	vadd.s32 v13, v19;
	_ =	sdelay $0x2  }
0x251: {  	v20 =	vadd.f32 v20, v17;
	_ =	sdelay $0x1  }
0x252: {  	[tilespmem:v21+s29+$0x0] =	vst.idx.msk $0xffff, v20  }
0x253: {  	v20 =	vld [tilespmem:s9+$0x50];
	_ =	sdelay $0x1  }
0x254: {  	v19 =	vadd.s32 v14, v19;
	_ =	sdelay $0x1  }
0x255: {  	s24 =	sadd.s32 $0x7, s21  }
0x256: {  	v21 =	vmov s24;
	v20 =	vadd.f32 v20, v18  }
0x257: {  	v21 =	vshrl.u32 v21, $0x3  }
0x258: {  	[tilespmem:v19+s29+$0x0] =	vst.idx.msk $0xffff, v20;
	v19 =	vshll.u32 v21, v1  }
0x259: {  	v20 =	vld [tilespmem:s9+$0x60];
	v19 =	vbroadcast v19, $0x0;
	_ =	sdelay $0x1  }
0x25a: {  	v21 =	vadd.s32 v15, v19;
	_ =	sdelay $0x2  }
0x25b: {  	v17 =	vadd.f32 v20, v17;
	_ =	sdelay $0x1  }
0x25c: {  	[tilespmem:v21+s29+$0x0] =	vst.idx.msk $0xffff, v17  }
0x25d: {  	v17 =	vld [tilespmem:s9+$0x70];
	_ =	sdelay $0x1  }
0x25e: {  	v19 =	vadd.s32 v16, v19;
	_ =	sdelay $0x1  }
0x25f: {  	s22 =	sshll.u32 s18, $0x11  }
0x260: {  	s9 =	sor.u32 s7, s22;
	v17 =	vadd.f32 v17, v18  }
0x261: {  	s9 =	sshrl.u32 s9, $0x3  }
0x262: {  	s9 =	sadd.s32 s2, s9;
	[tilespmem:v19+s29+$0x0] =	vst.idx.msk $0xffff, v17  }
0x263: {  	[hbm4b:s9+s3] =	stream.linear.scatter [tilespmem:s29], [sflag:$0x6], $0x80, $0x38;
	[tilespmem:$0xDF00] =	vst v63  }
0x264: {  	s24 =	simm.s32 $0xCE88;
	s23 =	sadd.s32 $0x10, s9  }
0x265: {  	[hbm4b:s23+s3] =	stream.linear.scatter [tilespmem:s24], [sflag:$0x6], $0x80, $0x38;
	[tilespmem:$0xDF00] =	vst v63  }
0x266: {  	s22 =	simm.s32 $0xCF10;
	s21 =	sadd.s32 $0x20, s9  }
0x267: {  	[hbm4b:s21+s3] =	stream.linear.scatter [tilespmem:s22], [sflag:$0x6], $0x80, $0x38;
	[tilespmem:$0xDF00] =	vst v63  }
0x268: {  	s23 =	sadd.s32 $0x30, s9;
	s24 =	simm.s32 $0xCF98  }
0x269: {  	[hbm4b:s23+s3] =	stream.linear.scatter [tilespmem:s24], [sflag:$0x6], $0x80, $0x38;
	[tilespmem:$0xDF00] =	vst v63  }
0x26a: {  	s21 =	sadd.s32 $0x40, s9;
	s22 =	simm.s32 $0xD020  }
0x26b: {  	[hbm4b:s21+s3] =	stream.linear.scatter [tilespmem:s22], [sflag:$0x6], $0x80, $0x38;
	[tilespmem:$0xDF00] =	vst v63  }
0x26c: {  	s23 =	sadd.s32 $0x50, s9;
	s24 =	simm.s32 $0xD0A8  }
0x26d: {  	[hbm4b:s23+s3] =	stream.linear.scatter [tilespmem:s24], [sflag:$0x6], $0x80, $0x38;
	[tilespmem:$0xDF00] =	vst v63  }
0x26e: {  	s21 =	sadd.s32 $0x60, s9;
	s22 =	simm.s32 $0xD130  }
0x26f: {  	[hbm4b:s21+s3] =	stream.linear.scatter [tilespmem:s22], [sflag:$0x6], $0x80, $0x38;
	[tilespmem:$0xDF00] =	vst v63  }
0x270: {  	s23 =	sadd.s32 $0x70, s9;
	s24 =	simm.s32 $0xD1B8  }
0x271: {  	[hbm4b:s23+s3] =	stream.linear.scatter [tilespmem:s24], [sflag:$0x6], $0x80, $0x38;
	[tilespmem:$0xDF00] =	vst v63  }
0x272: {  	s21 =	sadd.s32 $0x1000, s9;
	s22 =	simm.s32 $0xD240  }
0x273: {  	[hbm4b:s21+s3] =	stream.linear.scatter [tilespmem:s22], [sflag:$0x6], $0x80, $0x38;
	[tilespmem:$0xDF00] =	vst v63  }
0x274: {  	s23 =	sadd.s32 $0x1010, s9;
	s24 =	simm.s32 $0xD2C8  }
0x275: {  	[hbm4b:s23+s3] =	stream.linear.scatter [tilespmem:s24], [sflag:$0x6], $0x80, $0x38;
	[tilespmem:$0xDF00] =	vst v63  }
0x276: {  	s21 =	sadd.s32 $0x1020, s9;
	s22 =	simm.s32 $0xD350  }
0x277: {  	[hbm4b:s21+s3] =	stream.linear.scatter [tilespmem:s22], [sflag:$0x6], $0x80, $0x38;
	[tilespmem:$0xDF00] =	vst v63  }
0x278: {  	s23 =	sadd.s32 $0x1030, s9;
	s24 =	simm.s32 $0xD3D8  }
0x279: {  	[hbm4b:s23+s3] =	stream.linear.scatter [tilespmem:s24], [sflag:$0x6], $0x80, $0x38;
	[tilespmem:$0xDF00] =	vst v63  }
0x27a: {  	s21 =	sadd.s32 $0x1040, s9;
	s22 =	simm.s32 $0xD460  }
0x27b: {  	[hbm4b:s21+s3] =	stream.linear.scatter [tilespmem:s22], [sflag:$0x6], $0x80, $0x38;
	[tilespmem:$0xDF00] =	vst v63  }
0x27c: {  	s23 =	sadd.s32 $0x1050, s9;
	s24 =	simm.s32 $0xD4E8  }
0x27d: {  	[hbm4b:s23+s3] =	stream.linear.scatter [tilespmem:s24], [sflag:$0x6], $0x80, $0x38;
	[tilespmem:$0xDF00] =	vst v63  }
0x27e: {  	s21 =	sadd.s32 $0x1060, s9;
	s22 =	simm.s32 $0xD570  }
0x27f: {  	[hbm4b:s21+s3] =	stream.linear.scatter [tilespmem:s22], [sflag:$0x6], $0x80, $0x38;
	[tilespmem:$0xDF00] =	vst v63  }
0x280: {  	s23 =	sadd.s32 $0x1070, s9;
	s24 =	simm.s32 $0xD5F8  }
0x281: {  	[hbm4b:s23+s3] =	stream.linear.scatter [tilespmem:s24], [sflag:$0x6], $0x80, $0x38;
	[tilespmem:$0xDF00] =	vst v63  }
0x282: {  	s21 =	sadd.s32 $0x2000, s9;
	s22 =	simm.s32 $0xD680  }
0x283: {  	[hbm4b:s21+s3] =	stream.linear.scatter [tilespmem:s22], [sflag:$0x6], $0x80, $0x38;
	[tilespmem:$0xDF00] =	vst v63  }
0x284: {  	s23 =	sadd.s32 $0x2010, s9;
	s24 =	simm.s32 $0xD708  }
0x285: {  	[hbm4b:s23+s3] =	stream.linear.scatter [tilespmem:s24], [sflag:$0x6], $0x80, $0x38;
	[tilespmem:$0xDF00] =	vst v63  }
0x286: {  	s21 =	sadd.s32 $0x2020, s9;
	s22 =	simm.s32 $0xD790  }
0x287: {  	[hbm4b:s21+s3] =	stream.linear.scatter [tilespmem:s22], [sflag:$0x6], $0x80, $0x38;
	[tilespmem:$0xDF00] =	vst v63  }
0x288: {  	s23 =	sadd.s32 $0x2030, s9;
	s24 =	simm.s32 $0xD818  }
0x289: {  	[hbm4b:s23+s3] =	stream.linear.scatter [tilespmem:s24], [sflag:$0x6], $0x80, $0x38;
	[tilespmem:$0xDF00] =	vst v63  }
0x28a: {  	s21 =	sadd.s32 $0x2040, s9;
	s22 =	simm.s32 $0xD8A0  }
0x28b: {  	[hbm4b:s21+s3] =	stream.linear.scatter [tilespmem:s22], [sflag:$0x6], $0x80, $0x38;
	[tilespmem:$0xDF00] =	vst v63  }
0x28c: {  	s23 =	sadd.s32 $0x2050, s9;
	s24 =	simm.s32 $0xD928  }
0x28d: {  	[hbm4b:s23+s3] =	stream.linear.scatter [tilespmem:s24], [sflag:$0x6], $0x80, $0x38;
	[tilespmem:$0xDF00] =	vst v63  }
0x28e: {  	s21 =	sadd.s32 $0x2060, s9  }
0x28f: {  	[hbm4b:s21+s3] =	stream.linear.scatter [tilespmem:s25], [sflag:$0x6], $0x80, $0x38;
	[tilespmem:$0xDF00] =	vst v63  }
0x290: {  	s22 =	sadd.s32 $0x2070, s9  }
0x291: {  	[hbm4b:s22+s3] =	stream.linear.scatter [tilespmem:s26], [sflag:$0x6], $0x80, $0x38;
	[tilespmem:$0xDF00] =	vst v63  }
0x292: {  	s23 =	sadd.s32 $0x3000, s9  }
0x293: {  	[hbm4b:s23+s3] =	stream.linear.scatter [tilespmem:s30], [sflag:$0x6], $0x80, $0x38;
	[tilespmem:$0xDF00] =	vst v63  }
0x294: {  	s24 =	sadd.s32 $0x3010, s9  }
0x295: {  	[hbm4b:s24+s3] =	stream.linear.scatter [tilespmem:s31], [sflag:$0x6], $0x80, $0x38;
	[tilespmem:$0xDF00] =	vst v63  }
0x296: {  	s21 =	sadd.s32 $0x3020, s9  }
0x297: {  	[hbm4b:s21+s3] =	stream.linear.scatter [tilespmem:s1], [sflag:$0x6], $0x80, $0x38;
	[tilespmem:$0xDF00] =	vst v63  }
0x298: {  	s22 =	sadd.s32 $0x3030, s9  }
0x299: {  	[hbm4b:s22+s3] =	stream.linear.scatter [tilespmem:s0], [sflag:$0x6], $0x80, $0x38;
	[tilespmem:$0xDF00] =	vst v63  }
0x29a: {  	s23 =	sadd.s32 $0x3040, s9  }
0x29b: {  	[hbm4b:s23+s3] =	stream.linear.scatter [tilespmem:s10], [sflag:$0x6], $0x80, $0x38;
	[tilespmem:$0xDF00] =	vst v63  }
0x29c: {  	s24 =	sadd.s32 $0x3050, s9  }
0x29d: {  	[hbm4b:s24+s3] =	stream.linear.scatter [tilespmem:s12], [sflag:$0x6], $0x80, $0x38;
	[tilespmem:$0xDF00] =	vst v63  }
0x29e: {  	s21 =	sadd.s32 $0x3060, s9  }
0x29f: {  	[hbm4b:s21+s3] =	stream.linear.scatter [tilespmem:s13], [sflag:$0x6], $0x80, $0x38;
	[tilespmem:$0xDF00] =	vst v63  }
0x2a0: {  	s9 =	sadd.s32 $0x3070, s9  }
0x2a1: {  	[hbm4b:s9+s3] =	stream.linear.scatter [tilespmem:s14], [sflag:$0x6], $0x80, $0x38;
	[tilespmem:$0xDF00] =	vst v63  }
0x2a2: {  	s18 =	simm.s32 @!p0 $0x80;
	s21 =	simm.s32 @!p0 $0x8D00;
	s9 =	sadd.s32 @!p0 $0x280, s11  }
0x2a3: {  	[tilespmem:s21], [sflag:$0x2] =	stream.indirect.gather @!p0 [hbm4b:s4+s18], $0x20, s9, s18, $0xb8;
	[tilespmem:$0xDF00] =	vst v63  }
0x2a4: {  	_ =	swait.ge [sflag:s15], $0x1000  }
0x2a5: {  	[sflag:s15] =	ssyncset.done $0x0  }
0x2a6: {  	[sflag:s15] =	ssyncadd.s32 $0xFFFFF000  }
0x2a7: {  	s22 =	simm.s32 $0x0;
	s18 =	sor.u32 $0x2, s8;
	_ =	swait.ge [sflag:s16], $0x1000  }
0x2a8: {  	v17 =	vmov s22;
	s23 =	sshll.u32 s18, $0x5;
	[sflag:s16] =	ssyncset.done $0x0  }
0x2a9: {  	v18 =	vshrl.u32 v17, $0x3;
	s21 =	sand.u32 $0x3FFFFFE0, s23;
	[sflag:s16] =	ssyncadd.s32 $0xFFFFF000  }
0x2aa: {  	v18 =	vshll.u32 v18, v1;
	s9 =	simm.s32 $0x9D80;
	v17 =	vld [tilespmem:s21+$0x6400]  }
0x2ab: {  	v20 =	vbroadcast v18, $0x0;
	v19 =	vld [tilespmem:s9+$0xFFFFFF80];
	_ =	sdelay $0x1  }
0x2ac: {  	v21 =	vadd.s32 v0, v20;
	_ =	sdelay $0x2  }
0x2ad: {  	v19 =	vadd.f32 v19, v17;
	_ =	sdelay $0x1  }
0x2ae: {  	v18 =	vld [tilespmem:s21+$0x6410];
	[tilespmem:v21+s20+$0x0] =	vst.idx.msk $0xffff, v19  }
0x2af: {  	v19 =	vld [tilespmem:s9+$0xFFFFFF90];
	_ =	sdelay $0x1  }
0x2b0: {  	v20 =	vadd.s32 v2, v20;
	_ =	sdelay $0x1  }
0x2b1: {  	s24 =	simm.s32 $0x1  }
0x2b2: {  	v21 =	vmov s24;
	v19 =	vadd.f32 v19, v18  }
0x2b3: {  	v21 =	vshrl.u32 v21, $0x3  }
0x2b4: {  	[tilespmem:v20+s20+$0x0] =	vst.idx.msk $0xffff, v19;
	v19 =	vshll.u32 v21, v1  }
0x2b5: {  	v20 =	vld [tilespmem:s9+$0xFFFFFFA0];
	v19 =	vbroadcast v19, $0x0;
	_ =	sdelay $0x1  }
0x2b6: {  	v21 =	vadd.s32 v3, v19;
	_ =	sdelay $0x2  }
0x2b7: {  	v20 =	vadd.f32 v20, v17;
	_ =	sdelay $0x1  }
0x2b8: {  	[tilespmem:v21+s20+$0x0] =	vst.idx.msk $0xffff, v20  }
0x2b9: {  	v20 =	vld [tilespmem:s9+$0xFFFFFFB0];
	_ =	sdelay $0x1  }
0x2ba: {  	v19 =	vadd.s32 v4, v19;
	_ =	sdelay $0x1  }
0x2bb: {  	s22 =	simm.s32 $0x2  }
0x2bc: {  	v21 =	vmov s22;
	v20 =	vadd.f32 v20, v18  }
0x2bd: {  	v21 =	vshrl.u32 v21, $0x3  }
0x2be: {  	[tilespmem:v19+s20+$0x0] =	vst.idx.msk $0xffff, v20;
	v19 =	vshll.u32 v21, v1  }
0x2bf: {  	v20 =	vld [tilespmem:s9+$0xFFFFFFC0];
	v19 =	vbroadcast v19, $0x0;
	_ =	sdelay $0x1  }
0x2c0: {  	v21 =	vadd.s32 v5, v19;
	_ =	sdelay $0x2  }
0x2c1: {  	v20 =	vadd.f32 v20, v17;
	_ =	sdelay $0x1  }
0x2c2: {  	[tilespmem:v21+s20+$0x0] =	vst.idx.msk $0xffff, v20  }
0x2c3: {  	v20 =	vld [tilespmem:s9+$0xFFFFFFD0];
	_ =	sdelay $0x1  }
0x2c4: {  	v19 =	vadd.s32 v6, v19;
	_ =	sdelay $0x1  }
0x2c5: {  	s23 =	simm.s32 $0x3  }
0x2c6: {  	v21 =	vmov s23;
	v20 =	vadd.f32 v20, v18  }
0x2c7: {  	v21 =	vshrl.u32 v21, $0x3  }
0x2c8: {  	[tilespmem:v19+s20+$0x0] =	vst.idx.msk $0xffff, v20;
	v19 =	vshll.u32 v21, v1  }
0x2c9: {  	v20 =	vld [tilespmem:s9+$0xFFFFFFE0];
	v19 =	vbroadcast v19, $0x0;
	_ =	sdelay $0x1  }
0x2ca: {  	v21 =	vadd.s32 v7, v19;
	_ =	sdelay $0x2  }
0x2cb: {  	v20 =	vadd.f32 v20, v17;
	_ =	sdelay $0x1  }
0x2cc: {  	[tilespmem:v21+s20+$0x0] =	vst.idx.msk $0xffff, v20  }
0x2cd: {  	v20 =	vld [tilespmem:s9+$0xFFFFFFF0];
	_ =	sdelay $0x1  }
0x2ce: {  	v19 =	vadd.s32 v8, v19;
	_ =	sdelay $0x1  }
0x2cf: {  	s24 =	simm.s32 $0x4  }
0x2d0: {  	v21 =	vmov s24;
	v20 =	vadd.f32 v20, v18  }
0x2d1: {  	v21 =	vshrl.u32 v21, $0x3  }
0x2d2: {  	[tilespmem:v19+s20+$0x0] =	vst.idx.msk $0xffff, v20;
	v19 =	vshll.u32 v21, v1  }
0x2d3: {  	v20 =	vld [tilespmem:s9+$0x0];
	v19 =	vbroadcast v19, $0x0;
	_ =	sdelay $0x1  }
0x2d4: {  	v21 =	vadd.s32 v9, v19;
	_ =	sdelay $0x2  }
0x2d5: {  	v20 =	vadd.f32 v20, v17;
	_ =	sdelay $0x1  }
0x2d6: {  	[tilespmem:v21+s20+$0x0] =	vst.idx.msk $0xffff, v20  }
0x2d7: {  	v20 =	vld [tilespmem:s9+$0x10];
	_ =	sdelay $0x1  }
0x2d8: {  	v19 =	vadd.s32 v10, v19;
	_ =	sdelay $0x1  }
0x2d9: {  	s22 =	simm.s32 $0x5  }
0x2da: {  	v21 =	vmov s22;
	v20 =	vadd.f32 v20, v18  }
0x2db: {  	v21 =	vshrl.u32 v21, $0x3  }
0x2dc: {  	[tilespmem:v19+s20+$0x0] =	vst.idx.msk $0xffff, v20;
	v19 =	vshll.u32 v21, v1  }
0x2dd: {  	v20 =	vld [tilespmem:s9+$0x20];
	v19 =	vbroadcast v19, $0x0;
	_ =	sdelay $0x1  }
0x2de: {  	v21 =	vadd.s32 v11, v19;
	_ =	sdelay $0x2  }
0x2df: {  	v20 =	vadd.f32 v20, v17;
	_ =	sdelay $0x1  }
0x2e0: {  	[tilespmem:v21+s20+$0x0] =	vst.idx.msk $0xffff, v20  }
0x2e1: {  	v20 =	vld [tilespmem:s9+$0x30];
	_ =	sdelay $0x1  }
0x2e2: {  	v19 =	vadd.s32 v12, v19;
	_ =	sdelay $0x1  }
0x2e3: {  	s23 =	simm.s32 $0x6  }
0x2e4: {  	v21 =	vmov s23;
	v20 =	vadd.f32 v20, v18  }
0x2e5: {  	v21 =	vshrl.u32 v21, $0x3  }
0x2e6: {  	[tilespmem:v19+s20+$0x0] =	vst.idx.msk $0xffff, v20;
	v19 =	vshll.u32 v21, v1  }
0x2e7: {  	v20 =	vld [tilespmem:s9+$0x40];
	v19 =	vbroadcast v19, $0x0;
	_ =	sdelay $0x1  }
0x2e8: {  	v21 =	vadd.s32 v13, v19;
	_ =	sdelay $0x2  }
0x2e9: {  	v20 =	vadd.f32 v20, v17;
	_ =	sdelay $0x1  }
0x2ea: {  	[tilespmem:v21+s20+$0x0] =	vst.idx.msk $0xffff, v20  }
0x2eb: {  	v20 =	vld [tilespmem:s9+$0x50];
	_ =	sdelay $0x1  }
0x2ec: {  	v19 =	vadd.s32 v14, v19;
	_ =	sdelay $0x1  }
0x2ed: {  	s24 =	simm.s32 $0x7  }
0x2ee: {  	v21 =	vmov s24;
	v20 =	vadd.f32 v20, v18  }
0x2ef: {  	v21 =	vshrl.u32 v21, $0x3  }
0x2f0: {  	[tilespmem:v19+s20+$0x0] =	vst.idx.msk $0xffff, v20;
	v19 =	vshll.u32 v21, v1  }
0x2f1: {  	v20 =	vld [tilespmem:s9+$0x60];
	v19 =	vbroadcast v19, $0x0;
	_ =	sdelay $0x1  }
0x2f2: {  	v21 =	vadd.s32 v15, v19;
	_ =	sdelay $0x2  }
0x2f3: {  	v20 =	vadd.f32 v20, v17;
	_ =	sdelay $0x1  }
0x2f4: {  	[tilespmem:v21+s20+$0x0] =	vst.idx.msk $0xffff, v20  }
0x2f5: {  	v20 =	vld [tilespmem:s9+$0x70];
	_ =	sdelay $0x1  }
0x2f6: {  	v19 =	vadd.s32 v16, v19  }
0x2f7: {  	s21 =	simm.s32 $0x8  }
0x2f8: {  	v21 =	vmov s21  }
0x2f9: {  	s22 =	simm.s32 $0x10;
	v21 =	vshrl.u32 v21, $0x3;
	v20 =	vadd.f32 v20, v18  }
.LBB2_7:
0x2fa: {  	p1 =	slt.u32 s22, $0x78  }
0x2fb: {  	v21 =	vshll.u32 v21, v1;
	[tilespmem:v19+s20+$0x0] =	vst.idx.msk $0xffff, v20;
	s9 =	sadd.s32 $0x100, s9;
	s23 =	smov.u32 s22;
	s22 =	sadd.s32 $0x8, s22  }
0x2fc: {  	v19 =	vld [tilespmem:s9+$0xFFFFFF80];
	v20 =	vbroadcast v21, $0x0;
	_ =	sdelay $0x1  }
0x2fd: {  	v21 =	vadd.s32 v0, v20;
	_ =	sdelay $0x2  }
0x2fe: {  	v19 =	vadd.f32 v19, v17;
	_ =	sdelay $0x1  }
0x2ff: {  	[tilespmem:v21+s20+$0x0] =	vst.idx.msk $0xffff, v19  }
0x300: {  	v19 =	vld [tilespmem:s9+$0xFFFFFF90];
	_ =	sdelay $0x1  }
0x301: {  	v20 =	vadd.s32 v2, v20;
	_ =	sdelay $0x1  }
0x302: {  	s24 =	sadd.s32 $0x1, s21  }
0x303: {  	v21 =	vmov s24;
	v19 =	vadd.f32 v19, v18  }
0x304: {  	v21 =	vshrl.u32 v21, $0x3  }
0x305: {  	[tilespmem:v20+s20+$0x0] =	vst.idx.msk $0xffff, v19;
	v19 =	vshll.u32 v21, v1  }
0x306: {  	v20 =	vld [tilespmem:s9+$0xFFFFFFA0];
	v19 =	vbroadcast v19, $0x0;
	_ =	sdelay $0x1  }
0x307: {  	v21 =	vadd.s32 v3, v19;
	_ =	sdelay $0x2  }
0x308: {  	v20 =	vadd.f32 v20, v17;
	_ =	sdelay $0x1  }
0x309: {  	[tilespmem:v21+s20+$0x0] =	vst.idx.msk $0xffff, v20  }
0x30a: {  	v20 =	vld [tilespmem:s9+$0xFFFFFFB0];
	_ =	sdelay $0x1  }
0x30b: {  	v19 =	vadd.s32 v4, v19;
	_ =	sdelay $0x1  }
0x30c: {  	s24 =	sadd.s32 $0x2, s21  }
0x30d: {  	v21 =	vmov s24;
	v20 =	vadd.f32 v20, v18  }
0x30e: {  	v21 =	vshrl.u32 v21, $0x3  }
0x30f: {  	[tilespmem:v19+s20+$0x0] =	vst.idx.msk $0xffff, v20;
	v19 =	vshll.u32 v21, v1  }
0x310: {  	v20 =	vld [tilespmem:s9+$0xFFFFFFC0];
	v19 =	vbroadcast v19, $0x0;
	_ =	sdelay $0x1  }
0x311: {  	v21 =	vadd.s32 v5, v19;
	_ =	sdelay $0x2  }
0x312: {  	v20 =	vadd.f32 v20, v17;
	_ =	sdelay $0x1  }
0x313: {  	[tilespmem:v21+s20+$0x0] =	vst.idx.msk $0xffff, v20  }
0x314: {  	v20 =	vld [tilespmem:s9+$0xFFFFFFD0];
	_ =	sdelay $0x1  }
0x315: {  	v19 =	vadd.s32 v6, v19;
	_ =	sdelay $0x1  }
0x316: {  	s24 =	sadd.s32 $0x3, s21  }
0x317: {  	v21 =	vmov s24;
	v20 =	vadd.f32 v20, v18  }
0x318: {  	v21 =	vshrl.u32 v21, $0x3  }
0x319: {  	[tilespmem:v19+s20+$0x0] =	vst.idx.msk $0xffff, v20;
	v19 =	vshll.u32 v21, v1  }
0x31a: {  	v20 =	vld [tilespmem:s9+$0xFFFFFFE0];
	v19 =	vbroadcast v19, $0x0;
	_ =	sdelay $0x1  }
0x31b: {  	v21 =	vadd.s32 v7, v19;
	_ =	sdelay $0x2  }
0x31c: {  	v20 =	vadd.f32 v20, v17;
	_ =	sdelay $0x1  }
0x31d: {  	[tilespmem:v21+s20+$0x0] =	vst.idx.msk $0xffff, v20  }
0x31e: {  	v20 =	vld [tilespmem:s9+$0xFFFFFFF0];
	_ =	sdelay $0x1  }
0x31f: {  	v19 =	vadd.s32 v8, v19;
	_ =	sdelay $0x1  }
0x320: {  	s24 =	sadd.s32 $0x4, s21  }
0x321: {  	v21 =	vmov s24;
	v20 =	vadd.f32 v20, v18  }
0x322: {  	v21 =	vshrl.u32 v21, $0x3  }
0x323: {  	[tilespmem:v19+s20+$0x0] =	vst.idx.msk $0xffff, v20;
	v19 =	vshll.u32 v21, v1  }
0x324: {  	v20 =	vld [tilespmem:s9+$0x0];
	v19 =	vbroadcast v19, $0x0;
	_ =	sdelay $0x1  }
0x325: {  	v21 =	vadd.s32 v9, v19;
	_ =	sdelay $0x2  }
0x326: {  	v20 =	vadd.f32 v20, v17;
	_ =	sdelay $0x1  }
0x327: {  	[tilespmem:v21+s20+$0x0] =	vst.idx.msk $0xffff, v20  }
0x328: {  	v20 =	vld [tilespmem:s9+$0x10];
	_ =	sdelay $0x1  }
0x329: {  	v19 =	vadd.s32 v10, v19;
	_ =	sdelay $0x1  }
0x32a: {  	s24 =	sadd.s32 $0x5, s21  }
0x32b: {  	v21 =	vmov s24;
	v20 =	vadd.f32 v20, v18  }
0x32c: {  	v21 =	vshrl.u32 v21, $0x3  }
0x32d: {  	[tilespmem:v19+s20+$0x0] =	vst.idx.msk $0xffff, v20;
	v19 =	vshll.u32 v21, v1  }
0x32e: {  	v20 =	vld [tilespmem:s9+$0x20];
	v19 =	vbroadcast v19, $0x0;
	_ =	sdelay $0x1  }
0x32f: {  	v21 =	vadd.s32 v11, v19;
	_ =	sdelay $0x2  }
0x330: {  	v20 =	vadd.f32 v20, v17;
	_ =	sdelay $0x1  }
0x331: {  	[tilespmem:v21+s20+$0x0] =	vst.idx.msk $0xffff, v20  }
0x332: {  	v20 =	vld [tilespmem:s9+$0x30];
	_ =	sdelay $0x1  }
0x333: {  	v19 =	vadd.s32 v12, v19;
	_ =	sdelay $0x1  }
0x334: {  	s24 =	sadd.s32 $0x6, s21  }
0x335: {  	v21 =	vmov s24;
	v20 =	vadd.f32 v20, v18  }
0x336: {  	v21 =	vshrl.u32 v21, $0x3  }
0x337: {  	[tilespmem:v19+s20+$0x0] =	vst.idx.msk $0xffff, v20;
	v19 =	vshll.u32 v21, v1  }
0x338: {  	v20 =	vld [tilespmem:s9+$0x40];
	v19 =	vbroadcast v19, $0x0;
	_ =	sdelay $0x1  }
0x339: {  	v21 =	vadd.s32 v13, v19;
	_ =	sdelay $0x2  }
0x33a: {  	v20 =	vadd.f32 v20, v17;
	_ =	sdelay $0x1  }
0x33b: {  	[tilespmem:v21+s20+$0x0] =	vst.idx.msk $0xffff, v20  }
0x33c: {  	v20 =	vld [tilespmem:s9+$0x50];
	_ =	sdelay $0x1  }
0x33d: {  	v19 =	vadd.s32 v14, v19;
	_ =	sdelay $0x1  }
0x33e: {  	s24 =	sadd.s32 $0x7, s21;
	s21 =	smov.u32 s23  }
0x33f: {  	v21 =	vmov s24;
	v20 =	vadd.f32 v20, v18  }
0x340: {  	v21 =	vshrl.u32 v21, $0x3  }
0x341: {  	[tilespmem:v19+s20+$0x0] =	vst.idx.msk $0xffff, v20;
	v19 =	vshll.u32 v21, v1  }
0x342: {  	v20 =	vld [tilespmem:s9+$0x60];
	v19 =	vbroadcast v19, $0x0;
	_ =	sdelay $0x1  }
0x343: {  	v21 =	vadd.s32 v15, v19;
	_ =	sdelay $0x2  }
0x344: {  	v20 =	vadd.f32 v20, v17;
	_ =	sdelay $0x1  }
0x345: {  	[tilespmem:v21+s20+$0x0] =	vst.idx.msk $0xffff, v20  }
0x346: {  	v20 =	vld [tilespmem:s9+$0x70];
	_ =	sdelay $0x1  }
.Ltmp4:
0x347: {  	v19 =	vadd.s32 v16, v19;
	(pc) =	sbr.rel @p1 .LBB2_7-.Ltmp4, $3  }
0x348: {  	_ =	sdelay $0x1  }
0x349: {  	v21 =	vmov s21;
	v20 =	vadd.f32 v20, v18  }
0x34a: {  	v21 =	vshrl.u32 v21, $0x3  }
0x34b: {  	_ =	sdelay $0x3  }
0x34c: {  	v21 =	vshll.u32 v21, v1;
	[tilespmem:v19+s20+$0x0] =	vst.idx.msk $0xffff, v20;
	s9 =	sadd.s32 $0x100, s9  }
0x34d: {  	v19 =	vld [tilespmem:s9+$0xFFFFFF80];
	v20 =	vbroadcast v21, $0x0;
	_ =	sdelay $0x1  }
0x34e: {  	v21 =	vadd.s32 v0, v20;
	_ =	sdelay $0x2  }
0x34f: {  	v19 =	vadd.f32 v19, v17;
	_ =	sdelay $0x1  }
0x350: {  	[tilespmem:v21+s20+$0x0] =	vst.idx.msk $0xffff, v19  }
0x351: {  	v19 =	vld [tilespmem:s9+$0xFFFFFF90];
	_ =	sdelay $0x1  }
0x352: {  	v20 =	vadd.s32 v2, v20;
	_ =	sdelay $0x1  }
0x353: {  	s22 =	sadd.s32 $0x1, s21  }
0x354: {  	v21 =	vmov s22;
	v19 =	vadd.f32 v19, v18  }
0x355: {  	v21 =	vshrl.u32 v21, $0x3  }
0x356: {  	[tilespmem:v20+s20+$0x0] =	vst.idx.msk $0xffff, v19;
	v19 =	vshll.u32 v21, v1  }
0x357: {  	v20 =	vld [tilespmem:s9+$0xFFFFFFA0];
	v19 =	vbroadcast v19, $0x0;
	_ =	sdelay $0x1  }
0x358: {  	v21 =	vadd.s32 v3, v19;
	_ =	sdelay $0x2  }
0x359: {  	v20 =	vadd.f32 v20, v17;
	_ =	sdelay $0x1  }
0x35a: {  	[tilespmem:v21+s20+$0x0] =	vst.idx.msk $0xffff, v20  }
0x35b: {  	v20 =	vld [tilespmem:s9+$0xFFFFFFB0];
	_ =	sdelay $0x1  }
0x35c: {  	v19 =	vadd.s32 v4, v19;
	_ =	sdelay $0x1  }
0x35d: {  	s23 =	sadd.s32 $0x2, s21  }
0x35e: {  	v21 =	vmov s23;
	v20 =	vadd.f32 v20, v18  }
0x35f: {  	v21 =	vshrl.u32 v21, $0x3  }
0x360: {  	[tilespmem:v19+s20+$0x0] =	vst.idx.msk $0xffff, v20;
	v19 =	vshll.u32 v21, v1  }
0x361: {  	v20 =	vld [tilespmem:s9+$0xFFFFFFC0];
	v19 =	vbroadcast v19, $0x0;
	_ =	sdelay $0x1  }
0x362: {  	v21 =	vadd.s32 v5, v19;
	_ =	sdelay $0x2  }
0x363: {  	v20 =	vadd.f32 v20, v17;
	_ =	sdelay $0x1  }
0x364: {  	[tilespmem:v21+s20+$0x0] =	vst.idx.msk $0xffff, v20  }
0x365: {  	v20 =	vld [tilespmem:s9+$0xFFFFFFD0];
	_ =	sdelay $0x1  }
0x366: {  	v19 =	vadd.s32 v6, v19;
	_ =	sdelay $0x1  }
0x367: {  	s24 =	sadd.s32 $0x3, s21  }
0x368: {  	v21 =	vmov s24;
	v20 =	vadd.f32 v20, v18  }
0x369: {  	v21 =	vshrl.u32 v21, $0x3  }
0x36a: {  	[tilespmem:v19+s20+$0x0] =	vst.idx.msk $0xffff, v20;
	v19 =	vshll.u32 v21, v1  }
0x36b: {  	v20 =	vld [tilespmem:s9+$0xFFFFFFE0];
	v19 =	vbroadcast v19, $0x0;
	_ =	sdelay $0x1  }
0x36c: {  	v21 =	vadd.s32 v7, v19;
	_ =	sdelay $0x2  }
0x36d: {  	v20 =	vadd.f32 v20, v17;
	_ =	sdelay $0x1  }
0x36e: {  	[tilespmem:v21+s20+$0x0] =	vst.idx.msk $0xffff, v20  }
0x36f: {  	v20 =	vld [tilespmem:s9+$0xFFFFFFF0];
	_ =	sdelay $0x1  }
0x370: {  	v19 =	vadd.s32 v8, v19;
	_ =	sdelay $0x1  }
0x371: {  	s23 =	sadd.s32 $0x4, s21  }
0x372: {  	v21 =	vmov s23;
	v20 =	vadd.f32 v20, v18  }
0x373: {  	v21 =	vshrl.u32 v21, $0x3  }
0x374: {  	[tilespmem:v19+s20+$0x0] =	vst.idx.msk $0xffff, v20;
	v19 =	vshll.u32 v21, v1  }
0x375: {  	v20 =	vld [tilespmem:s9+$0x0];
	v19 =	vbroadcast v19, $0x0;
	_ =	sdelay $0x1  }
0x376: {  	v21 =	vadd.s32 v9, v19;
	_ =	sdelay $0x2  }
0x377: {  	v20 =	vadd.f32 v20, v17;
	_ =	sdelay $0x1  }
0x378: {  	[tilespmem:v21+s20+$0x0] =	vst.idx.msk $0xffff, v20  }
0x379: {  	v20 =	vld [tilespmem:s9+$0x10];
	_ =	sdelay $0x1  }
0x37a: {  	v19 =	vadd.s32 v10, v19;
	_ =	sdelay $0x1  }
0x37b: {  	s24 =	sadd.s32 $0x5, s21  }
0x37c: {  	v21 =	vmov s24;
	v20 =	vadd.f32 v20, v18  }
0x37d: {  	v21 =	vshrl.u32 v21, $0x3  }
0x37e: {  	[tilespmem:v19+s20+$0x0] =	vst.idx.msk $0xffff, v20;
	v19 =	vshll.u32 v21, v1  }
0x37f: {  	v20 =	vld [tilespmem:s9+$0x20];
	v19 =	vbroadcast v19, $0x0;
	_ =	sdelay $0x1  }
0x380: {  	v21 =	vadd.s32 v11, v19;
	_ =	sdelay $0x2  }
0x381: {  	v20 =	vadd.f32 v20, v17;
	_ =	sdelay $0x1  }
0x382: {  	[tilespmem:v21+s20+$0x0] =	vst.idx.msk $0xffff, v20  }
0x383: {  	v20 =	vld [tilespmem:s9+$0x30];
	_ =	sdelay $0x1  }
0x384: {  	v19 =	vadd.s32 v12, v19;
	_ =	sdelay $0x1  }
0x385: {  	s23 =	sadd.s32 $0x6, s21  }
0x386: {  	v21 =	vmov s23;
	v20 =	vadd.f32 v20, v18  }
0x387: {  	v21 =	vshrl.u32 v21, $0x3  }
0x388: {  	[tilespmem:v19+s20+$0x0] =	vst.idx.msk $0xffff, v20;
	v19 =	vshll.u32 v21, v1  }
0x389: {  	v20 =	vld [tilespmem:s9+$0x40];
	v19 =	vbroadcast v19, $0x0;
	_ =	sdelay $0x1  }
0x38a: {  	v21 =	vadd.s32 v13, v19;
	_ =	sdelay $0x2  }
0x38b: {  	v20 =	vadd.f32 v20, v17;
	_ =	sdelay $0x1  }
0x38c: {  	[tilespmem:v21+s20+$0x0] =	vst.idx.msk $0xffff, v20  }
0x38d: {  	v20 =	vld [tilespmem:s9+$0x50];
	_ =	sdelay $0x1  }
0x38e: {  	v19 =	vadd.s32 v14, v19;
	_ =	sdelay $0x1  }
0x38f: {  	s24 =	sadd.s32 $0x7, s21  }
0x390: {  	v21 =	vmov s24;
	v20 =	vadd.f32 v20, v18  }
0x391: {  	v21 =	vshrl.u32 v21, $0x3  }
0x392: {  	[tilespmem:v19+s20+$0x0] =	vst.idx.msk $0xffff, v20;
	v19 =	vshll.u32 v21, v1  }
0x393: {  	v20 =	vld [tilespmem:s9+$0x60];
	v19 =	vbroadcast v19, $0x0;
	_ =	sdelay $0x1  }
0x394: {  	v21 =	vadd.s32 v15, v19;
	_ =	sdelay $0x2  }
0x395: {  	v17 =	vadd.f32 v20, v17;
	_ =	sdelay $0x1  }
0x396: {  	[tilespmem:v21+s20+$0x0] =	vst.idx.msk $0xffff, v17  }
0x397: {  	v17 =	vld [tilespmem:s9+$0x70];
	_ =	sdelay $0x1  }
0x398: {  	v19 =	vadd.s32 v16, v19;
	_ =	sdelay $0x1  }
0x399: {  	s18 =	sshll.u32 s18, $0x11  }
0x39a: {  	s9 =	sor.u32 s7, s18;
	v17 =	vadd.f32 v17, v18  }
0x39b: {  	s9 =	sshrl.u32 s9, $0x3  }
0x39c: {  	s9 =	sadd.s32 s2, s9;
	[tilespmem:v19+s20+$0x0] =	vst.idx.msk $0xffff, v17  }
0x39d: {  	[hbm4b:s9+s3] =	stream.linear.scatter [tilespmem:s20], [sflag:$0x5], $0x80, $0x38;
	[tilespmem:$0xDF00] =	vst v63  }
0x39e: {  	s23 =	simm.s32 $0xBD88;
	s21 =	sadd.s32 $0x10, s9  }
0x39f: {  	[hbm4b:s21+s3] =	stream.linear.scatter [tilespmem:s23], [sflag:$0x5], $0x80, $0x38;
	[tilespmem:$0xDF00] =	vst v63  }
0x3a0: {  	s24 =	simm.s32 $0xBE10;
	s22 =	sadd.s32 $0x20, s9  }
0x3a1: {  	[hbm4b:s22+s3] =	stream.linear.scatter [tilespmem:s24], [sflag:$0x5], $0x80, $0x38;
	[tilespmem:$0xDF00] =	vst v63  }
0x3a2: {  	s21 =	sadd.s32 $0x30, s9;
	s22 =	simm.s32 $0xBE98  }
0x3a3: {  	[hbm4b:s21+s3] =	stream.linear.scatter [tilespmem:s22], [sflag:$0x5], $0x80, $0x38;
	[tilespmem:$0xDF00] =	vst v63  }
0x3a4: {  	s21 =	sadd.s32 $0x40, s9;
	s22 =	simm.s32 $0xBF20  }
0x3a5: {  	[hbm4b:s21+s3] =	stream.linear.scatter [tilespmem:s22], [sflag:$0x5], $0x80, $0x38;
	[tilespmem:$0xDF00] =	vst v63  }
0x3a6: {  	s21 =	sadd.s32 $0x50, s9;
	s22 =	simm.s32 $0xBFA8  }
0x3a7: {  	[hbm4b:s21+s3] =	stream.linear.scatter [tilespmem:s22], [sflag:$0x5], $0x80, $0x38;
	[tilespmem:$0xDF00] =	vst v63  }
0x3a8: {  	s21 =	sadd.s32 $0x60, s9;
	s22 =	simm.s32 $0xC030  }
0x3a9: {  	[hbm4b:s21+s3] =	stream.linear.scatter [tilespmem:s22], [sflag:$0x5], $0x80, $0x38;
	[tilespmem:$0xDF00] =	vst v63  }
0x3aa: {  	s21 =	sadd.s32 $0x70, s9;
	s22 =	simm.s32 $0xC0B8  }
0x3ab: {  	[hbm4b:s21+s3] =	stream.linear.scatter [tilespmem:s22], [sflag:$0x5], $0x80, $0x38;
	[tilespmem:$0xDF00] =	vst v63  }
0x3ac: {  	s21 =	sadd.s32 $0x1000, s9;
	s22 =	simm.s32 $0xC140  }
0x3ad: {  	[hbm4b:s21+s3] =	stream.linear.scatter [tilespmem:s22], [sflag:$0x5], $0x80, $0x38;
	[tilespmem:$0xDF00] =	vst v63  }
0x3ae: {  	s21 =	sadd.s32 $0x1010, s9;
	s22 =	simm.s32 $0xC1C8  }
0x3af: {  	[hbm4b:s21+s3] =	stream.linear.scatter [tilespmem:s22], [sflag:$0x5], $0x80, $0x38;
	[tilespmem:$0xDF00] =	vst v63  }
0x3b0: {  	s21 =	sadd.s32 $0x1020, s9;
	s22 =	simm.s32 $0xC250  }
0x3b1: {  	[hbm4b:s21+s3] =	stream.linear.scatter [tilespmem:s22], [sflag:$0x5], $0x80, $0x38;
	[tilespmem:$0xDF00] =	vst v63  }
0x3b2: {  	s21 =	sadd.s32 $0x1030, s9;
	s22 =	simm.s32 $0xC2D8  }
0x3b3: {  	[hbm4b:s21+s3] =	stream.linear.scatter [tilespmem:s22], [sflag:$0x5], $0x80, $0x38;
	[tilespmem:$0xDF00] =	vst v63  }
0x3b4: {  	s21 =	sadd.s32 $0x1040, s9;
	s22 =	simm.s32 $0xC360  }
0x3b5: {  	[hbm4b:s21+s3] =	stream.linear.scatter [tilespmem:s22], [sflag:$0x5], $0x80, $0x38;
	[tilespmem:$0xDF00] =	vst v63  }
0x3b6: {  	s21 =	sadd.s32 $0x1050, s9;
	s22 =	simm.s32 $0xC3E8  }
0x3b7: {  	[hbm4b:s21+s3] =	stream.linear.scatter [tilespmem:s22], [sflag:$0x5], $0x80, $0x38;
	[tilespmem:$0xDF00] =	vst v63  }
0x3b8: {  	s21 =	sadd.s32 $0x1060, s9;
	s22 =	simm.s32 $0xC470  }
0x3b9: {  	[hbm4b:s21+s3] =	stream.linear.scatter [tilespmem:s22], [sflag:$0x5], $0x80, $0x38;
	[tilespmem:$0xDF00] =	vst v63  }
0x3ba: {  	s21 =	sadd.s32 $0x1070, s9;
	s22 =	simm.s32 $0xC4F8  }
0x3bb: {  	[hbm4b:s21+s3] =	stream.linear.scatter [tilespmem:s22], [sflag:$0x5], $0x80, $0x38;
	[tilespmem:$0xDF00] =	vst v63  }
0x3bc: {  	s21 =	sadd.s32 $0x2000, s9;
	s22 =	simm.s32 $0xC580  }
0x3bd: {  	[hbm4b:s21+s3] =	stream.linear.scatter [tilespmem:s22], [sflag:$0x5], $0x80, $0x38;
	[tilespmem:$0xDF00] =	vst v63  }
0x3be: {  	s21 =	sadd.s32 $0x2010, s9;
	s22 =	simm.s32 $0xC608  }
0x3bf: {  	[hbm4b:s21+s3] =	stream.linear.scatter [tilespmem:s22], [sflag:$0x5], $0x80, $0x38;
	[tilespmem:$0xDF00] =	vst v63  }
0x3c0: {  	s21 =	sadd.s32 $0x2020, s9;
	s22 =	simm.s32 $0xC690  }
0x3c1: {  	[hbm4b:s21+s3] =	stream.linear.scatter [tilespmem:s22], [sflag:$0x5], $0x80, $0x38;
	[tilespmem:$0xDF00] =	vst v63  }
0x3c2: {  	s21 =	sadd.s32 $0x2030, s9;
	s22 =	simm.s32 $0xC718  }
0x3c3: {  	[hbm4b:s21+s3] =	stream.linear.scatter [tilespmem:s22], [sflag:$0x5], $0x80, $0x38;
	[tilespmem:$0xDF00] =	vst v63  }
0x3c4: {  	s21 =	sadd.s32 $0x2040, s9;
	s22 =	simm.s32 $0xC7A0  }
0x3c5: {  	[hbm4b:s21+s3] =	stream.linear.scatter [tilespmem:s22], [sflag:$0x5], $0x80, $0x38;
	[tilespmem:$0xDF00] =	vst v63  }
0x3c6: {  	s21 =	sadd.s32 $0x2050, s9;
	s22 =	simm.s32 $0xC828  }
0x3c7: {  	[hbm4b:s21+s3] =	stream.linear.scatter [tilespmem:s22], [sflag:$0x5], $0x80, $0x38;
	[tilespmem:$0xDF00] =	vst v63  }
0x3c8: {  	s21 =	sadd.s32 $0x2060, s9;
	s22 =	simm.s32 $0xC8B0  }
0x3c9: {  	[hbm4b:s21+s3] =	stream.linear.scatter [tilespmem:s22], [sflag:$0x5], $0x80, $0x38;
	[tilespmem:$0xDF00] =	vst v63  }
0x3ca: {  	s21 =	sadd.s32 $0x2070, s9;
	s22 =	simm.s32 $0xC938  }
0x3cb: {  	[hbm4b:s21+s3] =	stream.linear.scatter [tilespmem:s22], [sflag:$0x5], $0x80, $0x38;
	[tilespmem:$0xDF00] =	vst v63  }
0x3cc: {  	s21 =	sadd.s32 $0x3000, s9;
	s22 =	simm.s32 $0xC9C0  }
0x3cd: {  	[hbm4b:s21+s3] =	stream.linear.scatter [tilespmem:s22], [sflag:$0x5], $0x80, $0x38;
	[tilespmem:$0xDF00] =	vst v63  }
0x3ce: {  	s21 =	sadd.s32 $0x3010, s9;
	s22 =	simm.s32 $0xCA48  }
0x3cf: {  	[hbm4b:s21+s3] =	stream.linear.scatter [tilespmem:s22], [sflag:$0x5], $0x80, $0x38;
	[tilespmem:$0xDF00] =	vst v63  }
0x3d0: {  	s21 =	sadd.s32 $0x3020, s9;
	s22 =	simm.s32 $0xCAD0  }
0x3d1: {  	[hbm4b:s21+s3] =	stream.linear.scatter [tilespmem:s22], [sflag:$0x5], $0x80, $0x38;
	[tilespmem:$0xDF00] =	vst v63  }
0x3d2: {  	s21 =	sadd.s32 $0x3030, s9;
	s22 =	simm.s32 $0xCB58  }
0x3d3: {  	[hbm4b:s21+s3] =	stream.linear.scatter [tilespmem:s22], [sflag:$0x5], $0x80, $0x38;
	[tilespmem:$0xDF00] =	vst v63  }
0x3d4: {  	s21 =	sadd.s32 $0x3040, s9;
	s22 =	simm.s32 $0xCBE0  }
0x3d5: {  	[hbm4b:s21+s3] =	stream.linear.scatter [tilespmem:s22], [sflag:$0x5], $0x80, $0x38;
	[tilespmem:$0xDF00] =	vst v63  }
0x3d6: {  	s21 =	sadd.s32 $0x3050, s9;
	s22 =	simm.s32 $0xCC68  }
0x3d7: {  	[hbm4b:s21+s3] =	stream.linear.scatter [tilespmem:s22], [sflag:$0x5], $0x80, $0x38;
	[tilespmem:$0xDF00] =	vst v63  }
0x3d8: {  	s21 =	sadd.s32 $0x3060, s9;
	s22 =	simm.s32 $0xCCF0  }
0x3d9: {  	[hbm4b:s21+s3] =	stream.linear.scatter [tilespmem:s22], [sflag:$0x5], $0x80, $0x38;
	[tilespmem:$0xDF00] =	vst v63  }
0x3da: {  	s9 =	sadd.s32 $0x3070, s9;
	s22 =	simm.s32 $0xCD78  }
0x3db: {  	[hbm4b:s9+s3] =	stream.linear.scatter [tilespmem:s22], [sflag:$0x5], $0x80, $0x38;
	[tilespmem:$0xDF00] =	vst v63  }
0x3dc: {  	s18 =	simm.s32 @!p0 $0x9D00;
	s9 =	sadd.s32 @!p0 $0x300, s11;
	s11 =	simm.s32 @!p0 $0x80  }
0x3dd: {  	[tilespmem:s18], [sflag:$0x3] =	stream.indirect.gather @!p0 [hbm4b:s4+s11], $0x20, s9, s11, $0xb8;
	[tilespmem:$0xDF00] =	vst v63  }
0x3de: {  	_ =	swait.ge [sflag:s17], $0x1000  }
0x3df: {  	[sflag:s17] =	ssyncset.done $0x0  }
0x3e0: {  	[sflag:s17] =	ssyncadd.s32 $0xFFFFF000  }
0x3e1: {  	s8 =	sor.u32 $0x3, s8;
	s18 =	simm.s32 $0x0;
	_ =	swait.ge [sflag:s5], $0x1000  }
0x3e2: {  	s21 =	sshll.u32 s8, $0x5;
	v17 =	vmov s18;
	[sflag:s5] =	ssyncset.done $0x0  }
0x3e3: {  	s11 =	sand.u32 $0x3FFFFFE0, s21;
	v18 =	vshrl.u32 v17, $0x3;
	[sflag:s5] =	ssyncadd.s32 $0xFFFFF000  }
0x3e4: {  	s9 =	simm.s32 $0xAD80;
	v18 =	vshll.u32 v18, v1;
	v17 =	vld [tilespmem:s11+$0x6400]  }
0x3e5: {  	v20 =	vbroadcast v18, $0x0;
	v19 =	vld [tilespmem:s9+$0xFFFFFF80];
	_ =	sdelay $0x1  }
0x3e6: {  	v21 =	vadd.s32 v0, v20;
	_ =	sdelay $0x2  }
0x3e7: {  	v19 =	vadd.f32 v19, v17;
	_ =	sdelay $0x1  }
0x3e8: {  	v18 =	vld [tilespmem:s11+$0x6410];
	[tilespmem:v21+s29+$0x0] =	vst.idx.msk $0xffff, v19  }
0x3e9: {  	v19 =	vld [tilespmem:s9+$0xFFFFFF90];
	_ =	sdelay $0x1  }
0x3ea: {  	v20 =	vadd.s32 v2, v20;
	_ =	sdelay $0x1  }
0x3eb: {  	s22 =	simm.s32 $0x1  }
0x3ec: {  	v21 =	vmov s22;
	v19 =	vadd.f32 v19, v18  }
0x3ed: {  	v21 =	vshrl.u32 v21, $0x3  }
0x3ee: {  	[tilespmem:v20+s29+$0x0] =	vst.idx.msk $0xffff, v19;
	v19 =	vshll.u32 v21, v1  }
0x3ef: {  	v20 =	vld [tilespmem:s9+$0xFFFFFFA0];
	v19 =	vbroadcast v19, $0x0;
	_ =	sdelay $0x1  }
0x3f0: {  	v21 =	vadd.s32 v3, v19;
	_ =	sdelay $0x2  }
0x3f1: {  	v20 =	vadd.f32 v20, v17;
	_ =	sdelay $0x1  }
0x3f2: {  	[tilespmem:v21+s29+$0x0] =	vst.idx.msk $0xffff, v20  }
0x3f3: {  	v20 =	vld [tilespmem:s9+$0xFFFFFFB0];
	_ =	sdelay $0x1  }
0x3f4: {  	v19 =	vadd.s32 v4, v19;
	_ =	sdelay $0x1  }
0x3f5: {  	s18 =	simm.s32 $0x2  }
0x3f6: {  	v21 =	vmov s18;
	v20 =	vadd.f32 v20, v18  }
0x3f7: {  	v21 =	vshrl.u32 v21, $0x3  }
0x3f8: {  	[tilespmem:v19+s29+$0x0] =	vst.idx.msk $0xffff, v20;
	v19 =	vshll.u32 v21, v1  }
0x3f9: {  	v20 =	vld [tilespmem:s9+$0xFFFFFFC0];
	v19 =	vbroadcast v19, $0x0;
	_ =	sdelay $0x1  }
0x3fa: {  	v21 =	vadd.s32 v5, v19;
	_ =	sdelay $0x2  }
0x3fb: {  	v20 =	vadd.f32 v20, v17;
	_ =	sdelay $0x1  }
0x3fc: {  	[tilespmem:v21+s29+$0x0] =	vst.idx.msk $0xffff, v20  }
0x3fd: {  	v20 =	vld [tilespmem:s9+$0xFFFFFFD0];
	_ =	sdelay $0x1  }
0x3fe: {  	v19 =	vadd.s32 v6, v19;
	_ =	sdelay $0x1  }
0x3ff: {  	s21 =	simm.s32 $0x3  }
0x400: {  	v21 =	vmov s21;
	v20 =	vadd.f32 v20, v18  }
0x401: {  	v21 =	vshrl.u32 v21, $0x3  }
0x402: {  	[tilespmem:v19+s29+$0x0] =	vst.idx.msk $0xffff, v20;
	v19 =	vshll.u32 v21, v1  }
0x403: {  	v20 =	vld [tilespmem:s9+$0xFFFFFFE0];
	v19 =	vbroadcast v19, $0x0;
	_ =	sdelay $0x1  }
0x404: {  	v21 =	vadd.s32 v7, v19;
	_ =	sdelay $0x2  }
0x405: {  	v20 =	vadd.f32 v20, v17;
	_ =	sdelay $0x1  }
0x406: {  	[tilespmem:v21+s29+$0x0] =	vst.idx.msk $0xffff, v20  }
0x407: {  	v20 =	vld [tilespmem:s9+$0xFFFFFFF0];
	_ =	sdelay $0x1  }
0x408: {  	v19 =	vadd.s32 v8, v19;
	_ =	sdelay $0x1  }
0x409: {  	s22 =	simm.s32 $0x4  }
0x40a: {  	v21 =	vmov s22;
	v20 =	vadd.f32 v20, v18  }
0x40b: {  	v21 =	vshrl.u32 v21, $0x3  }
0x40c: {  	[tilespmem:v19+s29+$0x0] =	vst.idx.msk $0xffff, v20;
	v19 =	vshll.u32 v21, v1  }
0x40d: {  	v20 =	vld [tilespmem:s9+$0x0];
	v19 =	vbroadcast v19, $0x0;
	_ =	sdelay $0x1  }
0x40e: {  	v21 =	vadd.s32 v9, v19;
	_ =	sdelay $0x2  }
0x40f: {  	v20 =	vadd.f32 v20, v17;
	_ =	sdelay $0x1  }
0x410: {  	[tilespmem:v21+s29+$0x0] =	vst.idx.msk $0xffff, v20  }
0x411: {  	v20 =	vld [tilespmem:s9+$0x10];
	_ =	sdelay $0x1  }
0x412: {  	v19 =	vadd.s32 v10, v19;
	_ =	sdelay $0x1  }
0x413: {  	s18 =	simm.s32 $0x5  }
0x414: {  	v21 =	vmov s18;
	v20 =	vadd.f32 v20, v18  }
0x415: {  	v21 =	vshrl.u32 v21, $0x3  }
0x416: {  	[tilespmem:v19+s29+$0x0] =	vst.idx.msk $0xffff, v20;
	v19 =	vshll.u32 v21, v1  }
0x417: {  	v20 =	vld [tilespmem:s9+$0x20];
	v19 =	vbroadcast v19, $0x0;
	_ =	sdelay $0x1  }
0x418: {  	v21 =	vadd.s32 v11, v19;
	_ =	sdelay $0x2  }
0x419: {  	v20 =	vadd.f32 v20, v17;
	_ =	sdelay $0x1  }
0x41a: {  	[tilespmem:v21+s29+$0x0] =	vst.idx.msk $0xffff, v20  }
0x41b: {  	v20 =	vld [tilespmem:s9+$0x30];
	_ =	sdelay $0x1  }
0x41c: {  	v19 =	vadd.s32 v12, v19;
	_ =	sdelay $0x1  }
0x41d: {  	s21 =	simm.s32 $0x6  }
0x41e: {  	v21 =	vmov s21;
	v20 =	vadd.f32 v20, v18  }
0x41f: {  	v21 =	vshrl.u32 v21, $0x3  }
0x420: {  	[tilespmem:v19+s29+$0x0] =	vst.idx.msk $0xffff, v20;
	v19 =	vshll.u32 v21, v1  }
0x421: {  	v20 =	vld [tilespmem:s9+$0x40];
	v19 =	vbroadcast v19, $0x0;
	_ =	sdelay $0x1  }
0x422: {  	v21 =	vadd.s32 v13, v19;
	_ =	sdelay $0x2  }
0x423: {  	v20 =	vadd.f32 v20, v17;
	_ =	sdelay $0x1  }
0x424: {  	[tilespmem:v21+s29+$0x0] =	vst.idx.msk $0xffff, v20  }
0x425: {  	v20 =	vld [tilespmem:s9+$0x50];
	_ =	sdelay $0x1  }
0x426: {  	v19 =	vadd.s32 v14, v19;
	_ =	sdelay $0x1  }
0x427: {  	s22 =	simm.s32 $0x7  }
0x428: {  	v21 =	vmov s22;
	v20 =	vadd.f32 v20, v18  }
0x429: {  	v21 =	vshrl.u32 v21, $0x3  }
0x42a: {  	[tilespmem:v19+s29+$0x0] =	vst.idx.msk $0xffff, v20;
	v19 =	vshll.u32 v21, v1  }
0x42b: {  	v20 =	vld [tilespmem:s9+$0x60];
	v19 =	vbroadcast v19, $0x0;
	_ =	sdelay $0x1  }
0x42c: {  	v21 =	vadd.s32 v15, v19;
	_ =	sdelay $0x2  }
0x42d: {  	v20 =	vadd.f32 v20, v17;
	_ =	sdelay $0x1  }
0x42e: {  	[tilespmem:v21+s29+$0x0] =	vst.idx.msk $0xffff, v20  }
0x42f: {  	v20 =	vld [tilespmem:s9+$0x70];
	_ =	sdelay $0x1  }
0x430: {  	v19 =	vadd.s32 v16, v19  }
0x431: {  	s11 =	simm.s32 $0x8  }
0x432: {  	v21 =	vmov s11  }
0x433: {  	s18 =	simm.s32 $0x10;
	v21 =	vshrl.u32 v21, $0x3;
	v20 =	vadd.f32 v20, v18  }
.LBB2_9:
0x434: {  	p1 =	slt.u32 s18, $0x78  }
0x435: {  	v21 =	vshll.u32 v21, v1;
	[tilespmem:v19+s29+$0x0] =	vst.idx.msk $0xffff, v20;
	s9 =	sadd.s32 $0x100, s9;
	s21 =	smov.u32 s18;
	s18 =	sadd.s32 $0x8, s18  }
0x436: {  	v19 =	vld [tilespmem:s9+$0xFFFFFF80];
	v20 =	vbroadcast v21, $0x0;
	_ =	sdelay $0x1  }
0x437: {  	v21 =	vadd.s32 v0, v20;
	_ =	sdelay $0x2  }
0x438: {  	v19 =	vadd.f32 v19, v17;
	_ =	sdelay $0x1  }
0x439: {  	[tilespmem:v21+s29+$0x0] =	vst.idx.msk $0xffff, v19  }
0x43a: {  	v19 =	vld [tilespmem:s9+$0xFFFFFF90];
	_ =	sdelay $0x1  }
0x43b: {  	v20 =	vadd.s32 v2, v20;
	_ =	sdelay $0x1  }
0x43c: {  	s22 =	sadd.s32 $0x1, s11  }
0x43d: {  	v21 =	vmov s22;
	v19 =	vadd.f32 v19, v18  }
0x43e: {  	v21 =	vshrl.u32 v21, $0x3  }
0x43f: {  	[tilespmem:v20+s29+$0x0] =	vst.idx.msk $0xffff, v19;
	v19 =	vshll.u32 v21, v1  }
0x440: {  	v20 =	vld [tilespmem:s9+$0xFFFFFFA0];
	v19 =	vbroadcast v19, $0x0;
	_ =	sdelay $0x1  }
0x441: {  	v21 =	vadd.s32 v3, v19;
	_ =	sdelay $0x2  }
0x442: {  	v20 =	vadd.f32 v20, v17;
	_ =	sdelay $0x1  }
0x443: {  	[tilespmem:v21+s29+$0x0] =	vst.idx.msk $0xffff, v20  }
0x444: {  	v20 =	vld [tilespmem:s9+$0xFFFFFFB0];
	_ =	sdelay $0x1  }
0x445: {  	v19 =	vadd.s32 v4, v19;
	_ =	sdelay $0x1  }
0x446: {  	s22 =	sadd.s32 $0x2, s11  }
0x447: {  	v21 =	vmov s22;
	v20 =	vadd.f32 v20, v18  }
0x448: {  	v21 =	vshrl.u32 v21, $0x3  }
0x449: {  	[tilespmem:v19+s29+$0x0] =	vst.idx.msk $0xffff, v20;
	v19 =	vshll.u32 v21, v1  }
0x44a: {  	v20 =	vld [tilespmem:s9+$0xFFFFFFC0];
	v19 =	vbroadcast v19, $0x0;
	_ =	sdelay $0x1  }
0x44b: {  	v21 =	vadd.s32 v5, v19;
	_ =	sdelay $0x2  }
0x44c: {  	v20 =	vadd.f32 v20, v17;
	_ =	sdelay $0x1  }
0x44d: {  	[tilespmem:v21+s29+$0x0] =	vst.idx.msk $0xffff, v20  }
0x44e: {  	v20 =	vld [tilespmem:s9+$0xFFFFFFD0];
	_ =	sdelay $0x1  }
0x44f: {  	v19 =	vadd.s32 v6, v19;
	_ =	sdelay $0x1  }
0x450: {  	s22 =	sadd.s32 $0x3, s11  }
0x451: {  	v21 =	vmov s22;
	v20 =	vadd.f32 v20, v18  }
0x452: {  	v21 =	vshrl.u32 v21, $0x3  }
0x453: {  	[tilespmem:v19+s29+$0x0] =	vst.idx.msk $0xffff, v20;
	v19 =	vshll.u32 v21, v1  }
0x454: {  	v20 =	vld [tilespmem:s9+$0xFFFFFFE0];
	v19 =	vbroadcast v19, $0x0;
	_ =	sdelay $0x1  }
0x455: {  	v21 =	vadd.s32 v7, v19;
	_ =	sdelay $0x2  }
0x456: {  	v20 =	vadd.f32 v20, v17;
	_ =	sdelay $0x1  }
0x457: {  	[tilespmem:v21+s29+$0x0] =	vst.idx.msk $0xffff, v20  }
0x458: {  	v20 =	vld [tilespmem:s9+$0xFFFFFFF0];
	_ =	sdelay $0x1  }
0x459: {  	v19 =	vadd.s32 v8, v19;
	_ =	sdelay $0x1  }
0x45a: {  	s22 =	sadd.s32 $0x4, s11  }
0x45b: {  	v21 =	vmov s22;
	v20 =	vadd.f32 v20, v18  }
0x45c: {  	v21 =	vshrl.u32 v21, $0x3  }
0x45d: {  	[tilespmem:v19+s29+$0x0] =	vst.idx.msk $0xffff, v20;
	v19 =	vshll.u32 v21, v1  }
0x45e: {  	v20 =	vld [tilespmem:s9+$0x0];
	v19 =	vbroadcast v19, $0x0;
	_ =	sdelay $0x1  }
0x45f: {  	v21 =	vadd.s32 v9, v19;
	_ =	sdelay $0x2  }
0x460: {  	v20 =	vadd.f32 v20, v17;
	_ =	sdelay $0x1  }
0x461: {  	[tilespmem:v21+s29+$0x0] =	vst.idx.msk $0xffff, v20  }
0x462: {  	v20 =	vld [tilespmem:s9+$0x10];
	_ =	sdelay $0x1  }
0x463: {  	v19 =	vadd.s32 v10, v19;
	_ =	sdelay $0x1  }
0x464: {  	s22 =	sadd.s32 $0x5, s11  }
0x465: {  	v21 =	vmov s22;
	v20 =	vadd.f32 v20, v18  }
0x466: {  	v21 =	vshrl.u32 v21, $0x3  }
0x467: {  	[tilespmem:v19+s29+$0x0] =	vst.idx.msk $0xffff, v20;
	v19 =	vshll.u32 v21, v1  }
0x468: {  	v20 =	vld [tilespmem:s9+$0x20];
	v19 =	vbroadcast v19, $0x0;
	_ =	sdelay $0x1  }
0x469: {  	v21 =	vadd.s32 v11, v19;
	_ =	sdelay $0x2  }
0x46a: {  	v20 =	vadd.f32 v20, v17;
	_ =	sdelay $0x1  }
0x46b: {  	[tilespmem:v21+s29+$0x0] =	vst.idx.msk $0xffff, v20  }
0x46c: {  	v20 =	vld [tilespmem:s9+$0x30];
	_ =	sdelay $0x1  }
0x46d: {  	v19 =	vadd.s32 v12, v19;
	_ =	sdelay $0x1  }
0x46e: {  	s22 =	sadd.s32 $0x6, s11  }
0x46f: {  	v21 =	vmov s22;
	v20 =	vadd.f32 v20, v18  }
0x470: {  	v21 =	vshrl.u32 v21, $0x3  }
0x471: {  	[tilespmem:v19+s29+$0x0] =	vst.idx.msk $0xffff, v20;
	v19 =	vshll.u32 v21, v1  }
0x472: {  	v20 =	vld [tilespmem:s9+$0x40];
	v19 =	vbroadcast v19, $0x0;
	_ =	sdelay $0x1  }
0x473: {  	v21 =	vadd.s32 v13, v19;
	_ =	sdelay $0x2  }
0x474: {  	v20 =	vadd.f32 v20, v17;
	_ =	sdelay $0x1  }
0x475: {  	[tilespmem:v21+s29+$0x0] =	vst.idx.msk $0xffff, v20  }
0x476: {  	v20 =	vld [tilespmem:s9+$0x50];
	_ =	sdelay $0x1  }
0x477: {  	v19 =	vadd.s32 v14, v19;
	_ =	sdelay $0x1  }
0x478: {  	s22 =	sadd.s32 $0x7, s11;
	s11 =	smov.u32 s21  }
0x479: {  	v21 =	vmov s22;
	v20 =	vadd.f32 v20, v18  }
0x47a: {  	v21 =	vshrl.u32 v21, $0x3  }
0x47b: {  	[tilespmem:v19+s29+$0x0] =	vst.idx.msk $0xffff, v20;
	v19 =	vshll.u32 v21, v1  }
0x47c: {  	v20 =	vld [tilespmem:s9+$0x60];
	v19 =	vbroadcast v19, $0x0;
	_ =	sdelay $0x1  }
0x47d: {  	v21 =	vadd.s32 v15, v19;
	_ =	sdelay $0x2  }
0x47e: {  	v20 =	vadd.f32 v20, v17;
	_ =	sdelay $0x1  }
0x47f: {  	[tilespmem:v21+s29+$0x0] =	vst.idx.msk $0xffff, v20  }
0x480: {  	v20 =	vld [tilespmem:s9+$0x70];
	_ =	sdelay $0x1  }
.Ltmp5:
0x481: {  	v19 =	vadd.s32 v16, v19;
	(pc) =	sbr.rel @p1 .LBB2_9-.Ltmp5, $3  }
0x482: {  	_ =	sdelay $0x1  }
0x483: {  	v21 =	vmov s11;
	v20 =	vadd.f32 v20, v18  }
0x484: {  	v21 =	vshrl.u32 v21, $0x3  }
0x485: {  	_ =	sdelay $0x3  }
0x486: {  	v21 =	vshll.u32 v21, v1;
	[tilespmem:v19+s29+$0x0] =	vst.idx.msk $0xffff, v20;
	s9 =	sadd.s32 $0x100, s9  }
0x487: {  	v19 =	vld [tilespmem:s9+$0xFFFFFF80];
	v49 =	vbroadcast v21, $0x0;
	_ =	sdelay $0x1  }
0x488: {  	v21 =	vadd.s32 v0, v49;
	_ =	sdelay $0x2  }
0x489: {  	v19 =	vadd.f32 v19, v17;
	_ =	sdelay $0x1  }
0x48a: {  	[tilespmem:v21+s29+$0x0] =	vst.idx.msk $0xffff, v19  }
0x48b: {  	v19 =	vld [tilespmem:s9+$0xFFFFFF90];
	_ =	sdelay $0x1  }
0x48c: {  	v20 =	vadd.s32 v2, v49;
	_ =	sdelay $0x1  }
0x48d: {  	s18 =	sadd.s32 $0x1, s11  }
0x48e: {  	v50 =	vmov s18;
	v19 =	vadd.f32 v19, v18  }
0x48f: {  	v21 =	vshrl.u32 v50, $0x3  }
0x490: {  	[tilespmem:v20+s29+$0x0] =	vst.idx.msk $0xffff, v19;
	v19 =	vshll.u32 v21, v1  }
0x491: {  	v20 =	vld [tilespmem:s9+$0xFFFFFFA0];
	v19 =	vbroadcast v19, $0x0;
	_ =	sdelay $0x1  }
0x492: {  	v51 =	vadd.s32 v3, v19;
	_ =	sdelay $0x2  }
0x493: {  	v20 =	vadd.f32 v20, v17;
	_ =	sdelay $0x1  }
0x494: {  	[tilespmem:v51+s29+$0x0] =	vst.idx.msk $0xffff, v20  }
0x495: {  	v20 =	vld [tilespmem:s9+$0xFFFFFFB0];
	_ =	sdelay $0x1  }
0x496: {  	v19 =	vadd.s32 v4, v19;
	_ =	sdelay $0x1  }
0x497: {  	s21 =	sadd.s32 $0x2, s11  }
0x498: {  	v52 =	vmov s21;
	v20 =	vadd.f32 v20, v18  }
0x499: {  	v21 =	vshrl.u32 v52, $0x3  }
0x49a: {  	[tilespmem:v19+s29+$0x0] =	vst.idx.msk $0xffff, v20;
	v19 =	vshll.u32 v21, v1  }
0x49b: {  	v20 =	vld [tilespmem:s9+$0xFFFFFFC0];
	v19 =	vbroadcast v19, $0x0;
	_ =	sdelay $0x1  }
0x49c: {  	v53 =	vadd.s32 v5, v19;
	_ =	sdelay $0x2  }
0x49d: {  	v20 =	vadd.f32 v20, v17;
	_ =	sdelay $0x1  }
0x49e: {  	[tilespmem:v53+s29+$0x0] =	vst.idx.msk $0xffff, v20  }
0x49f: {  	v20 =	vld [tilespmem:s9+$0xFFFFFFD0];
	_ =	sdelay $0x1  }
0x4a0: {  	v19 =	vadd.s32 v6, v19;
	_ =	sdelay $0x1  }
0x4a1: {  	s22 =	sadd.s32 $0x3, s11  }
0x4a2: {  	v54 =	vmov s22;
	v20 =	vadd.f32 v20, v18  }
0x4a3: {  	v21 =	vshrl.u32 v54, $0x3  }
0x4a4: {  	[tilespmem:v19+s29+$0x0] =	vst.idx.msk $0xffff, v20;
	v19 =	vshll.u32 v21, v1  }
0x4a5: {  	v20 =	vld [tilespmem:s9+$0xFFFFFFE0];
	v19 =	vbroadcast v19, $0x0;
	_ =	sdelay $0x1  }
0x4a6: {  	v55 =	vadd.s32 v7, v19;
	_ =	sdelay $0x2  }
0x4a7: {  	v20 =	vadd.f32 v20, v17;
	_ =	sdelay $0x1  }
0x4a8: {  	[tilespmem:v55+s29+$0x0] =	vst.idx.msk $0xffff, v20  }
0x4a9: {  	v20 =	vld [tilespmem:s9+$0xFFFFFFF0];
	_ =	sdelay $0x1  }
0x4aa: {  	v19 =	vadd.s32 v8, v19;
	_ =	sdelay $0x1  }
0x4ab: {  	s21 =	sadd.s32 $0x4, s11  }
0x4ac: {  	v56 =	vmov s21;
	v20 =	vadd.f32 v20, v18  }
0x4ad: {  	v21 =	vshrl.u32 v56, $0x3  }
0x4ae: {  	[tilespmem:v19+s29+$0x0] =	vst.idx.msk $0xffff, v20;
	v19 =	vshll.u32 v21, v1  }
0x4af: {  	v20 =	vld [tilespmem:s9+$0x0];
	v19 =	vbroadcast v19, $0x0;
	_ =	sdelay $0x1  }
0x4b0: {  	v57 =	vadd.s32 v9, v19;
	_ =	sdelay $0x2  }
0x4b1: {  	v20 =	vadd.f32 v20, v17;
	_ =	sdelay $0x1  }
0x4b2: {  	[tilespmem:v57+s29+$0x0] =	vst.idx.msk $0xffff, v20  }
0x4b3: {  	v20 =	vld [tilespmem:s9+$0x10];
	_ =	sdelay $0x1  }
0x4b4: {  	v19 =	vadd.s32 v10, v19;
	_ =	sdelay $0x1  }
0x4b5: {  	s22 =	sadd.s32 $0x5, s11  }
0x4b6: {  	v58 =	vmov s22;
	v20 =	vadd.f32 v20, v18  }
0x4b7: {  	v21 =	vshrl.u32 v58, $0x3  }
0x4b8: {  	[tilespmem:v19+s29+$0x0] =	vst.idx.msk $0xffff, v20;
	v19 =	vshll.u32 v21, v1  }
0x4b9: {  	v20 =	vld [tilespmem:s9+$0x20];
	v19 =	vbroadcast v19, $0x0;
	_ =	sdelay $0x1  }
0x4ba: {  	v59 =	vadd.s32 v11, v19;
	_ =	sdelay $0x2  }
0x4bb: {  	v20 =	vadd.f32 v20, v17;
	_ =	sdelay $0x1  }
0x4bc: {  	[tilespmem:v59+s29+$0x0] =	vst.idx.msk $0xffff, v20  }
0x4bd: {  	v20 =	vld [tilespmem:s9+$0x30];
	_ =	sdelay $0x1  }
0x4be: {  	v19 =	vadd.s32 v12, v19;
	_ =	sdelay $0x1  }
0x4bf: {  	s21 =	sadd.s32 $0x6, s11  }
0x4c0: {  	v60 =	vmov s21;
	v20 =	vadd.f32 v20, v18  }
0x4c1: {  	v21 =	vshrl.u32 v60, $0x3  }
0x4c2: {  	[tilespmem:v19+s29+$0x0] =	vst.idx.msk $0xffff, v20;
	v19 =	vshll.u32 v21, v1  }
0x4c3: {  	v20 =	vld [tilespmem:s9+$0x40];
	v19 =	vbroadcast v19, $0x0;
	_ =	sdelay $0x1  }
0x4c4: {  	v61 =	vadd.s32 v13, v19;
	_ =	sdelay $0x2  }
0x4c5: {  	v20 =	vadd.f32 v20, v17;
	_ =	sdelay $0x1  }
0x4c6: {  	[tilespmem:v61+s29+$0x0] =	vst.idx.msk $0xffff, v20  }
0x4c7: {  	v20 =	vld [tilespmem:s9+$0x50];
	_ =	sdelay $0x1  }
0x4c8: {  	v19 =	vadd.s32 v14, v19;
	_ =	sdelay $0x1  }
0x4c9: {  	s22 =	sadd.s32 $0x7, s11  }
0x4ca: {  	v62 =	vmov s22;
	v20 =	vadd.f32 v20, v18  }
0x4cb: {  	v21 =	vshrl.u32 v62, $0x3  }
0x4cc: {  	[tilespmem:v19+s29+$0x0] =	vst.idx.msk $0xffff, v20;
	v19 =	vshll.u32 v21, v1  }
0x4cd: {  	v20 =	vld [tilespmem:s9+$0x60];
	v19 =	vbroadcast v19, $0x0;
	_ =	sdelay $0x1  }
0x4ce: {  	v63 =	vadd.s32 v15, v19;
	_ =	sdelay $0x2  }
0x4cf: {  	v17 =	vadd.f32 v20, v17;
	_ =	sdelay $0x1  }
0x4d0: {  	[tilespmem:v63+s29+$0x0] =	vst.idx.msk $0xffff, v17  }
0x4d1: {  	v17 =	vld [tilespmem:s9+$0x70];
	_ =	sdelay $0x1  }
0x4d2: {  	v19 =	vadd.s32 v16, v19;
	_ =	sdelay $0x1  }
0x4d3: {  	s8 =	sshll.u32 s8, $0x11  }
0x4d4: {  	s8 =	sor.u32 s7, s8;
	v17 =	vadd.f32 v17, v18  }
0x4d5: {  	s8 =	sshrl.u32 s8, $0x3  }
0x4d6: {  	s8 =	sadd.s32 s2, s8;
	[tilespmem:v19+s29+$0x0] =	vst.idx.msk $0xffff, v17  }
0x4d7: {  	[hbm4b:s8+s3] =	stream.linear.scatter [tilespmem:s29], [sflag:$0x6], $0x80, $0x38;
	[tilespmem:$0xDF00] =	vst v63  }
0x4d8: {  	s18 =	simm.s32 $0xCE88;
	s11 =	sadd.s32 $0x10, s8  }
0x4d9: {  	[hbm4b:s11+s3] =	stream.linear.scatter [tilespmem:s18], [sflag:$0x6], $0x80, $0x38;
	[tilespmem:$0xDF00] =	vst v63  }
0x4da: {  	s22 =	simm.s32 $0xCF10;
	s21 =	sadd.s32 $0x20, s8  }
0x4db: {  	[hbm4b:s21+s3] =	stream.linear.scatter [tilespmem:s22], [sflag:$0x6], $0x80, $0x38;
	[tilespmem:$0xDF00] =	vst v63  }
0x4dc: {  	s11 =	sadd.s32 $0x30, s8;
	s18 =	simm.s32 $0xCF98  }
0x4dd: {  	[hbm4b:s11+s3] =	stream.linear.scatter [tilespmem:s18], [sflag:$0x6], $0x80, $0x38;
	[tilespmem:$0xDF00] =	vst v63  }
0x4de: {  	s21 =	sadd.s32 $0x40, s8;
	s22 =	simm.s32 $0xD020  }
0x4df: {  	[hbm4b:s21+s3] =	stream.linear.scatter [tilespmem:s22], [sflag:$0x6], $0x80, $0x38;
	[tilespmem:$0xDF00] =	vst v63  }
0x4e0: {  	s11 =	sadd.s32 $0x50, s8;
	s18 =	simm.s32 $0xD0A8  }
0x4e1: {  	[hbm4b:s11+s3] =	stream.linear.scatter [tilespmem:s18], [sflag:$0x6], $0x80, $0x38;
	[tilespmem:$0xDF00] =	vst v63  }
0x4e2: {  	s21 =	sadd.s32 $0x60, s8;
	s22 =	simm.s32 $0xD130  }
0x4e3: {  	[hbm4b:s21+s3] =	stream.linear.scatter [tilespmem:s22], [sflag:$0x6], $0x80, $0x38;
	[tilespmem:$0xDF00] =	vst v63  }
0x4e4: {  	s11 =	sadd.s32 $0x70, s8;
	s18 =	simm.s32 $0xD1B8  }
0x4e5: {  	[hbm4b:s11+s3] =	stream.linear.scatter [tilespmem:s18], [sflag:$0x6], $0x80, $0x38;
	[tilespmem:$0xDF00] =	vst v63  }
0x4e6: {  	s21 =	sadd.s32 $0x1000, s8;
	s22 =	simm.s32 $0xD240  }
0x4e7: {  	[hbm4b:s21+s3] =	stream.linear.scatter [tilespmem:s22], [sflag:$0x6], $0x80, $0x38;
	[tilespmem:$0xDF00] =	vst v63  }
0x4e8: {  	s11 =	sadd.s32 $0x1010, s8;
	s18 =	simm.s32 $0xD2C8  }
0x4e9: {  	[hbm4b:s11+s3] =	stream.linear.scatter [tilespmem:s18], [sflag:$0x6], $0x80, $0x38;
	[tilespmem:$0xDF00] =	vst v63  }
0x4ea: {  	s21 =	sadd.s32 $0x1020, s8;
	s22 =	simm.s32 $0xD350  }
0x4eb: {  	[hbm4b:s21+s3] =	stream.linear.scatter [tilespmem:s22], [sflag:$0x6], $0x80, $0x38;
	[tilespmem:$0xDF00] =	vst v63  }
0x4ec: {  	s11 =	sadd.s32 $0x1030, s8;
	s18 =	simm.s32 $0xD3D8  }
0x4ed: {  	[hbm4b:s11+s3] =	stream.linear.scatter [tilespmem:s18], [sflag:$0x6], $0x80, $0x38;
	[tilespmem:$0xDF00] =	vst v63  }
0x4ee: {  	s21 =	sadd.s32 $0x1040, s8;
	s22 =	simm.s32 $0xD460  }
0x4ef: {  	[hbm4b:s21+s3] =	stream.linear.scatter [tilespmem:s22], [sflag:$0x6], $0x80, $0x38;
	[tilespmem:$0xDF00] =	vst v63  }
0x4f0: {  	s11 =	sadd.s32 $0x1050, s8;
	s18 =	simm.s32 $0xD4E8  }
0x4f1: {  	[hbm4b:s11+s3] =	stream.linear.scatter [tilespmem:s18], [sflag:$0x6], $0x80, $0x38;
	[tilespmem:$0xDF00] =	vst v63  }
0x4f2: {  	s21 =	sadd.s32 $0x1060, s8;
	s22 =	simm.s32 $0xD570  }
0x4f3: {  	[hbm4b:s21+s3] =	stream.linear.scatter [tilespmem:s22], [sflag:$0x6], $0x80, $0x38;
	[tilespmem:$0xDF00] =	vst v63  }
0x4f4: {  	s11 =	sadd.s32 $0x1070, s8;
	s18 =	simm.s32 $0xD5F8  }
0x4f5: {  	[hbm4b:s11+s3] =	stream.linear.scatter [tilespmem:s18], [sflag:$0x6], $0x80, $0x38;
	[tilespmem:$0xDF00] =	vst v63  }
0x4f6: {  	s21 =	sadd.s32 $0x2000, s8;
	s22 =	simm.s32 $0xD680  }
0x4f7: {  	[hbm4b:s21+s3] =	stream.linear.scatter [tilespmem:s22], [sflag:$0x6], $0x80, $0x38;
	[tilespmem:$0xDF00] =	vst v63  }
0x4f8: {  	s11 =	sadd.s32 $0x2010, s8;
	s18 =	simm.s32 $0xD708  }
0x4f9: {  	[hbm4b:s11+s3] =	stream.linear.scatter [tilespmem:s18], [sflag:$0x6], $0x80, $0x38;
	[tilespmem:$0xDF00] =	vst v63  }
0x4fa: {  	s21 =	sadd.s32 $0x2020, s8;
	s22 =	simm.s32 $0xD790  }
0x4fb: {  	[hbm4b:s21+s3] =	stream.linear.scatter [tilespmem:s22], [sflag:$0x6], $0x80, $0x38;
	[tilespmem:$0xDF00] =	vst v63  }
0x4fc: {  	s11 =	sadd.s32 $0x2030, s8;
	s18 =	simm.s32 $0xD818  }
0x4fd: {  	[hbm4b:s11+s3] =	stream.linear.scatter [tilespmem:s18], [sflag:$0x6], $0x80, $0x38;
	[tilespmem:$0xDF00] =	vst v63  }
0x4fe: {  	s21 =	sadd.s32 $0x2040, s8;
	s22 =	simm.s32 $0xD8A0  }
0x4ff: {  	[hbm4b:s21+s3] =	stream.linear.scatter [tilespmem:s22], [sflag:$0x6], $0x80, $0x38;
	[tilespmem:$0xDF00] =	vst v63  }
0x500: {  	s18 =	sadd.s32 $0x2050, s8;
	s21 =	simm.s32 $0xD928  }
0x501: {  	[hbm4b:s18+s3] =	stream.linear.scatter [tilespmem:s21], [sflag:$0x6], $0x80, $0x38;
	[tilespmem:$0xDF00] =	vst v63  }
0x502: {  	s22 =	sadd.s32 $0x2060, s8  }
0x503: {  	[hbm4b:s22+s3] =	stream.linear.scatter [tilespmem:s25], [sflag:$0x6], $0x80, $0x38;
	[tilespmem:$0xDF00] =	vst v63  }
0x504: {  	s11 =	sadd.s32 $0x2070, s8  }
0x505: {  	[hbm4b:s11+s3] =	stream.linear.scatter [tilespmem:s26], [sflag:$0x6], $0x80, $0x38;
	[tilespmem:$0xDF00] =	vst v63  }
0x506: {  	s18 =	sadd.s32 $0x3000, s8  }
0x507: {  	[hbm4b:s18+s3] =	stream.linear.scatter [tilespmem:s30], [sflag:$0x6], $0x80, $0x38;
	[tilespmem:$0xDF00] =	vst v63  }
0x508: {  	s21 =	sadd.s32 $0x3010, s8  }
0x509: {  	[hbm4b:s21+s3] =	stream.linear.scatter [tilespmem:s31], [sflag:$0x6], $0x80, $0x38;
	[tilespmem:$0xDF00] =	vst v63  }
0x50a: {  	s22 =	sadd.s32 $0x3020, s8  }
0x50b: {  	[hbm4b:s22+s3] =	stream.linear.scatter [tilespmem:s1], [sflag:$0x6], $0x80, $0x38;
	[tilespmem:$0xDF00] =	vst v63  }
0x50c: {  	s11 =	sadd.s32 $0x3030, s8  }
0x50d: {  	[hbm4b:s11+s3] =	stream.linear.scatter [tilespmem:s0], [sflag:$0x6], $0x80, $0x38;
	[tilespmem:$0xDF00] =	vst v63  }
0x50e: {  	s18 =	sadd.s32 $0x3040, s8  }
0x50f: {  	[hbm4b:s18+s3] =	stream.linear.scatter [tilespmem:s10], [sflag:$0x6], $0x80, $0x38;
	[tilespmem:$0xDF00] =	vst v63  }
0x510: {  	s21 =	sadd.s32 $0x3050, s8  }
0x511: {  	[hbm4b:s21+s3] =	stream.linear.scatter [tilespmem:s12], [sflag:$0x6], $0x80, $0x38;
	[tilespmem:$0xDF00] =	vst v63  }
.Ltmp6:
0x512: {  	_ = 	snop;
	(pc) =	sbr.rel @p0 .LBB2_12-.Ltmp6, $4  }
0x513: {  	s22 =	sadd.s32 $0x3060, s8  }
0x514: {  	[hbm4b:s22+s3] =	stream.linear.scatter [tilespmem:s13], [sflag:$0x6], $0x80, $0x38;
	[tilespmem:$0xDF00] =	vst v63  }
0x515: {  	s8 =	sadd.s32 $0x3070, s8  }
0x516: {  	[hbm4b:s8+s3] =	stream.linear.scatter [tilespmem:s14], [sflag:$0x6], $0x80, $0x38;
	[tilespmem:$0xDF00] =	vst v63  }
.Ltmp7:
0x517: {  	(pc) =	sbr.rel .LBB2_2-.Ltmp7, $4  }
0x518: {  	s8 =	sshll.u32 s6, $0x9  }
0x519: {  	s9 =	simm.s32 $0x80;
	s8 =	sand.u32 $0x3FFFFE00, s8  }
0x51a: {  	s11 =	simm.s32 $0xAD00;
	s6 =	sadd.s32 $0x1, s6;
	s8 =	sadd.s32 $0x380, s8  }
0x51b: {  	[tilespmem:s11], [sflag:$0x4] =	stream.indirect.gather [hbm4b:s4+s9], $0x20, s8, s9, $0xb8;
	[tilespmem:$0xDF00] =	vst v63  }
.LBB2_13:
0x51c: {  	_ =	sfence.sel $0x180000  }
0x51d: {  	[bflag:$0x0] =	sbarrier.arrive $0xFFFF  }
0x51e: {  	_ =	strace $0x90000047  }
0x51f: {  	s0 =	stileid.u32;
	[bflag:$0x2] =	sbarrier.arrive $0xFFFF  }
0x520: {  	p0 =	sne.s32 s0, $0x0;
	s0 =	rddreg [dreg:$0x2]  }
0x521: {  	s0 =	sadd.s32 @!p0 $0x100000, s0  }
0x522: {  	[sflag:s0] =	ssyncadd.tile.s32 @!p0 $0x1;
	_ =	shalt  }
.Lfunc_end2:
_tile_overlayer_lowered:
.L_overlay_start_2:
0x523: {  	(tag) =	ssettag $0x2  }
0x524: {  	s0 =	rddreg [dreg:$0x0];
	s2 =	stileid.u32  }
0x525: {  	s1 =	rddreg [dreg:$0x1];
	p0 =	sne.s32 s2, $0x0  }
0x526: {  	s3 =	rddreg [dreg:$0x2];
	[bflag:$0x3] =	sbarrier.arrive $0xFFFF;
	s2 =	simm.s32 @!p0 $0x1C07  }
0x527: {  	[timem:s3], [sflag:s2] =	dma.local @!p0 [hbm:s0], s1  }
0x528: {  	s0 =	simm.s32 @!p0 $0x7  }
0x529: {  	_ =	swait.ge @!p0 [sflag:s0], s1  }
0x52a: {  	s1 =	ssub.s32 @!p0 $0x0, s1;
	[sflag:s0] =	ssyncset.done @!p0 $0x0  }
0x52b: {  	[sflag:s0] =	ssyncadd.s32 @!p0 s1  }
0x52c: {  	[bflag:$0x3] =	sbarrier.arrive $0xFFFF  }
0x52d: {  	_ =	shalt  }

</sc_bundles>
